<compile_context>
chip_gen: v7x
topology: tpu7x:2x2x1
jax: 0.10.2.dev20260603
libtpu: 0.0.44.dev20260713+nightly
codegen_flags: <defaults>
</compile_context>

<pallas_src>
import functools

import jax
import jax.numpy as jnp
from jax import lax
from jax.experimental import pallas as pl
from jax.experimental.pallas import tpu as pltpu
from jax.experimental.pallas import tpu_sc as plsc

N_NODES = 10000
D = 128
DH = D // 2
NC, NS = 2, 16
NW = NC * NS
N_PAD = 10240
CH = 128
NCHUNK = 160
EPT = CH * NCHUNK
E_PAD = EPT * NS
DEG_NCHUNK = E_PAD // (NW * CH)
ROWS_PER_SUB = N_PAD // NS

_mesh = plsc.VectorSubcoreMesh(
    core_axis_name="c", subcore_axis_name="s", num_cores=NC, num_subcores=NS
)
_sc_params = pltpu.CompilerParams(use_tc_tiling_on_sc=False)


@functools.partial(
    pl.kernel,
    out_type=jax.ShapeDtypeStruct((N_PAD, D), jnp.float32),
    mesh=_mesh,
    compiler_params=_sc_params,
    scratch_types=[
        pltpu.VMEM((DEG_NCHUNK, CH), jnp.int32),
        pltpu.VMEM((CH, 16), jnp.float32),
        pltpu.VMEM_SHARED((N_PAD, 16), jnp.float32),
        pltpu.SemaphoreType.DMA,
    ],
)
def _deg_kernel(ei_hbm, ones_hbm, zeros_hbm, out_hbm, dst_v, ones_v, acc, sem_d):
    c = lax.axis_index("c")
    s = lax.axis_index("s")
    wid = c * NS + s
    row0 = s * ROWS_PER_SUB
    cz = pltpu.async_copy(zeros_hbm.at[pl.ds(row0, ROWS_PER_SUB)],
                          acc.at[pl.ds(row0, ROWS_PER_SUB)], sem_d)
    ci = pltpu.async_copy(ei_hbm.at[1, wid], dst_v, sem_d)
    co = pltpu.async_copy(ones_hbm, ones_v, sem_d)
    cz.wait()
    ci.wait()
    co.wait()
    plsc.subcore_barrier()

    def body(j, carry):
        pltpu.sync_copy(ones_v, acc.at[dst_v.at[j]], add=True)
        return carry

    lax.fori_loop(0, DEG_NCHUNK, body, 0)
    plsc.subcore_barrier()
    pltpu.sync_copy(acc.at[pl.ds(row0, ROWS_PER_SUB)],
                    out_hbm.at[pl.ds(row0, ROWS_PER_SUB), pl.ds(c * 16, 16)])


@functools.partial(
    pl.kernel,
    out_type=jax.ShapeDtypeStruct((N_PAD, D), jnp.float32),
    mesh=_mesh,
    compiler_params=_sc_params,
    scratch_types=[
        pltpu.VMEM((EPT,), jnp.int32),
        pltpu.VMEM((NCHUNK, CH), jnp.int32),
        pltpu.VMEM((CH, DH), jnp.float32),
        pltpu.VMEM((CH, DH), jnp.float32),
        pltpu.VMEM((CH, DH), jnp.float32),
        pltpu.VMEM((CH, DH), jnp.float32),
        pltpu.VMEM_SHARED((N_PAD, DH), jnp.float32),
        pltpu.SemaphoreType.DMA,
        pltpu.SemaphoreType.DMA,
    ],
)
def _agg_kernel(y2_hbm, src2_hbm, ei_hbm, zeros_hbm, out_hbm,
                src_v, dst_v, a0, a1, b0, b1, acc, sem_g, sem_s):
    c = lax.axis_index("c")
    s = lax.axis_index("s")
    row0 = s * ROWS_PER_SUB
    cz = pltpu.async_copy(zeros_hbm.at[pl.ds(row0, ROWS_PER_SUB)],
                          acc.at[pl.ds(row0, ROWS_PER_SUB)], sem_s)
    ci = pltpu.async_copy(src2_hbm.at[0, s], src_v, sem_g)
    cd = pltpu.async_copy(ei_hbm.at[1, s], dst_v, sem_g)
    ci.wait()

    def fix(i, carry):
        for k in range(8):
            sl = pl.ds(i * CH + 16 * k, 16)
            src_v[sl] = src_v[sl] + c
        return carry

    lax.fori_loop(0, NCHUNK, fix, 0)
    cd.wait()
    cz.wait()
    plsc.subcore_barrier()

    def gat(j, buf):
        return pltpu.async_copy(y2_hbm.at[src_v.at[pl.ds(j * CH, CH)]], buf, sem_g)

    def gwait(j, buf):
        pltpu.make_async_copy(y2_hbm.at[src_v.at[pl.ds(j * CH, CH)]], buf,
                              sem_g).wait()

    def drain_scatter(j0, j1, r0, r1):
        d0 = pltpu.async_copy(r0, acc.at[dst_v.at[j0]], sem_s, add=True)
        d1 = pltpu.async_copy(r1, acc.at[dst_v.at[j1]], sem_s, add=True)
        d0.wait()
        d1.wait()

    gat(0, a0)
    gat(1, a1)

    def body(i, carry):
        j = 4 * i
        gat(j + 2, b0)
        gat(j + 3, b1)
        gwait(j, a0)
        gwait(j + 1, a1)
        drain_scatter(j, j + 1, a0, a1)
        gat(j + 4, a0)
        gat(j + 5, a1)
        gwait(j + 2, b0)
        gwait(j + 3, b1)
        drain_scatter(j + 2, j + 3, b0, b1)
        return carry

    lax.fori_loop(0, NCHUNK // 4 - 1, body, 0)
    j = NCHUNK - 4
    gat(j + 2, b0)
    gat(j + 3, b1)
    gwait(j, a0)
    gwait(j + 1, a1)
    drain_scatter(j, j + 1, a0, a1)
    gwait(j + 2, b0)
    gwait(j + 3, b1)
    drain_scatter(j + 2, j + 3, b0, b1)

    plsc.subcore_barrier()
    pltpu.sync_copy(acc.at[pl.ds(row0, ROWS_PER_SUB)],
                    out_hbm.at[pl.ds(row0, ROWS_PER_SUB), pl.ds(c * DH, DH)])


BLK = 1024
GRID = (N_PAD // BLK,)


def _stage0_body(deg, x, w, y, dis):
    d = deg[:, 0:1] + deg[:, 16:17] + 1.0
    r = lax.rsqrt(d)
    xw = jnp.dot(x[...], w[...], preferred_element_type=jnp.float32)
    y[...] = xw * r
    dis[...] = r


def _stage0(deg128, x, w):
    return pl.pallas_call(
        _stage0_body,
        grid=GRID,
        in_specs=[
            pl.BlockSpec((BLK, D), lambda i: (i, 0)),
            pl.BlockSpec((BLK, D), lambda i: (i, 0)),
            pl.BlockSpec((D, D), lambda i: (0, 0)),
        ],
        out_specs=[
            pl.BlockSpec((BLK, D), lambda i: (i, 0)),
            pl.BlockSpec((BLK, 1), lambda i: (i, 0)),
        ],
        out_shape=[
            jax.ShapeDtypeStruct((N_PAD, D), jnp.float32),
            jax.ShapeDtypeStruct((N_PAD, 1), jnp.float32),
        ],
    )(deg128, x, w)


def _stage_mid_body(agg, yp, dis, b, w, out):
    h = (agg[...] + yp[...]) * dis[...]
    h = jnp.maximum(h + b[...], 0.0)
    out[...] = jnp.dot(h, w[...], preferred_element_type=jnp.float32) * dis[...]


def _stage_mid(agg, y_prev, dis, b, w):
    return pl.pallas_call(
        _stage_mid_body,
        grid=GRID,
        in_specs=[
            pl.BlockSpec((BLK, D), lambda i: (i, 0)),
            pl.BlockSpec((BLK, D), lambda i: (i, 0)),
            pl.BlockSpec((BLK, 1), lambda i: (i, 0)),
            pl.BlockSpec((1, D), lambda i: (0, 0)),
            pl.BlockSpec((D, D), lambda i: (0, 0)),
        ],
        out_specs=pl.BlockSpec((BLK, D), lambda i: (i, 0)),
        out_shape=jax.ShapeDtypeStruct((N_PAD, D), jnp.float32),
    )(agg, y_prev, dis, b.reshape(1, D), w)


BLK_LAST = 1000


def _stage_last_body(agg, yp, dis, b, out):
    out[...] = (agg[...] + yp[...]) * dis[...] + b[...]


def _stage_last(agg, y_prev, dis, b):
    return pl.pallas_call(
        _stage_last_body,
        grid=(N_NODES // BLK_LAST,),
        in_specs=[
            pl.BlockSpec((BLK_LAST, D), lambda i: (i, 0)),
            pl.BlockSpec((BLK_LAST, D), lambda i: (i, 0)),
            pl.BlockSpec((BLK_LAST, 1), lambda i: (i, 0)),
            pl.BlockSpec((1, D), lambda i: (0, 0)),
        ],
        out_specs=pl.BlockSpec((BLK_LAST, D), lambda i: (i, 0)),
        out_shape=jax.ShapeDtypeStruct((N_NODES, D), jnp.float32),
    )(agg, y_prev, dis, b.reshape(1, D))


def kernel(x, edge_index, W1, b1, W2, b2, W3, b3):
    ei = edge_index.astype(jnp.int32)
    n_pad_edges = E_PAD - ei.shape[1]
    padi = N_NODES + (jnp.arange(n_pad_edges, dtype=jnp.int32) % (N_PAD - N_NODES))
    ei_pad = jnp.concatenate([ei, jnp.broadcast_to(padi, (2, n_pad_edges))], axis=1)
    ei2 = ei_pad + ei_pad
    src_flat = ei2.reshape(2, NS, EPT)
    ei_agg = ei_pad.reshape(2, NS, NCHUNK, CH)
    ei_deg = ei_pad.reshape(2, NW, DEG_NCHUNK, CH)

    x_pad = jnp.zeros((N_PAD, D), jnp.float32).at[:N_NODES].set(x)
    zeros_h = jnp.zeros((N_PAD, DH), jnp.float32)
    zeros_16 = jnp.zeros((N_PAD, 16), jnp.float32)
    ones_16 = jnp.ones((CH, 16), jnp.float32)

    def agg_of(y):
        return _agg_kernel(y.reshape(2 * N_PAD, DH), src_flat, ei_agg, zeros_h)

    deg128 = _deg_kernel(ei_deg, ones_16, zeros_16)
    y1, dis = _stage0(deg128, x_pad, W1)
    agg = agg_of(y1)
    y2 = _stage_mid(agg, y1, dis, b1, W2)
    agg = agg_of(y2)
    y3 = _stage_mid(agg, y2, dis, b2, W3)
    agg = agg_of(y3)
    return _stage_last(agg, y3, dis, b3)

# --- scband reference (transcript-rebuilt; emitter-appended) ---
"""Pipeline reference for scband-gcn-3-38963943309622 (READ-ONLY COPY).

The authoritative reference and input builder live on the scoring server;
editing this copy changes nothing except your own understanding.
"""

import jax, jax.numpy as jnp
import numpy as np

N_NODES = 10000
N_EDGES = 320000
D_IN = 128
D_HID = 128
D_OUT = 128


def setup_inputs(seed: int = 0) -> dict:
    key = jax.random.key(seed)
    ks = jax.random.split(key, 8)
    x = jax.random.normal(ks[0], (N_NODES, D_IN), dtype=jnp.float32)
    edge_index = jax.random.randint(ks[1], (2, N_EDGES), 0, N_NODES, dtype=jnp.int64)
    s1 = 1.0 / np.sqrt(D_IN)
    s2 = 1.0 / np.sqrt(D_HID)
    W1 = jax.random.uniform(ks[2], (D_IN, D_HID), dtype=jnp.float32, minval=-s1, maxval=s1)
    b1 = jnp.zeros((D_HID,), dtype=jnp.float32)
    W2 = jax.random.uniform(ks[3], (D_HID, D_HID), dtype=jnp.float32, minval=-s2, maxval=s2)
    b2 = jnp.zeros((D_HID,), dtype=jnp.float32)
    W3 = jax.random.uniform(ks[4], (D_HID, D_OUT), dtype=jnp.float32, minval=-s2, maxval=s2)
    b3 = jnp.zeros((D_OUT,), dtype=jnp.float32)
    return {"x": x, "edge_index": edge_index, "W1": W1, "b1": b1, "W2": W2, "b2": b2, "W3": W3, "b3": b3}


def _gcn_conv(x, src, dst, W, b, n_nodes):
    # PyG GCNConv: add self-loops, symmetric normalization D^-1/2 (A+I) D^-1/2, linear, bias
    xw = x @ W
    deg = jnp.zeros((n_nodes,), dtype=jnp.float32).at[dst].add(1.0)
    deg_inv_sqrt = jnp.where(deg > 0, 1.0 / jnp.sqrt(deg), 0.0)
    norm = deg_inv_sqrt[src] * deg_inv_sqrt[dst]
    msgs = xw[src] * norm[:, None]
    out = jnp.zeros((n_nodes, xw.shape[1]), dtype=xw.dtype).at[dst].add(msgs)
    return out + b


def reference(x, edge_index, W1, b1, W2, b2, W3, b3):
    n = x.shape[0]
    sl = jnp.arange(n, dtype=edge_index.dtype)
    src = jnp.concatenate([edge_index[0], sl])
    dst = jnp.concatenate([edge_index[1], sl])
    # dropout is identity in eval mode
    h = jax.nn.relu(_gcn_conv(x, src, dst, W1, b1, n))
    h = jax.nn.relu(_gcn_conv(h, src, dst, W2, b2, n))
    out = _gcn_conv(h, src, dst, W3, b3, n)
    return out

if __name__ == "__main__":
    import jax
    _d = setup_inputs()
    print(jax.jit(kernel)(*tuple(_d.values())))

</pallas_src>

<mosaic_0001>
#map = affine_map<(d0, d1) -> (0, 0)>
#map1 = affine_map<(d0, d1) -> (0, 0, 0)>
#map2 = affine_map<(d0, d1) -> (0, 0, 0, 0)>
module attributes {stable_mosaic.version = 14 : i64} {
  func.func @_agg_kernel(%arg0: i32, %arg1: i32, %arg2: memref<20480x64xf32, #tpu.memory_space<hbm>>, %arg3: memref<2x16x20480xi32, #tpu.memory_space<hbm>>, %arg4: memref<2x16x160x128xi32, #tpu.memory_space<hbm>>, %arg5: memref<10240x64xf32, #tpu.memory_space<hbm>>, %arg6: memref<10240x128xf32, #tpu.memory_space<hbm>>, %arg7: memref<20480xi32, #tpu.memory_space<vmem>>, %arg8: memref<160x128xi32, #tpu.memory_space<vmem>>, %arg9: memref<128x64xf32, #tpu.memory_space<vmem>>, %arg10: memref<128x64xf32, #tpu.memory_space<vmem>>, %arg11: memref<128x64xf32, #tpu.memory_space<vmem>>, %arg12: memref<128x64xf32, #tpu.memory_space<vmem>>, %arg13: memref<10240x64xf32, #tpu.memory_space<vmem_shared>>, %arg14: memref<!tpu.dma_semaphore, #tpu.memory_space<semaphore_mem>>, %arg15: memref<!tpu.dma_semaphore, #tpu.memory_space<semaphore_mem>>) attributes {dimension_semantics = [#tpu.dimension_semantics<core_parallel>, #tpu.dimension_semantics<subcore_parallel>], iteration_bounds = array<i64: 2, 16>, scalar_prefetch = 0 : i64, scratch_operands = 9 : i64, tpu.core_type = #tpu.core_type<sc_vector_subcore>, window_params = [{transform_indices = #map}, {transform_indices = #map1}, {transform_indices = #map2}, {transform_indices = #map}, {transform_indices = #map}]} {
    %mul3A = arith.constant 640 : i32
    %mul3A_0 = arith.muli %arg1, %mul3A : i32
    %dma_start3A = arith.constant 0 : i32
    %dma_start3A_1 = tpu.memref_slice %arg13[%mul3A_0, %dma_start3A] : memref<10240x64xf32, #tpu.memory_space<vmem_shared>> -> memref<640x64xf32, #tpu.memory_space<vmem_shared>>
    %dma_start3A_2 = arith.constant 0 : i32
    %dma_start3A_3 = tpu.memref_slice %arg5[%mul3A_0, %dma_start3A_2] : memref<10240x64xf32, #tpu.memory_space<hbm>> -> memref<640x64xf32, #tpu.memory_space<hbm>>
    tpu.enqueue_dma source(%dma_start3A_3 : memref<640x64xf32, #tpu.memory_space<hbm>>) target(%dma_start3A_1 : memref<640x64xf32, #tpu.memory_space<vmem_shared>>) target_semaphore(%arg15 : memref<!tpu.dma_semaphore, #tpu.memory_space<semaphore_mem>>)
    %dma_start3A_4 = arith.constant 0 : i32
    %dma_start3A_5 = arith.constant 0 : i32
    %dma_start3A_6 = tpu.memref_slice %arg3[%dma_start3A_4, %arg1, %dma_start3A_5] : memref<2x16x20480xi32, #tpu.memory_space<hbm>> -> memref<1x1x20480xi32, #tpu.memory_space<hbm>>
    %dma_start3A_7 = tpu.memref_squeeze %dma_start3A_6 : memref<1x1x20480xi32, #tpu.memory_space<hbm>> -> memref<20480xi32, #tpu.memory_space<hbm>>
    %dma_start3A_8 = arith.constant 0 : i32
    %dma_start3A_9 = tpu.memref_slice %arg3[%dma_start3A_4, %arg1, %dma_start3A_8] : memref<2x16x20480xi32, #tpu.memory_space<hbm>> -> memref<1x1x20480xi32, #tpu.memory_space<hbm>>
    %dma_start3A_10 = tpu.memref_squeeze %dma_start3A_9 : memref<1x1x20480xi32, #tpu.memory_space<hbm>> -> memref<20480xi32, #tpu.memory_space<hbm>>
    tpu.enqueue_dma source(%dma_start3A_10 : memref<20480xi32, #tpu.memory_space<hbm>>) target(%arg7 : memref<20480xi32, #tpu.memory_space<vmem>>) target_semaphore(%arg14 : memref<!tpu.dma_semaphore, #tpu.memory_space<semaphore_mem>>)
    %dma_start3A_11 = arith.constant 1 : i32
    %dma_start3A_12 = arith.constant 0 : i32
    %dma_start3A_13 = arith.constant 0 : i32
    %dma_start3A_14 = tpu.memref_slice %arg4[%dma_start3A_11, %arg1, %dma_start3A_12, %dma_start3A_13] : memref<2x16x160x128xi32, #tpu.memory_space<hbm>> -> memref<1x1x160x128xi32, #tpu.memory_space<hbm>>
    %dma_start3A_15 = tpu.memref_squeeze %dma_start3A_14 : memref<1x1x160x128xi32, #tpu.memory_space<hbm>> -> memref<160x128xi32, #tpu.memory_space<hbm>>
    %dma_start3A_16 = arith.constant 0 : i32
    %dma_start3A_17 = arith.constant 0 : i32
    %dma_start3A_18 = tpu.memref_slice %arg4[%dma_start3A_11, %arg1, %dma_start3A_16, %dma_start3A_17] : memref<2x16x160x128xi32, #tpu.memory_space<hbm>> -> memref<1x1x160x128xi32, #tpu.memory_space<hbm>>
    %dma_start3A_19 = tpu.memref_squeeze %dma_start3A_18 : memref<1x1x160x128xi32, #tpu.memory_space<hbm>> -> memref<160x128xi32, #tpu.memory_space<hbm>>
    tpu.enqueue_dma source(%dma_start3A_19 : memref<160x128xi32, #tpu.memory_space<hbm>>) target(%arg8 : memref<160x128xi32, #tpu.memory_space<vmem>>) target_semaphore(%arg14 : memref<!tpu.dma_semaphore, #tpu.memory_space<semaphore_mem>>)
    %dma_wait3A = arith.constant 0 : i32
    %dma_wait3A_20 = arith.constant 0 : i32
    %dma_wait3A_21 = tpu.memref_slice %arg3[%dma_wait3A, %arg1, %dma_wait3A_20] : memref<2x16x20480xi32, #tpu.memory_space<hbm>> -> memref<1x1x20480xi32, #tpu.memory_space<hbm>>
    %dma_wait3A_22 = tpu.memref_squeeze %dma_wait3A_21 : memref<1x1x20480xi32, #tpu.memory_space<hbm>> -> memref<20480xi32, #tpu.memory_space<hbm>>
    %dma_wait3A_23 = arith.constant 0 : i32
    %dma_wait3A_24 = tpu.memref_slice %arg3[%dma_wait3A, %arg1, %dma_wait3A_23] : memref<2x16x20480xi32, #tpu.memory_space<hbm>> -> memref<1x1x20480xi32, #tpu.memory_space<hbm>>
    %dma_wait3A_25 = tpu.memref_squeeze %dma_wait3A_24 : memref<1x1x20480xi32, #tpu.memory_space<hbm>> -> memref<20480xi32, #tpu.memory_space<hbm>>
    tpu.wait_dma2 semaphore(%arg14 : memref<!tpu.dma_semaphore, #tpu.memory_space<semaphore_mem>>) src(%dma_wait3A_25 : memref<20480xi32, #tpu.memory_space<hbm>>) dst(%arg7 : memref<20480xi32, #tpu.memory_space<vmem>>)
    %scan3A = arith.constant 0 : i32
    %scan3A_26 = arith.constant 0 : i32
    %scan3A_27 = arith.constant 160 : i32
    %scan3A_28 = arith.addi %scan3A_26, %scan3A_27 : i32
    %scan3A_29 = arith.constant 1 : i32
    scf.for %scan3A_149 = %scan3A_26 to %scan3A_28 step %scan3A_29  : i32 {
      %mul3A_150 = arith.constant 128 : i32
      %mul3A_151 = arith.muli %scan3A_149, %mul3A_150 : i32
      %add3A = arith.constant 0 : i32
      %add3A_152 = arith.addi %mul3A_151, %add3A : i32
      %get3A = arith.index_cast %add3A_152 : i32 to index
      %get3A_153 = tpu.vector_load %arg7[%get3A] {strides = array<i32>} : memref<20480xi32, #tpu.memory_space<vmem>>, vector<16xi32>,
      %get3A_154 = vector.shape_cast %get3A_153 : vector<16xi32> to vector<16xi32>
      %add3A_155 = vector.broadcast %arg0 : i32 to vector<16xi32>
      %add3A_156 = arith.addi %get3A_154, %add3A_155 : vector<16xi32>
      %swap3A = arith.index_cast %add3A_152 : i32 to index
      %swap3A_157 = tpu.vector_load %arg7[%swap3A] {strides = array<i32>} : memref<20480xi32, #tpu.memory_space<vmem>>, vector<16xi32>,
      %swap3A_158 = vector.shape_cast %swap3A_157 : vector<16xi32> to vector<16xi32>
      %swap3A_159 = vector.shape_cast %add3A_156 : vector<16xi32> to vector<16xi32>
      tpu.vector_store %arg7[%swap3A], %swap3A_159 {strides = array<i32>} : memref<20480xi32, #tpu.memory_space<vmem>>, vector<16xi32>,
      %mul3A_160 = arith.constant 128 : i32
      %mul3A_161 = arith.muli %scan3A_149, %mul3A_160 : i32
      %add3A_162 = arith.constant 16 : i32
      %add3A_163 = arith.addi %mul3A_161, %add3A_162 : i32
      %get3A_164 = arith.index_cast %add3A_163 : i32 to index
      %get3A_165 = tpu.vector_load %arg7[%get3A_164] {strides = array<i32>} : memref<20480xi32, #tpu.memory_space<vmem>>, vector<16xi32>,
      %get3A_166 = vector.shape_cast %get3A_165 : vector<16xi32> to vector<16xi32>
      %add3A_167 = vector.broadcast %arg0 : i32 to vector<16xi32>
      %add3A_168 = arith.addi %get3A_166, %add3A_167 : vector<16xi32>
      %swap3A_169 = arith.index_cast %add3A_163 : i32 to index
      %swap3A_170 = tpu.vector_load %arg7[%swap3A_169] {strides = array<i32>} : memref<20480xi32, #tpu.memory_space<vmem>>, vector<16xi32>,
      %swap3A_171 = vector.shape_cast %swap3A_170 : vector<16xi32> to vector<16xi32>
      %swap3A_172 = vector.shape_cast %add3A_168 : vector<16xi32> to vector<16xi32>
      tpu.vector_store %arg7[%swap3A_169], %swap3A_172 {strides = array<i32>} : memref<20480xi32, #tpu.memory_space<vmem>>, vector<16xi32>,
      %mul3A_173 = arith.constant 128 : i32
      %mul3A_174 = arith.muli %scan3A_149, %mul3A_173 : i32
      %add3A_175 = arith.constant 32 : i32
      %add3A_176 = arith.addi %mul3A_174, %add3A_175 : i32
      %get3A_177 = arith.index_cast %add3A_176 : i32 to index
      %get3A_178 = tpu.vector_load %arg7[%get3A_177] {strides = array<i32>} : memref<20480xi32, #tpu.memory_space<vmem>>, vector<16xi32>,
      %get3A_179 = vector.shape_cast %get3A_178 : vector<16xi32> to vector<16xi32>
      %add3A_180 = vector.broadcast %arg0 : i32 to vector<16xi32>
      %add3A_181 = arith.addi %get3A_179, %add3A_180 : vector<16xi32>
      %swap3A_182 = arith.index_cast %add3A_176 : i32 to index
      %swap3A_183 = tpu.vector_load %arg7[%swap3A_182] {strides = array<i32>} : memref<20480xi32, #tpu.memory_space<vmem>>, vector<16xi32>,
      %swap3A_184 = vector.shape_cast %swap3A_183 : vector<16xi32> to vector<16xi32>
      %swap3A_185 = vector.shape_cast %add3A_181 : vector<16xi32> to vector<16xi32>
      tpu.vector_store %arg7[%swap3A_182], %swap3A_185 {strides = array<i32>} : memref<20480xi32, #tpu.memory_space<vmem>>, vector<16xi32>,
      %mul3A_186 = arith.constant 128 : i32
      %mul3A_187 = arith.muli %scan3A_149, %mul3A_186 : i32
      %add3A_188 = arith.constant 48 : i32
      %add3A_189 = arith.addi %mul3A_187, %add3A_188 : i32
      %get3A_190 = arith.index_cast %add3A_189 : i32 to index
      %get3A_191 = tpu.vector_load %arg7[%get3A_190] {strides = array<i32>} : memref<20480xi32, #tpu.memory_space<vmem>>, vector<16xi32>,
      %get3A_192 = vector.shape_cast %get3A_191 : vector<16xi32> to vector<16xi32>
      %add3A_193 = vector.broadcast %arg0 : i32 to vector<16xi32>
      %add3A_194 = arith.addi %get3A_192, %add3A_193 : vector<16xi32>
      %swap3A_195 = arith.index_cast %add3A_189 : i32 to index
      %swap3A_196 = tpu.vector_load %arg7[%swap3A_195] {strides = array<i32>} : memref<20480xi32, #tpu.memory_space<vmem>>, vector<16xi32>,
      %swap3A_197 = vector.shape_cast %swap3A_196 : vector<16xi32> to vector<16xi32>
      %swap3A_198 = vector.shape_cast %add3A_194 : vector<16xi32> to vector<16xi32>
      tpu.vector_store %arg7[%swap3A_195], %swap3A_198 {strides = array<i32>} : memref<20480xi32, #tpu.memory_space<vmem>>, vector<16xi32>,
      %mul3A_199 = arith.constant 128 : i32
      %mul3A_200 = arith.muli %scan3A_149, %mul3A_199 : i32
      %add3A_201 = arith.constant 64 : i32
      %add3A_202 = arith.addi %mul3A_200, %add3A_201 : i32
      %get3A_203 = arith.index_cast %add3A_202 : i32 to index
      %get3A_204 = tpu.vector_load %arg7[%get3A_203] {strides = array<i32>} : memref<20480xi32, #tpu.memory_space<vmem>>, vector<16xi32>,
      %get3A_205 = vector.shape_cast %get3A_204 : vector<16xi32> to vector<16xi32>
      %add3A_206 = vector.broadcast %arg0 : i32 to vector<16xi32>
      %add3A_207 = arith.addi %get3A_205, %add3A_206 : vector<16xi32>
      %swap3A_208 = arith.index_cast %add3A_202 : i32 to index
      %swap3A_209 = tpu.vector_load %arg7[%swap3A_208] {strides = array<i32>} : memref<20480xi32, #tpu.memory_space<vmem>>, vector<16xi32>,
      %swap3A_210 = vector.shape_cast %swap3A_209 : vector<16xi32> to vector<16xi32>
      %swap3A_211 = vector.shape_cast %add3A_207 : vector<16xi32> to vector<16xi32>
      tpu.vector_store %arg7[%swap3A_208], %swap3A_211 {strides = array<i32>} : memref<20480xi32, #tpu.memory_space<vmem>>, vector<16xi32>,
      %mul3A_212 = arith.constant 128 : i32
      %mul3A_213 = arith.muli %scan3A_149, %mul3A_212 : i32
      %add3A_214 = arith.constant 80 : i32
      %add3A_215 = arith.addi %mul3A_213, %add3A_214 : i32
      %get3A_216 = arith.index_cast %add3A_215 : i32 to index
      %get3A_217 = tpu.vector_load %arg7[%get3A_216] {strides = array<i32>} : memref<20480xi32, #tpu.memory_space<vmem>>, vector<16xi32>,
      %get3A_218 = vector.shape_cast %get3A_217 : vector<16xi32> to vector<16xi32>
      %add3A_219 = vector.broadcast %arg0 : i32 to vector<16xi32>
      %add3A_220 = arith.addi %get3A_218, %add3A_219 : vector<16xi32>
      %swap3A_221 = arith.index_cast %add3A_215 : i32 to index
      %swap3A_222 = tpu.vector_load %arg7[%swap3A_221] {strides = array<i32>} : memref<20480xi32, #tpu.memory_space<vmem>>, vector<16xi32>,
      %swap3A_223 = vector.shape_cast %swap3A_222 : vector<16xi32> to vector<16xi32>
      %swap3A_224 = vector.shape_cast %add3A_220 : vector<16xi32> to vector<16xi32>
      tpu.vector_store %arg7[%swap3A_221], %swap3A_224 {strides = array<i32>} : memref<20480xi32, #tpu.memory_space<vmem>>, vector<16xi32>,
      %mul3A_225 = arith.constant 128 : i32
      %mul3A_226 = arith.muli %scan3A_149, %mul3A_225 : i32
      %add3A_227 = arith.constant 96 : i32
      %add3A_228 = arith.addi %mul3A_226, %add3A_227 : i32
      %get3A_229 = arith.index_cast %add3A_228 : i32 to index
      %get3A_230 = tpu.vector_load %arg7[%get3A_229] {strides = array<i32>} : memref<20480xi32, #tpu.memory_space<vmem>>, vector<16xi32>,
      %get3A_231 = vector.shape_cast %get3A_230 : vector<16xi32> to vector<16xi32>
      %add3A_232 = vector.broadcast %arg0 : i32 to vector<16xi32>
      %add3A_233 = arith.addi %get3A_231, %add3A_232 : vector<16xi32>
      %swap3A_234 = arith.index_cast %add3A_228 : i32 to index
      %swap3A_235 = tpu.vector_load %arg7[%swap3A_234] {strides = array<i32>} : memref<20480xi32, #tpu.memory_space<vmem>>, vector<16xi32>,
      %swap3A_236 = vector.shape_cast %swap3A_235 : vector<16xi32> to vector<16xi32>
      %swap3A_237 = vector.shape_cast %add3A_233 : vector<16xi32> to vector<16xi32>
      tpu.vector_store %arg7[%swap3A_234], %swap3A_237 {strides = array<i32>} : memref<20480xi32, #tpu.memory_space<vmem>>, vector<16xi32>,
      %mul3A_238 = arith.constant 128 : i32
      %mul3A_239 = arith.muli %scan3A_149, %mul3A_238 : i32
      %add3A_240 = arith.constant 112 : i32
      %add3A_241 = arith.addi %mul3A_239, %add3A_240 : i32
      %get3A_242 = arith.index_cast %add3A_241 : i32 to index
      %get3A_243 = tpu.vector_load %arg7[%get3A_242] {strides = array<i32>} : memref<20480xi32, #tpu.memory_space<vmem>>, vector<16xi32>,
      %get3A_244 = vector.shape_cast %get3A_243 : vector<16xi32> to vector<16xi32>
      %add3A_245 = vector.broadcast %arg0 : i32 to vector<16xi32>
      %add3A_246 = arith.addi %get3A_244, %add3A_245 : vector<16xi32>
      %swap3A_247 = arith.index_cast %add3A_241 : i32 to index
      %swap3A_248 = tpu.vector_load %arg7[%swap3A_247] {strides = array<i32>} : memref<20480xi32, #tpu.memory_space<vmem>>, vector<16xi32>,
      %swap3A_249 = vector.shape_cast %swap3A_248 : vector<16xi32> to vector<16xi32>
      %swap3A_250 = vector.shape_cast %add3A_246 : vector<16xi32> to vector<16xi32>
      tpu.vector_store %arg7[%swap3A_247], %swap3A_250 {strides = array<i32>} : memref<20480xi32, #tpu.memory_space<vmem>>, vector<16xi32>,
    }
    %scan3A_30 = arith.constant 160 : i32
    %dma_wait3A_31 = arith.constant 1 : i32
    %dma_wait3A_32 = arith.constant 0 : i32
    %dma_wait3A_33 = arith.constant 0 : i32
    %dma_wait3A_34 = tpu.memref_slice %arg4[%dma_wait3A_31, %arg1, %dma_wait3A_32, %dma_wait3A_33] : memref<2x16x160x128xi32, #tpu.memory_space<hbm>> -> memref<1x1x160x128xi32, #tpu.memory_space<hbm>>
    %dma_wait3A_35 = tpu.memref_squeeze %dma_wait3A_34 : memref<1x1x160x128xi32, #tpu.memory_space<hbm>> -> memref<160x128xi32, #tpu.memory_space<hbm>>
    %dma_wait3A_36 = arith.constant 0 : i32
    %dma_wait3A_37 = arith.constant 0 : i32
    %dma_wait3A_38 = tpu.memref_slice %arg4[%dma_wait3A_31, %arg1, %dma_wait3A_36, %dma_wait3A_37] : memref<2x16x160x128xi32, #tpu.memory_space<hbm>> -> memref<1x1x160x128xi32, #tpu.memory_space<hbm>>
    %dma_wait3A_39 = tpu.memref_squeeze %dma_wait3A_38 : memref<1x1x160x128xi32, #tpu.memory_space<hbm>> -> memref<160x128xi32, #tpu.memory_space<hbm>>
    tpu.wait_dma2 semaphore(%arg14 : memref<!tpu.dma_semaphore, #tpu.memory_space<semaphore_mem>>) src(%dma_wait3A_39 : memref<160x128xi32, #tpu.memory_space<hbm>>) dst(%arg8 : memref<160x128xi32, #tpu.memory_space<vmem>>)
    %dma_wait3A_40 = arith.constant 0 : i32
    %dma_wait3A_41 = tpu.memref_slice %arg13[%mul3A_0, %dma_wait3A_40] : memref<10240x64xf32, #tpu.memory_space<vmem_shared>> -> memref<640x64xf32, #tpu.memory_space<vmem_shared>>
    %dma_wait3A_42 = arith.constant 0 : i32
    %dma_wait3A_43 = tpu.memref_slice %arg5[%mul3A_0, %dma_wait3A_42] : memref<10240x64xf32, #tpu.memory_space<hbm>> -> memref<640x64xf32, #tpu.memory_space<hbm>>
    tpu.wait_dma2 semaphore(%arg15 : memref<!tpu.dma_semaphore, #tpu.memory_space<semaphore_mem>>) src(%dma_wait3A_43 : memref<640x64xf32, #tpu.memory_space<hbm>>) dst(%dma_wait3A_41 : memref<640x64xf32, #tpu.memory_space<vmem_shared>>)
    %barrier3A = arith.constant 0 : index
    tpu.barrier barrier_id(%barrier3A)
    %dma_start3A_44 = arith.constant 0 : i32
    %dma_start3A_45 = tpu.memref_slice %arg7[%dma_start3A_44] : memref<20480xi32, #tpu.memory_space<vmem>> -> memref<128xi32, #tpu.memory_space<vmem>>
    %dma_start3A_46 = arith.constant 0 : i32
    %dma_start3A_47 = arith.constant 0 : i32
    %dma_start3A_48 = tpu.memref_slice %arg2[%dma_start3A_46, %dma_start3A_47] : memref<20480x64xf32, #tpu.memory_space<hbm>> -> memref<20480x64xf32, #tpu.memory_space<hbm>>
    tpu.enqueue_indirect_dma source(%dma_start3A_48 : memref<20480x64xf32, #tpu.memory_space<hbm>>) target(%arg9 : memref<128x64xf32, #tpu.memory_space<vmem>>) offsets(%dma_start3A_45 : memref<128xi32, #tpu.memory_space<vmem>>) semaphore(%arg14 : memref<!tpu.dma_semaphore, #tpu.memory_space<semaphore_mem>>)
    %dma_start3A_49 = arith.constant 128 : i32
    %dma_start3A_50 = tpu.memref_slice %arg7[%dma_start3A_49] : memref<20480xi32, #tpu.memory_space<vmem>> -> memref<128xi32, #tpu.memory_space<vmem>>
    %dma_start3A_51 = arith.constant 0 : i32
    %dma_start3A_52 = arith.constant 0 : i32
    %dma_start3A_53 = tpu.memref_slice %arg2[%dma_start3A_51, %dma_start3A_52] : memref<20480x64xf32, #tpu.memory_space<hbm>> -> memref<20480x64xf32, #tpu.memory_space<hbm>>
    tpu.enqueue_indirect_dma source(%dma_start3A_53 : memref<20480x64xf32, #tpu.memory_space<hbm>>) target(%arg10 : memref<128x64xf32, #tpu.memory_space<vmem>>) offsets(%dma_start3A_50 : memref<128xi32, #tpu.memory_space<vmem>>) semaphore(%arg14 : memref<!tpu.dma_semaphore, #tpu.memory_space<semaphore_mem>>)
    %scan3A_54 = arith.constant 0 : i32
    %scan3A_55 = arith.constant 0 : i32
    %scan3A_56 = arith.constant 39 : i32
    %scan3A_57 = arith.addi %scan3A_55, %scan3A_56 : i32
    %scan3A_58 = arith.constant 1 : i32
    scf.for %scan3A_149 = %scan3A_55 to %scan3A_57 step %scan3A_58  : i32 {
      %mul3A_150 = arith.constant 4 : i32
      %mul3A_151 = arith.muli %mul3A_150, %scan3A_149 : i32
      %add3A = arith.constant 2 : i32
      %add3A_152 = arith.addi %mul3A_151, %add3A : i32
      %mul3A_153 = arith.constant 128 : i32
      %mul3A_154 = arith.muli %add3A_152, %mul3A_153 : i32
      %dma_start3A_155 = tpu.memref_slice %arg7[%mul3A_154] : memref<20480xi32, #tpu.memory_space<vmem>> -> memref<128xi32, #tpu.memory_space<vmem>>
      %dma_start3A_156 = arith.constant 0 : i32
      %dma_start3A_157 = arith.constant 0 : i32
      %dma_start3A_158 = tpu.memref_slice %arg2[%dma_start3A_156, %dma_start3A_157] : memref<20480x64xf32, #tpu.memory_space<hbm>> -> memref<20480x64xf32, #tpu.memory_space<hbm>>
      tpu.enqueue_indirect_dma source(%dma_start3A_158 : memref<20480x64xf32, #tpu.memory_space<hbm>>) target(%arg11 : memref<128x64xf32, #tpu.memory_space<vmem>>) offsets(%dma_start3A_155 : memref<128xi32, #tpu.memory_space<vmem>>) semaphore(%arg14 : memref<!tpu.dma_semaphore, #tpu.memory_space<semaphore_mem>>)
      %add3A_159 = arith.constant 3 : i32
      %add3A_160 = arith.addi %mul3A_151, %add3A_159 : i32
      %mul3A_161 = arith.constant 128 : i32
      %mul3A_162 = arith.muli %add3A_160, %mul3A_161 : i32
      %dma_start3A_163 = tpu.memref_slice %arg7[%mul3A_162] : memref<20480xi32, #tpu.memory_space<vmem>> -> memref<128xi32, #tpu.memory_space<vmem>>
      %dma_start3A_164 = arith.constant 0 : i32
      %dma_start3A_165 = arith.constant 0 : i32
      %dma_start3A_166 = tpu.memref_slice %arg2[%dma_start3A_164, %dma_start3A_165] : memref<20480x64xf32, #tpu.memory_space<hbm>> -> memref<20480x64xf32, #tpu.memory_space<hbm>>
      tpu.enqueue_indirect_dma source(%dma_start3A_166 : memref<20480x64xf32, #tpu.memory_space<hbm>>) target(%arg12 : memref<128x64xf32, #tpu.memory_space<vmem>>) offsets(%dma_start3A_163 : memref<128xi32, #tpu.memory_space<vmem>>) semaphore(%arg14 : memref<!tpu.dma_semaphore, #tpu.memory_space<semaphore_mem>>)
      %mul3A_167 = arith.constant 128 : i32
      %mul3A_168 = arith.muli %mul3A_151, %mul3A_167 : i32
      %dma_wait3A_169 = tpu.memref_slice %arg7[%mul3A_168] : memref<20480xi32, #tpu.memory_space<vmem>> -> memref<128xi32, #tpu.memory_space<vmem>>
      %dma_wait3A_170 = arith.constant 0 : i32
      %dma_wait3A_171 = arith.constant 0 : i32
      %dma_wait3A_172 = tpu.memref_slice %arg2[%dma_wait3A_170, %dma_wait3A_171] : memref<20480x64xf32, #tpu.memory_space<hbm>> -> memref<20480x64xf32, #tpu.memory_space<hbm>>
      tpu.wait_indirect_dma semaphore(%arg14 : memref<!tpu.dma_semaphore, #tpu.memory_space<semaphore_mem>>) src(%dma_wait3A_172 : memref<20480x64xf32, #tpu.memory_space<hbm>>) dst(%arg9 : memref<128x64xf32, #tpu.memory_space<vmem>>)
      %add3A_173 = arith.constant 1 : i32
      %add3A_174 = arith.addi %mul3A_151, %add3A_173 : i32
      %mul3A_175 = arith.constant 128 : i32
      %mul3A_176 = arith.muli %add3A_174, %mul3A_175 : i32
      %dma_wait3A_177 = tpu.memref_slice %arg7[%mul3A_176] : memref<20480xi32, #tpu.memory_space<vmem>> -> memref<128xi32, #tpu.memory_space<vmem>>
      %dma_wait3A_178 = arith.constant 0 : i32
      %dma_wait3A_179 = arith.constant 0 : i32
      %dma_wait3A_180 = tpu.memref_slice %arg2[%dma_wait3A_178, %dma_wait3A_179] : memref<20480x64xf32, #tpu.memory_space<hbm>> -> memref<20480x64xf32, #tpu.memory_space<hbm>>
      tpu.wait_indirect_dma semaphore(%arg14 : memref<!tpu.dma_semaphore, #tpu.memory_space<semaphore_mem>>) src(%dma_wait3A_180 : memref<20480x64xf32, #tpu.memory_space<hbm>>) dst(%arg10 : memref<128x64xf32, #tpu.memory_space<vmem>>)
      %add3A_181 = arith.constant 1 : i32
      %add3A_182 = arith.addi %mul3A_151, %add3A_181 : i32
      %dma_start3A_183 = arith.constant 0 : i32
      %dma_start3A_184 = tpu.memref_slice %arg8[%mul3A_151, %dma_start3A_183] : memref<160x128xi32, #tpu.memory_space<vmem>> -> memref<1x128xi32, #tpu.memory_space<vmem>>
      %dma_start3A_185 = tpu.memref_squeeze %dma_start3A_184 : memref<1x128xi32, #tpu.memory_space<vmem>> -> memref<128xi32, #tpu.memory_space<vmem>>
      %dma_start3A_186 = arith.constant 0 : i32
      %dma_start3A_187 = arith.constant 0 : i32
      %dma_start3A_188 = tpu.memref_slice %arg13[%dma_start3A_186, %dma_start3A_187] : memref<10240x64xf32, #tpu.memory_space<vmem_shared>> -> memref<10240x64xf32, #tpu.memory_space<vmem_shared>>
      tpu.enqueue_indirect_dma source(%arg9 : memref<128x64xf32, #tpu.memory_space<vmem>>) target(%dma_start3A_188 : memref<10240x64xf32, #tpu.memory_space<vmem_shared>>) offsets(%dma_start3A_185 : memref<128xi32, #tpu.memory_space<vmem>>) semaphore(%arg15 : memref<!tpu.dma_semaphore, #tpu.memory_space<semaphore_mem>>) {add = true}
      %dma_start3A_189 = arith.constant 0 : i32
      %dma_start3A_190 = tpu.memref_slice %arg8[%add3A_182, %dma_start3A_189] : memref<160x128xi32, #tpu.memory_space<vmem>> -> memref<1x128xi32, #tpu.memory_space<vmem>>
      %dma_start3A_191 = tpu.memref_squeeze %dma_start3A_190 : memref<1x128xi32, #tpu.memory_space<vmem>> -> memref<128xi32, #tpu.memory_space<vmem>>
      %dma_start3A_192 = arith.constant 0 : i32
      %dma_start3A_193 = arith.constant 0 : i32
      %dma_start3A_194 = tpu.memref_slice %arg13[%dma_start3A_192, %dma_start3A_193] : memref<10240x64xf32, #tpu.memory_space<vmem_shared>> -> memref<10240x64xf32, #tpu.memory_space<vmem_shared>>
      tpu.enqueue_indirect_dma source(%arg10 : memref<128x64xf32, #tpu.memory_space<vmem>>) target(%dma_start3A_194 : memref<10240x64xf32, #tpu.memory_space<vmem_shared>>) offsets(%dma_start3A_191 : memref<128xi32, #tpu.memory_space<vmem>>) semaphore(%arg15 : memref<!tpu.dma_semaphore, #tpu.memory_space<semaphore_mem>>) {add = true}
      %dma_wait3A_195 = arith.constant 0 : i32
      %dma_wait3A_196 = tpu.memref_slice %arg8[%mul3A_151, %dma_wait3A_195] : memref<160x128xi32, #tpu.memory_space<vmem>> -> memref<1x128xi32, #tpu.memory_space<vmem>>
      %dma_wait3A_197 = tpu.memref_squeeze %dma_wait3A_196 : memref<1x128xi32, #tpu.memory_space<vmem>> -> memref<128xi32, #tpu.memory_space<vmem>>
      %dma_wait3A_198 = arith.constant 0 : i32
      %dma_wait3A_199 = arith.constant 0 : i32
      %dma_wait3A_200 = tpu.memref_slice %arg13[%dma_wait3A_198, %dma_wait3A_199] : memref<10240x64xf32, #tpu.memory_space<vmem_shared>> -> memref<10240x64xf32, #tpu.memory_space<vmem_shared>>
      tpu.wait_indirect_dma semaphore(%arg15 : memref<!tpu.dma_semaphore, #tpu.memory_space<semaphore_mem>>) src(%arg9 : memref<128x64xf32, #tpu.memory_space<vmem>>) dst(%dma_wait3A_200 : memref<10240x64xf32, #tpu.memory_space<vmem_shared>>)
      %dma_wait3A_201 = arith.constant 0 : i32
      %dma_wait3A_202 = tpu.memref_slice %arg8[%add3A_182, %dma_wait3A_201] : memref<160x128xi32, #tpu.memory_space<vmem>> -> memref<1x128xi32, #tpu.memory_space<vmem>>
      %dma_wait3A_203 = tpu.memref_squeeze %dma_wait3A_202 : memref<1x128xi32, #tpu.memory_space<vmem>> -> memref<128xi32, #tpu.memory_space<vmem>>
      %dma_wait3A_204 = arith.constant 0 : i32
      %dma_wait3A_205 = arith.constant 0 : i32
      %dma_wait3A_206 = tpu.memref_slice %arg13[%dma_wait3A_204, %dma_wait3A_205] : memref<10240x64xf32, #tpu.memory_space<vmem_shared>> -> memref<10240x64xf32, #tpu.memory_space<vmem_shared>>
      tpu.wait_indirect_dma semaphore(%arg15 : memref<!tpu.dma_semaphore, #tpu.memory_space<semaphore_mem>>) src(%arg10 : memref<128x64xf32, #tpu.memory_space<vmem>>) dst(%dma_wait3A_206 : memref<10240x64xf32, #tpu.memory_space<vmem_shared>>)
      %add3A_207 = arith.constant 4 : i32
      %add3A_208 = arith.addi %mul3A_151, %add3A_207 : i32
      %mul3A_209 = arith.constant 128 : i32
      %mul3A_210 = arith.muli %add3A_208, %mul3A_209 : i32
      %dma_start3A_211 = tpu.memref_slice %arg7[%mul3A_210] : memref<20480xi32, #tpu.memory_space<vmem>> -> memref<128xi32, #tpu.memory_space<vmem>>
      %dma_start3A_212 = arith.constant 0 : i32
      %dma_start3A_213 = arith.constant 0 : i32
      %dma_start3A_214 = tpu.memref_slice %arg2[%dma_start3A_212, %dma_start3A_213] : memref<20480x64xf32, #tpu.memory_space<hbm>> -> memref<20480x64xf32, #tpu.memory_space<hbm>>
      tpu.enqueue_indirect_dma source(%dma_start3A_214 : memref<20480x64xf32, #tpu.memory_space<hbm>>) target(%arg9 : memref<128x64xf32, #tpu.memory_space<vmem>>) offsets(%dma_start3A_211 : memref<128xi32, #tpu.memory_space<vmem>>) semaphore(%arg14 : memref<!tpu.dma_semaphore, #tpu.memory_space<semaphore_mem>>)
      %add3A_215 = arith.constant 5 : i32
      %add3A_216 = arith.addi %mul3A_151, %add3A_215 : i32
      %mul3A_217 = arith.constant 128 : i32
      %mul3A_218 = arith.muli %add3A_216, %mul3A_217 : i32
      %dma_start3A_219 = tpu.memref_slice %arg7[%mul3A_218] : memref<20480xi32, #tpu.memory_space<vmem>> -> memref<128xi32, #tpu.memory_space<vmem>>
      %dma_start3A_220 = arith.constant 0 : i32
      %dma_start3A_221 = arith.constant 0 : i32
      %dma_start3A_222 = tpu.memref_slice %arg2[%dma_start3A_220, %dma_start3A_221] : memref<20480x64xf32, #tpu.memory_space<hbm>> -> memref<20480x64xf32, #tpu.memory_space<hbm>>
      tpu.enqueue_indirect_dma source(%dma_start3A_222 : memref<20480x64xf32, #tpu.memory_space<hbm>>) target(%arg10 : memref<128x64xf32, #tpu.memory_space<vmem>>) offsets(%dma_start3A_219 : memref<128xi32, #tpu.memory_space<vmem>>) semaphore(%arg14 : memref<!tpu.dma_semaphore, #tpu.memory_space<semaphore_mem>>)
      %add3A_223 = arith.constant 2 : i32
      %add3A_224 = arith.addi %mul3A_151, %add3A_223 : i32
      %mul3A_225 = arith.constant 128 : i32
      %mul3A_226 = arith.muli %add3A_224, %mul3A_225 : i32
      %dma_wait3A_227 = tpu.memref_slice %arg7[%mul3A_226] : memref<20480xi32, #tpu.memory_space<vmem>> -> memref<128xi32, #tpu.memory_space<vmem>>
      %dma_wait3A_228 = arith.constant 0 : i32
      %dma_wait3A_229 = arith.constant 0 : i32
      %dma_wait3A_230 = tpu.memref_slice %arg2[%dma_wait3A_228, %dma_wait3A_229] : memref<20480x64xf32, #tpu.memory_space<hbm>> -> memref<20480x64xf32, #tpu.memory_space<hbm>>
      tpu.wait_indirect_dma semaphore(%arg14 : memref<!tpu.dma_semaphore, #tpu.memory_space<semaphore_mem>>) src(%dma_wait3A_230 : memref<20480x64xf32, #tpu.memory_space<hbm>>) dst(%arg11 : memref<128x64xf32, #tpu.memory_space<vmem>>)
      %add3A_231 = arith.constant 3 : i32
      %add3A_232 = arith.addi %mul3A_151, %add3A_231 : i32
      %mul3A_233 = arith.constant 128 : i32
      %mul3A_234 = arith.muli %add3A_232, %mul3A_233 : i32
      %dma_wait3A_235 = tpu.memref_slice %arg7[%mul3A_234] : memref<20480xi32, #tpu.memory_space<vmem>> -> memref<128xi32, #tpu.memory_space<vmem>>
      %dma_wait3A_236 = arith.constant 0 : i32
      %dma_wait3A_237 = arith.constant 0 : i32
      %dma_wait3A_238 = tpu.memref_slice %arg2[%dma_wait3A_236, %dma_wait3A_237] : memref<20480x64xf32, #tpu.memory_space<hbm>> -> memref<20480x64xf32, #tpu.memory_space<hbm>>
      tpu.wait_indirect_dma semaphore(%arg14 : memref<!tpu.dma_semaphore, #tpu.memory_space<semaphore_mem>>) src(%dma_wait3A_238 : memref<20480x64xf32, #tpu.memory_space<hbm>>) dst(%arg12 : memref<128x64xf32, #tpu.memory_space<vmem>>)
      %add3A_239 = arith.constant 2 : i32
      %add3A_240 = arith.addi %mul3A_151, %add3A_239 : i32
      %add3A_241 = arith.constant 3 : i32
      %add3A_242 = arith.addi %mul3A_151, %add3A_241 : i32
      %dma_start3A_243 = arith.constant 0 : i32
      %dma_start3A_244 = tpu.memref_slice %arg8[%add3A_240, %dma_start3A_243] : memref<160x128xi32, #tpu.memory_space<vmem>> -> memref<1x128xi32, #tpu.memory_space<vmem>>
      %dma_start3A_245 = tpu.memref_squeeze %dma_start3A_244 : memref<1x128xi32, #tpu.memory_space<vmem>> -> memref<128xi32, #tpu.memory_space<vmem>>
      %dma_start3A_246 = arith.constant 0 : i32
      %dma_start3A_247 = arith.constant 0 : i32
      %dma_start3A_248 = tpu.memref_slice %arg13[%dma_start3A_246, %dma_start3A_247] : memref<10240x64xf32, #tpu.memory_space<vmem_shared>> -> memref<10240x64xf32, #tpu.memory_space<vmem_shared>>
      tpu.enqueue_indirect_dma source(%arg11 : memref<128x64xf32, #tpu.memory_space<vmem>>) target(%dma_start3A_248 : memref<10240x64xf32, #tpu.memory_space<vmem_shared>>) offsets(%dma_start3A_245 : memref<128xi32, #tpu.memory_space<vmem>>) semaphore(%arg15 : memref<!tpu.dma_semaphore, #tpu.memory_space<semaphore_mem>>) {add = true}
      %dma_start3A_249 = arith.constant 0 : i32
      %dma_start3A_250 = tpu.memref_slice %arg8[%add3A_242, %dma_start3A_249] : memref<160x128xi32, #tpu.memory_space<vmem>> -> memref<1x128xi32, #tpu.memory_space<vmem>>
      %dma_start3A_251 = tpu.memref_squeeze %dma_start3A_250 : memref<1x128xi32, #tpu.memory_space<vmem>> -> memref<128xi32, #tpu.memory_space<vmem>>
      %dma_start3A_252 = arith.constant 0 : i32
      %dma_start3A_253 = arith.constant 0 : i32
      %dma_start3A_254 = tpu.memref_slice %arg13[%dma_start3A_252, %dma_start3A_253] : memref<10240x64xf32, #tpu.memory_space<vmem_shared>> -> memref<10240x64xf32, #tpu.memory_space<vmem_shared>>
      tpu.enqueue_indirect_dma source(%arg12 : memref<128x64xf32, #tpu.memory_space<vmem>>) target(%dma_start3A_254 : memref<10240x64xf32, #tpu.memory_space<vmem_shared>>) offsets(%dma_start3A_251 : memref<128xi32, #tpu.memory_space<vmem>>) semaphore(%arg15 : memref<!tpu.dma_semaphore, #tpu.memory_space<semaphore_mem>>) {add = true}
      %dma_wait3A_255 = arith.constant 0 : i32
      %dma_wait3A_256 = tpu.memref_slice %arg8[%add3A_240, %dma_wait3A_255] : memref<160x128xi32, #tpu.memory_space<vmem>> -> memref<1x128xi32, #tpu.memory_space<vmem>>
      %dma_wait3A_257 = tpu.memref_squeeze %dma_wait3A_256 : memref<1x128xi32, #tpu.memory_space<vmem>> -> memref<128xi32, #tpu.memory_space<vmem>>
      %dma_wait3A_258 = arith.constant 0 : i32
      %dma_wait3A_259 = arith.constant 0 : i32
      %dma_wait3A_260 = tpu.memref_slice %arg13[%dma_wait3A_258, %dma_wait3A_259] : memref<10240x64xf32, #tpu.memory_space<vmem_shared>> -> memref<10240x64xf32, #tpu.memory_space<vmem_shared>>
      tpu.wait_indirect_dma semaphore(%arg15 : memref<!tpu.dma_semaphore, #tpu.memory_space<semaphore_mem>>) src(%arg11 : memref<128x64xf32, #tpu.memory_space<vmem>>) dst(%dma_wait3A_260 : memref<10240x64xf32, #tpu.memory_space<vmem_shared>>)
      %dma_wait3A_261 = arith.constant 0 : i32
      %dma_wait3A_262 = tpu.memref_slice %arg8[%add3A_242, %dma_wait3A_261] : memref<160x128xi32, #tpu.memory_space<vmem>> -> memref<1x128xi32, #tpu.memory_space<vmem>>
      %dma_wait3A_263 = tpu.memref_squeeze %dma_wait3A_262 : memref<1x128xi32, #tpu.memory_space<vmem>> -> memref<128xi32, #tpu.memory_space<vmem>>
      %dma_wait3A_264 = arith.constant 0 : i32
      %dma_wait3A_265 = arith.constant 0 : i32
      %dma_wait3A_266 = tpu.memref_slice %arg13[%dma_wait3A_264, %dma_wait3A_265] : memref<10240x64xf32, #tpu.memory_space<vmem_shared>> -> memref<10240x64xf32, #tpu.memory_space<vmem_shared>>
      tpu.wait_indirect_dma semaphore(%arg15 : memref<!tpu.dma_semaphore, #tpu.memory_space<semaphore_mem>>) src(%arg12 : memref<128x64xf32, #tpu.memory_space<vmem>>) dst(%dma_wait3A_266 : memref<10240x64xf32, #tpu.memory_space<vmem_shared>>)
    }
    %scan3A_59 = arith.constant 39 : i32
    %dma_start3A_60 = arith.constant 20224 : i32
    %dma_start3A_61 = tpu.memref_slice %arg7[%dma_start3A_60] : memref<20480xi32, #tpu.memory_space<vmem>> -> memref<128xi32, #tpu.memory_space<vmem>>
    %dma_start3A_62 = arith.constant 0 : i32
    %dma_start3A_63 = arith.constant 0 : i32
    %dma_start3A_64 = tpu.memref_slice %arg2[%dma_start3A_62, %dma_start3A_63] : memref<20480x64xf32, #tpu.memory_space<hbm>> -> memref<20480x64xf32, #tpu.memory_space<hbm>>
    tpu.enqueue_indirect_dma source(%dma_start3A_64 : memref<20480x64xf32, #tpu.memory_space<hbm>>) target(%arg11 : memref<128x64xf32, #tpu.memory_space<vmem>>) offsets(%dma_start3A_61 : memref<128xi32, #tpu.memory_space<vmem>>) semaphore(%arg14 : memref<!tpu.dma_semaphore, #tpu.memory_space<semaphore_mem>>)
    %dma_start3A_65 = arith.constant 20352 : i32
    %dma_start3A_66 = tpu.memref_slice %arg7[%dma_start3A_65] : memref<20480xi32, #tpu.memory_space<vmem>> -> memref<128xi32, #tpu.memory_space<vmem>>
    %dma_start3A_67 = arith.constant 0 : i32
    %dma_start3A_68 = arith.constant 0 : i32
    %dma_start3A_69 = tpu.memref_slice %arg2[%dma_start3A_67, %dma_start3A_68] : memref<20480x64xf32, #tpu.memory_space<hbm>> -> memref<20480x64xf32, #tpu.memory_space<hbm>>
    tpu.enqueue_indirect_dma source(%dma_start3A_69 : memref<20480x64xf32, #tpu.memory_space<hbm>>) target(%arg12 : memref<128x64xf32, #tpu.memory_space<vmem>>) offsets(%dma_start3A_66 : memref<128xi32, #tpu.memory_space<vmem>>) semaphore(%arg14 : memref<!tpu.dma_semaphore, #tpu.memory_space<semaphore_mem>>)
    %dma_wait3A_70 = arith.constant 19968 : i32
    %dma_wait3A_71 = tpu.memref_slice %arg7[%dma_wait3A_70] : memref<20480xi32, #tpu.memory_space<vmem>> -> memref<128xi32, #tpu.memory_space<vmem>>
    %dma_wait3A_72 = arith.constant 0 : i32
    %dma_wait3A_73 = arith.constant 0 : i32
    %dma_wait3A_74 = tpu.memref_slice %arg2[%dma_wait3A_72, %dma_wait3A_73] : memref<20480x64xf32, #tpu.memory_space<hbm>> -> memref<20480x64xf32, #tpu.memory_space<hbm>>
    tpu.wait_indirect_dma semaphore(%arg14 : memref<!tpu.dma_semaphore, #tpu.memory_space<semaphore_mem>>) src(%dma_wait3A_74 : memref<20480x64xf32, #tpu.memory_space<hbm>>) dst(%arg9 : memref<128x64xf32, #tpu.memory_space<vmem>>)
    %dma_wait3A_75 = arith.constant 20096 : i32
    %dma_wait3A_76 = tpu.memref_slice %arg7[%dma_wait3A_75] : memref<20480xi32, #tpu.memory_space<vmem>> -> memref<128xi32, #tpu.memory_space<vmem>>
    %dma_wait3A_77 = arith.constant 0 : i32
    %dma_wait3A_78 = arith.constant 0 : i32
    %dma_wait3A_79 = tpu.memref_slice %arg2[%dma_wait3A_77, %dma_wait3A_78] : memref<20480x64xf32, #tpu.memory_space<hbm>> -> memref<20480x64xf32, #tpu.memory_space<hbm>>
    tpu.wait_indirect_dma semaphore(%arg14 : memref<!tpu.dma_semaphore, #tpu.memory_space<semaphore_mem>>) src(%dma_wait3A_79 : memref<20480x64xf32, #tpu.memory_space<hbm>>) dst(%arg10 : memref<128x64xf32, #tpu.memory_space<vmem>>)
    %dma_start3A_80 = arith.constant 156 : i32
    %dma_start3A_81 = arith.constant 0 : i32
    %dma_start3A_82 = tpu.memref_slice %arg8[%dma_start3A_80, %dma_start3A_81] : memref<160x128xi32, #tpu.memory_space<vmem>> -> memref<1x128xi32, #tpu.memory_space<vmem>>
    %dma_start3A_83 = tpu.memref_squeeze %dma_start3A_82 : memref<1x128xi32, #tpu.memory_space<vmem>> -> memref<128xi32, #tpu.memory_space<vmem>>
    %dma_start3A_84 = arith.constant 0 : i32
    %dma_start3A_85 = arith.constant 0 : i32
    %dma_start3A_86 = tpu.memref_slice %arg13[%dma_start3A_84, %dma_start3A_85] : memref<10240x64xf32, #tpu.memory_space<vmem_shared>> -> memref<10240x64xf32, #tpu.memory_space<vmem_shared>>
    tpu.enqueue_indirect_dma source(%arg9 : memref<128x64xf32, #tpu.memory_space<vmem>>) target(%dma_start3A_86 : memref<10240x64xf32, #tpu.memory_space<vmem_shared>>) offsets(%dma_start3A_83 : memref<128xi32, #tpu.memory_space<vmem>>) semaphore(%arg15 : memref<!tpu.dma_semaphore, #tpu.memory_space<semaphore_mem>>) {add = true}
    %dma_start3A_87 = arith.constant 157 : i32
    %dma_start3A_88 = arith.constant 0 : i32
    %dma_start3A_89 = tpu.memref_slice %arg8[%dma_start3A_87, %dma_start3A_88] : memref<160x128xi32, #tpu.memory_space<vmem>> -> memref<1x128xi32, #tpu.memory_space<vmem>>
    %dma_start3A_90 = tpu.memref_squeeze %dma_start3A_89 : memref<1x128xi32, #tpu.memory_space<vmem>> -> memref<128xi32, #tpu.memory_space<vmem>>
    %dma_start3A_91 = arith.constant 0 : i32
    %dma_start3A_92 = arith.constant 0 : i32
    %dma_start3A_93 = tpu.memref_slice %arg13[%dma_start3A_91, %dma_start3A_92] : memref<10240x64xf32, #tpu.memory_space<vmem_shared>> -> memref<10240x64xf32, #tpu.memory_space<vmem_shared>>
    tpu.enqueue_indirect_dma source(%arg10 : memref<128x64xf32, #tpu.memory_space<vmem>>) target(%dma_start3A_93 : memref<10240x64xf32, #tpu.memory_space<vmem_shared>>) offsets(%dma_start3A_90 : memref<128xi32, #tpu.memory_space<vmem>>) semaphore(%arg15 : memref<!tpu.dma_semaphore, #tpu.memory_space<semaphore_mem>>) {add = true}
    %dma_wait3A_94 = arith.constant 156 : i32
    %dma_wait3A_95 = arith.constant 0 : i32
    %dma_wait3A_96 = tpu.memref_slice %arg8[%dma_wait3A_94, %dma_wait3A_95] : memref<160x128xi32, #tpu.memory_space<vmem>> -> memref<1x128xi32, #tpu.memory_space<vmem>>
    %dma_wait3A_97 = tpu.memref_squeeze %dma_wait3A_96 : memref<1x128xi32, #tpu.memory_space<vmem>> -> memref<128xi32, #tpu.memory_space<vmem>>
    %dma_wait3A_98 = arith.constant 0 : i32
    %dma_wait3A_99 = arith.constant 0 : i32
    %dma_wait3A_100 = tpu.memref_slice %arg13[%dma_wait3A_98, %dma_wait3A_99] : memref<10240x64xf32, #tpu.memory_space<vmem_shared>> -> memref<10240x64xf32, #tpu.memory_space<vmem_shared>>
    tpu.wait_indirect_dma semaphore(%arg15 : memref<!tpu.dma_semaphore, #tpu.memory_space<semaphore_mem>>) src(%arg9 : memref<128x64xf32, #tpu.memory_space<vmem>>) dst(%dma_wait3A_100 : memref<10240x64xf32, #tpu.memory_space<vmem_shared>>)
    %dma_wait3A_101 = arith.constant 157 : i32
    %dma_wait3A_102 = arith.constant 0 : i32
    %dma_wait3A_103 = tpu.memref_slice %arg8[%dma_wait3A_101, %dma_wait3A_102] : memref<160x128xi32, #tpu.memory_space<vmem>> -> memref<1x128xi32, #tpu.memory_space<vmem>>
    %dma_wait3A_104 = tpu.memref_squeeze %dma_wait3A_103 : memref<1x128xi32, #tpu.memory_space<vmem>> -> memref<128xi32, #tpu.memory_space<vmem>>
    %dma_wait3A_105 = arith.constant 0 : i32
    %dma_wait3A_106 = arith.constant 0 : i32
    %dma_wait3A_107 = tpu.memref_slice %arg13[%dma_wait3A_105, %dma_wait3A_106] : memref<10240x64xf32, #tpu.memory_space<vmem_shared>> -> memref<10240x64xf32, #tpu.memory_space<vmem_shared>>
    tpu.wait_indirect_dma semaphore(%arg15 : memref<!tpu.dma_semaphore, #tpu.memory_space<semaphore_mem>>) src(%arg10 : memref<128x64xf32, #tpu.memory_space<vmem>>) dst(%dma_wait3A_107 : memref<10240x64xf32, #tpu.memory_space<vmem_shared>>)
    %dma_wait3A_108 = arith.constant 20224 : i32
    %dma_wait3A_109 = tpu.memref_slice %arg7[%dma_wait3A_108] : memref<20480xi32, #tpu.memory_space<vmem>> -> memref<128xi32, #tpu.memory_space<vmem>>
    %dma_wait3A_110 = arith.constant 0 : i32
    %dma_wait3A_111 = arith.constant 0 : i32
    %dma_wait3A_112 = tpu.memref_slice %arg2[%dma_wait3A_110, %dma_wait3A_111] : memref<20480x64xf32, #tpu.memory_space<hbm>> -> memref<20480x64xf32, #tpu.memory_space<hbm>>
    tpu.wait_indirect_dma semaphore(%arg14 : memref<!tpu.dma_semaphore, #tpu.memory_space<semaphore_mem>>) src(%dma_wait3A_112 : memref<20480x64xf32, #tpu.memory_space<hbm>>) dst(%arg11 : memref<128x64xf32, #tpu.memory_space<vmem>>)
    %dma_wait3A_113 = arith.constant 20352 : i32
    %dma_wait3A_114 = tpu.memref_slice %arg7[%dma_wait3A_113] : memref<20480xi32, #tpu.memory_space<vmem>> -> memref<128xi32, #tpu.memory_space<vmem>>
    %dma_wait3A_115 = arith.constant 0 : i32
    %dma_wait3A_116 = arith.constant 0 : i32
    %dma_wait3A_117 = tpu.memref_slice %arg2[%dma_wait3A_115, %dma_wait3A_116] : memref<20480x64xf32, #tpu.memory_space<hbm>> -> memref<20480x64xf32, #tpu.memory_space<hbm>>
    tpu.wait_indirect_dma semaphore(%arg14 : memref<!tpu.dma_semaphore, #tpu.memory_space<semaphore_mem>>) src(%dma_wait3A_117 : memref<20480x64xf32, #tpu.memory_space<hbm>>) dst(%arg12 : memref<128x64xf32, #tpu.memory_space<vmem>>)
    %dma_start3A_118 = arith.constant 158 : i32
    %dma_start3A_119 = arith.constant 0 : i32
    %dma_start3A_120 = tpu.memref_slice %arg8[%dma_start3A_118, %dma_start3A_119] : memref<160x128xi32, #tpu.memory_space<vmem>> -> memref<1x128xi32, #tpu.memory_space<vmem>>
    %dma_start3A_121 = tpu.memref_squeeze %dma_start3A_120 : memref<1x128xi32, #tpu.memory_space<vmem>> -> memref<128xi32, #tpu.memory_space<vmem>>
    %dma_start3A_122 = arith.constant 0 : i32
    %dma_start3A_123 = arith.constant 0 : i32
    %dma_start3A_124 = tpu.memref_slice %arg13[%dma_start3A_122, %dma_start3A_123] : memref<10240x64xf32, #tpu.memory_space<vmem_shared>> -> memref<10240x64xf32, #tpu.memory_space<vmem_shared>>
    tpu.enqueue_indirect_dma source(%arg11 : memref<128x64xf32, #tpu.memory_space<vmem>>) target(%dma_start3A_124 : memref<10240x64xf32, #tpu.memory_space<vmem_shared>>) offsets(%dma_start3A_121 : memref<128xi32, #tpu.memory_space<vmem>>) semaphore(%arg15 : memref<!tpu.dma_semaphore, #tpu.memory_space<semaphore_mem>>) {add = true}
    %dma_start3A_125 = arith.constant 159 : i32
    %dma_start3A_126 = arith.constant 0 : i32
    %dma_start3A_127 = tpu.memref_slice %arg8[%dma_start3A_125, %dma_start3A_126] : memref<160x128xi32, #tpu.memory_space<vmem>> -> memref<1x128xi32, #tpu.memory_space<vmem>>
    %dma_start3A_128 = tpu.memref_squeeze %dma_start3A_127 : memref<1x128xi32, #tpu.memory_space<vmem>> -> memref<128xi32, #tpu.memory_space<vmem>>
    %dma_start3A_129 = arith.constant 0 : i32
    %dma_start3A_130 = arith.constant 0 : i32
    %dma_start3A_131 = tpu.memref_slice %arg13[%dma_start3A_129, %dma_start3A_130] : memref<10240x64xf32, #tpu.memory_space<vmem_shared>> -> memref<10240x64xf32, #tpu.memory_space<vmem_shared>>
    tpu.enqueue_indirect_dma source(%arg12 : memref<128x64xf32, #tpu.memory_space<vmem>>) target(%dma_start3A_131 : memref<10240x64xf32, #tpu.memory_space<vmem_shared>>) offsets(%dma_start3A_128 : memref<128xi32, #tpu.memory_space<vmem>>) semaphore(%arg15 : memref<!tpu.dma_semaphore, #tpu.memory_space<semaphore_mem>>) {add = true}
    %dma_wait3A_132 = arith.constant 158 : i32
    %dma_wait3A_133 = arith.constant 0 : i32
    %dma_wait3A_134 = tpu.memref_slice %arg8[%dma_wait3A_132, %dma_wait3A_133] : memref<160x128xi32, #tpu.memory_space<vmem>> -> memref<1x128xi32, #tpu.memory_space<vmem>>
    %dma_wait3A_135 = tpu.memref_squeeze %dma_wait3A_134 : memref<1x128xi32, #tpu.memory_space<vmem>> -> memref<128xi32, #tpu.memory_space<vmem>>
    %dma_wait3A_136 = arith.constant 0 : i32
    %dma_wait3A_137 = arith.constant 0 : i32
    %dma_wait3A_138 = tpu.memref_slice %arg13[%dma_wait3A_136, %dma_wait3A_137] : memref<10240x64xf32, #tpu.memory_space<vmem_shared>> -> memref<10240x64xf32, #tpu.memory_space<vmem_shared>>
    tpu.wait_indirect_dma semaphore(%arg15 : memref<!tpu.dma_semaphore, #tpu.memory_space<semaphore_mem>>) src(%arg11 : memref<128x64xf32, #tpu.memory_space<vmem>>) dst(%dma_wait3A_138 : memref<10240x64xf32, #tpu.memory_space<vmem_shared>>)
    %dma_wait3A_139 = arith.constant 159 : i32
    %dma_wait3A_140 = arith.constant 0 : i32
    %dma_wait3A_141 = tpu.memref_slice %arg8[%dma_wait3A_139, %dma_wait3A_140] : memref<160x128xi32, #tpu.memory_space<vmem>> -> memref<1x128xi32, #tpu.memory_space<vmem>>
    %dma_wait3A_142 = tpu.memref_squeeze %dma_wait3A_141 : memref<1x128xi32, #tpu.memory_space<vmem>> -> memref<128xi32, #tpu.memory_space<vmem>>
    %dma_wait3A_143 = arith.constant 0 : i32
    %dma_wait3A_144 = arith.constant 0 : i32
    %dma_wait3A_145 = tpu.memref_slice %arg13[%dma_wait3A_143, %dma_wait3A_144] : memref<10240x64xf32, #tpu.memory_space<vmem_shared>> -> memref<10240x64xf32, #tpu.memory_space<vmem_shared>>
    tpu.wait_indirect_dma semaphore(%arg15 : memref<!tpu.dma_semaphore, #tpu.memory_space<semaphore_mem>>) src(%arg12 : memref<128x64xf32, #tpu.memory_space<vmem>>) dst(%dma_wait3A_145 : memref<10240x64xf32, #tpu.memory_space<vmem_shared>>)
    %barrier3A_146 = arith.constant 0 : index
    tpu.barrier barrier_id(%barrier3A_146)
    %mul3A_147 = arith.constant 64 : i32
    %mul3A_148 = arith.muli %arg0, %mul3A_147 : i32
    "tpu.region"() ({
      %run_scoped3A = tpu.sem_alloc : memref<!tpu.dma_semaphore, #tpu.memory_space<semaphore_mem>>
      %dma_start3A_149 = tpu.memref_slice %arg6[%mul3A_0, %mul3A_148] : memref<10240x128xf32, #tpu.memory_space<hbm>> -> memref<640x64xf32, #tpu.memory_space<hbm>>
      %dma_start3A_150 = arith.constant 0 : i32
      %dma_start3A_151 = tpu.memref_slice %arg13[%mul3A_0, %dma_start3A_150] : memref<10240x64xf32, #tpu.memory_space<vmem_shared>> -> memref<640x64xf32, #tpu.memory_space<vmem_shared>>
      tpu.enqueue_dma source(%dma_start3A_151 : memref<640x64xf32, #tpu.memory_space<vmem_shared>>) target(%dma_start3A_149 : memref<640x64xf32, #tpu.memory_space<hbm>>) target_semaphore(%run_scoped3A : memref<!tpu.dma_semaphore, #tpu.memory_space<semaphore_mem>>)
      %dma_wait3A_152 = tpu.memref_slice %arg6[%mul3A_0, %mul3A_148] : memref<10240x128xf32, #tpu.memory_space<hbm>> -> memref<640x64xf32, #tpu.memory_space<hbm>>
      %dma_wait3A_153 = arith.constant 0 : i32
      %dma_wait3A_154 = tpu.memref_slice %arg13[%mul3A_0, %dma_wait3A_153] : memref<10240x64xf32, #tpu.memory_space<vmem_shared>> -> memref<640x64xf32, #tpu.memory_space<vmem_shared>>
      tpu.wait_dma2 semaphore(%run_scoped3A : memref<!tpu.dma_semaphore, #tpu.memory_space<semaphore_mem>>) src(%dma_wait3A_154 : memref<640x64xf32, #tpu.memory_space<vmem_shared>>) dst(%dma_wait3A_152 : memref<640x64xf32, #tpu.memory_space<hbm>>)
      tpu.yield
    }) : () -> ()
    return
  }
}

#map = affine_map<(d0, d1) -> (0, 0, 0, 0)>
#map1 = affine_map<(d0, d1) -> (0, 0)>
module attributes {stable_mosaic.version = 14 : i64} {
  func.func @_deg_kernel(%arg0: i32, %arg1: i32, %arg2: memref<2x32x80x128xi32, #tpu.memory_space<hbm>>, %arg3: memref<128x16xf32, #tpu.memory_space<hbm>>, %arg4: memref<10240x16xf32, #tpu.memory_space<hbm>>, %arg5: memref<10240x128xf32, #tpu.memory_space<hbm>>, %arg6: memref<80x128xi32, #tpu.memory_space<vmem>>, %arg7: memref<128x16xf32, #tpu.memory_space<vmem>>, %arg8: memref<10240x16xf32, #tpu.memory_space<vmem_shared>>, %arg9: memref<!tpu.dma_semaphore, #tpu.memory_space<semaphore_mem>>) attributes {dimension_semantics = [#tpu.dimension_semantics<core_parallel>, #tpu.dimension_semantics<subcore_parallel>], iteration_bounds = array<i64: 2, 16>, scalar_prefetch = 0 : i64, scratch_operands = 4 : i64, tpu.core_type = #tpu.core_type<sc_vector_subcore>, window_params = [{transform_indices = #map}, {transform_indices = #map1}, {transform_indices = #map1}, {transform_indices = #map1}]} {
    %mul3A = arith.constant 16 : i32
    %mul3A_0 = arith.muli %arg0, %mul3A : i32
    %add3A = arith.addi %mul3A_0, %arg1 : i32
    %mul3A_1 = arith.constant 640 : i32
    %mul3A_2 = arith.muli %arg1, %mul3A_1 : i32
    %dma_start3A = arith.constant 0 : i32
    %dma_start3A_3 = tpu.memref_slice %arg8[%mul3A_2, %dma_start3A] : memref<10240x16xf32, #tpu.memory_space<vmem_shared>> -> memref<640x16xf32, #tpu.memory_space<vmem_shared>>
    %dma_start3A_4 = arith.constant 0 : i32
    %dma_start3A_5 = tpu.memref_slice %arg4[%mul3A_2, %dma_start3A_4] : memref<10240x16xf32, #tpu.memory_space<hbm>> -> memref<640x16xf32, #tpu.memory_space<hbm>>
    tpu.enqueue_dma source(%dma_start3A_5 : memref<640x16xf32, #tpu.memory_space<hbm>>) target(%dma_start3A_3 : memref<640x16xf32, #tpu.memory_space<vmem_shared>>) target_semaphore(%arg9 : memref<!tpu.dma_semaphore, #tpu.memory_space<semaphore_mem>>)
    %dma_start3A_6 = arith.constant 1 : i32
    %dma_start3A_7 = arith.constant 0 : i32
    %dma_start3A_8 = arith.constant 0 : i32
    %dma_start3A_9 = tpu.memref_slice %arg2[%dma_start3A_6, %add3A, %dma_start3A_7, %dma_start3A_8] : memref<2x32x80x128xi32, #tpu.memory_space<hbm>> -> memref<1x1x80x128xi32, #tpu.memory_space<hbm>>
    %dma_start3A_10 = tpu.memref_squeeze %dma_start3A_9 : memref<1x1x80x128xi32, #tpu.memory_space<hbm>> -> memref<80x128xi32, #tpu.memory_space<hbm>>
    %dma_start3A_11 = arith.constant 0 : i32
    %dma_start3A_12 = arith.constant 0 : i32
    %dma_start3A_13 = tpu.memref_slice %arg2[%dma_start3A_6, %add3A, %dma_start3A_11, %dma_start3A_12] : memref<2x32x80x128xi32, #tpu.memory_space<hbm>> -> memref<1x1x80x128xi32, #tpu.memory_space<hbm>>
    %dma_start3A_14 = tpu.memref_squeeze %dma_start3A_13 : memref<1x1x80x128xi32, #tpu.memory_space<hbm>> -> memref<80x128xi32, #tpu.memory_space<hbm>>
    tpu.enqueue_dma source(%dma_start3A_14 : memref<80x128xi32, #tpu.memory_space<hbm>>) target(%arg6 : memref<80x128xi32, #tpu.memory_space<vmem>>) target_semaphore(%arg9 : memref<!tpu.dma_semaphore, #tpu.memory_space<semaphore_mem>>)
    tpu.enqueue_dma source(%arg3 : memref<128x16xf32, #tpu.memory_space<hbm>>) target(%arg7 : memref<128x16xf32, #tpu.memory_space<vmem>>) target_semaphore(%arg9 : memref<!tpu.dma_semaphore, #tpu.memory_space<semaphore_mem>>)
    %dma_wait3A = arith.constant 0 : i32
    %dma_wait3A_15 = tpu.memref_slice %arg8[%mul3A_2, %dma_wait3A] : memref<10240x16xf32, #tpu.memory_space<vmem_shared>> -> memref<640x16xf32, #tpu.memory_space<vmem_shared>>
    %dma_wait3A_16 = arith.constant 0 : i32
    %dma_wait3A_17 = tpu.memref_slice %arg4[%mul3A_2, %dma_wait3A_16] : memref<10240x16xf32, #tpu.memory_space<hbm>> -> memref<640x16xf32, #tpu.memory_space<hbm>>
    tpu.wait_dma2 semaphore(%arg9 : memref<!tpu.dma_semaphore, #tpu.memory_space<semaphore_mem>>) src(%dma_wait3A_17 : memref<640x16xf32, #tpu.memory_space<hbm>>) dst(%dma_wait3A_15 : memref<640x16xf32, #tpu.memory_space<vmem_shared>>)
    %dma_wait3A_18 = arith.constant 1 : i32
    %dma_wait3A_19 = arith.constant 0 : i32
    %dma_wait3A_20 = arith.constant 0 : i32
    %dma_wait3A_21 = tpu.memref_slice %arg2[%dma_wait3A_18, %add3A, %dma_wait3A_19, %dma_wait3A_20] : memref<2x32x80x128xi32, #tpu.memory_space<hbm>> -> memref<1x1x80x128xi32, #tpu.memory_space<hbm>>
    %dma_wait3A_22 = tpu.memref_squeeze %dma_wait3A_21 : memref<1x1x80x128xi32, #tpu.memory_space<hbm>> -> memref<80x128xi32, #tpu.memory_space<hbm>>
    %dma_wait3A_23 = arith.constant 0 : i32
    %dma_wait3A_24 = arith.constant 0 : i32
    %dma_wait3A_25 = tpu.memref_slice %arg2[%dma_wait3A_18, %add3A, %dma_wait3A_23, %dma_wait3A_24] : memref<2x32x80x128xi32, #tpu.memory_space<hbm>> -> memref<1x1x80x128xi32, #tpu.memory_space<hbm>>
    %dma_wait3A_26 = tpu.memref_squeeze %dma_wait3A_25 : memref<1x1x80x128xi32, #tpu.memory_space<hbm>> -> memref<80x128xi32, #tpu.memory_space<hbm>>
    tpu.wait_dma2 semaphore(%arg9 : memref<!tpu.dma_semaphore, #tpu.memory_space<semaphore_mem>>) src(%dma_wait3A_26 : memref<80x128xi32, #tpu.memory_space<hbm>>) dst(%arg6 : memref<80x128xi32, #tpu.memory_space<vmem>>)
    tpu.wait_dma2 semaphore(%arg9 : memref<!tpu.dma_semaphore, #tpu.memory_space<semaphore_mem>>) src(%arg3 : memref<128x16xf32, #tpu.memory_space<hbm>>) dst(%arg7 : memref<128x16xf32, #tpu.memory_space<vmem>>)
    %barrier3A = arith.constant 0 : index
    tpu.barrier barrier_id(%barrier3A)
    %scan3A = arith.constant 0 : i32
    %scan3A_27 = arith.constant 0 : i32
    %scan3A_28 = arith.constant 80 : i32
    %scan3A_29 = arith.addi %scan3A_27, %scan3A_28 : i32
    %scan3A_30 = arith.constant 1 : i32
    scf.for %scan3A_35 = %scan3A_27 to %scan3A_29 step %scan3A_30  : i32 {
      "tpu.region"() ({
        %run_scoped3A = tpu.sem_alloc : memref<!tpu.dma_semaphore, #tpu.memory_space<semaphore_mem>>
        %dma_start3A_36 = arith.constant 0 : i32
        %dma_start3A_37 = tpu.memref_slice %arg6[%scan3A_35, %dma_start3A_36] : memref<80x128xi32, #tpu.memory_space<vmem>> -> memref<1x128xi32, #tpu.memory_space<vmem>>
        %dma_start3A_38 = tpu.memref_squeeze %dma_start3A_37 : memref<1x128xi32, #tpu.memory_space<vmem>> -> memref<128xi32, #tpu.memory_space<vmem>>
        %dma_start3A_39 = arith.constant 0 : i32
        %dma_start3A_40 = arith.constant 0 : i32
        %dma_start3A_41 = tpu.memref_slice %arg8[%dma_start3A_39, %dma_start3A_40] : memref<10240x16xf32, #tpu.memory_space<vmem_shared>> -> memref<10240x16xf32, #tpu.memory_space<vmem_shared>>
        tpu.enqueue_indirect_dma source(%arg7 : memref<128x16xf32, #tpu.memory_space<vmem>>) target(%dma_start3A_41 : memref<10240x16xf32, #tpu.memory_space<vmem_shared>>) offsets(%dma_start3A_38 : memref<128xi32, #tpu.memory_space<vmem>>) semaphore(%run_scoped3A : memref<!tpu.dma_semaphore, #tpu.memory_space<semaphore_mem>>) {add = true}
        %dma_wait3A_42 = arith.constant 0 : i32
        %dma_wait3A_43 = tpu.memref_slice %arg6[%scan3A_35, %dma_wait3A_42] : memref<80x128xi32, #tpu.memory_space<vmem>> -> memref<1x128xi32, #tpu.memory_space<vmem>>
        %dma_wait3A_44 = tpu.memref_squeeze %dma_wait3A_43 : memref<1x128xi32, #tpu.memory_space<vmem>> -> memref<128xi32, #tpu.memory_space<vmem>>
        %dma_wait3A_45 = arith.constant 0 : i32
        %dma_wait3A_46 = arith.constant 0 : i32
        %dma_wait3A_47 = tpu.memref_slice %arg8[%dma_wait3A_45, %dma_wait3A_46] : memref<10240x16xf32, #tpu.memory_space<vmem_shared>> -> memref<10240x16xf32, #tpu.memory_space<vmem_shared>>
        tpu.wait_indirect_dma semaphore(%run_scoped3A : memref<!tpu.dma_semaphore, #tpu.memory_space<semaphore_mem>>) src(%arg7 : memref<128x16xf32, #tpu.memory_space<vmem>>) dst(%dma_wait3A_47 : memref<10240x16xf32, #tpu.memory_space<vmem_shared>>)
        tpu.yield
      }) : () -> ()
    }
    %scan3A_31 = arith.constant 80 : i32
    %barrier3A_32 = arith.constant 0 : index
    tpu.barrier barrier_id(%barrier3A_32)
    %mul3A_33 = arith.constant 16 : i32
    %mul3A_34 = arith.muli %arg0, %mul3A_33 : i32
    "tpu.region"() ({
      %run_scoped3A = tpu.sem_alloc : memref<!tpu.dma_semaphore, #tpu.memory_space<semaphore_mem>>
      %dma_start3A_35 = tpu.memref_slice %arg5[%mul3A_2, %mul3A_34] : memref<10240x128xf32, #tpu.memory_space<hbm>> -> memref<640x16xf32, #tpu.memory_space<hbm>>
      %dma_start3A_36 = arith.constant 0 : i32
      %dma_start3A_37 = tpu.memref_slice %arg8[%mul3A_2, %dma_start3A_36] : memref<10240x16xf32, #tpu.memory_space<vmem_shared>> -> memref<640x16xf32, #tpu.memory_space<vmem_shared>>
      tpu.enqueue_dma source(%dma_start3A_37 : memref<640x16xf32, #tpu.memory_space<vmem_shared>>) target(%dma_start3A_35 : memref<640x16xf32, #tpu.memory_space<hbm>>) target_semaphore(%run_scoped3A : memref<!tpu.dma_semaphore, #tpu.memory_space<semaphore_mem>>)
      %dma_wait3A_38 = tpu.memref_slice %arg5[%mul3A_2, %mul3A_34] : memref<10240x128xf32, #tpu.memory_space<hbm>> -> memref<640x16xf32, #tpu.memory_space<hbm>>
      %dma_wait3A_39 = arith.constant 0 : i32
      %dma_wait3A_40 = tpu.memref_slice %arg8[%mul3A_2, %dma_wait3A_39] : memref<10240x16xf32, #tpu.memory_space<vmem_shared>> -> memref<640x16xf32, #tpu.memory_space<vmem_shared>>
      tpu.wait_dma2 semaphore(%run_scoped3A : memref<!tpu.dma_semaphore, #tpu.memory_space<semaphore_mem>>) src(%dma_wait3A_40 : memref<640x16xf32, #tpu.memory_space<vmem_shared>>) dst(%dma_wait3A_38 : memref<640x16xf32, #tpu.memory_space<hbm>>)
      tpu.yield
    }) : () -> ()
    return
  }
}

#map = affine_map<(d0, d1) -> (0, 0)>
#map1 = affine_map<(d0, d1) -> (0, 0, 0)>
#map2 = affine_map<(d0, d1) -> (0, 0, 0, 0)>
module attributes {stable_mosaic.version = 14 : i64} {
  func.func @_agg_kernel(%arg0: i32, %arg1: i32, %arg2: memref<20480x64xf32, #tpu.memory_space<hbm>>, %arg3: memref<2x16x20480xi32, #tpu.memory_space<hbm>>, %arg4: memref<2x16x160x128xi32, #tpu.memory_space<hbm>>, %arg5: memref<10240x64xf32, #tpu.memory_space<hbm>>, %arg6: memref<10240x128xf32, #tpu.memory_space<hbm>>, %arg7: memref<20480xi32, #tpu.memory_space<vmem>>, %arg8: memref<160x128xi32, #tpu.memory_space<vmem>>, %arg9: memref<128x64xf32, #tpu.memory_space<vmem>>, %arg10: memref<128x64xf32, #tpu.memory_space<vmem>>, %arg11: memref<128x64xf32, #tpu.memory_space<vmem>>, %arg12: memref<128x64xf32, #tpu.memory_space<vmem>>, %arg13: memref<10240x64xf32, #tpu.memory_space<vmem_shared>>, %arg14: memref<!tpu.dma_semaphore, #tpu.memory_space<semaphore_mem>>, %arg15: memref<!tpu.dma_semaphore, #tpu.memory_space<semaphore_mem>>) attributes {dimension_semantics = [#tpu.dimension_semantics<core_parallel>, #tpu.dimension_semantics<subcore_parallel>], iteration_bounds = array<i64: 2, 16>, scalar_prefetch = 0 : i64, scratch_operands = 9 : i64, tpu.core_type = #tpu.core_type<sc_vector_subcore>, window_params = [{transform_indices = #map}, {transform_indices = #map1}, {transform_indices = #map2}, {transform_indices = #map}, {transform_indices = #map}]} {
    %mul3A = arith.constant 640 : i32
    %mul3A_0 = arith.muli %arg1, %mul3A : i32
    %dma_start3A = arith.constant 0 : i32
    %dma_start3A_1 = tpu.memref_slice %arg13[%mul3A_0, %dma_start3A] : memref<10240x64xf32, #tpu.memory_space<vmem_shared>> -> memref<640x64xf32, #tpu.memory_space<vmem_shared>>
    %dma_start3A_2 = arith.constant 0 : i32
    %dma_start3A_3 = tpu.memref_slice %arg5[%mul3A_0, %dma_start3A_2] : memref<10240x64xf32, #tpu.memory_space<hbm>> -> memref<640x64xf32, #tpu.memory_space<hbm>>
    tpu.enqueue_dma source(%dma_start3A_3 : memref<640x64xf32, #tpu.memory_space<hbm>>) target(%dma_start3A_1 : memref<640x64xf32, #tpu.memory_space<vmem_shared>>) target_semaphore(%arg15 : memref<!tpu.dma_semaphore, #tpu.memory_space<semaphore_mem>>)
    %dma_start3A_4 = arith.constant 0 : i32
    %dma_start3A_5 = arith.constant 0 : i32
    %dma_start3A_6 = tpu.memref_slice %arg3[%dma_start3A_4, %arg1, %dma_start3A_5] : memref<2x16x20480xi32, #tpu.memory_space<hbm>> -> memref<1x1x20480xi32, #tpu.memory_space<hbm>>
    %dma_start3A_7 = tpu.memref_squeeze %dma_start3A_6 : memref<1x1x20480xi32, #tpu.memory_space<hbm>> -> memref<20480xi32, #tpu.memory_space<hbm>>
    %dma_start3A_8 = arith.constant 0 : i32
    %dma_start3A_9 = tpu.memref_slice %arg3[%dma_start3A_4, %arg1, %dma_start3A_8] : memref<2x16x20480xi32, #tpu.memory_space<hbm>> -> memref<1x1x20480xi32, #tpu.memory_space<hbm>>
    %dma_start3A_10 = tpu.memref_squeeze %dma_start3A_9 : memref<1x1x20480xi32, #tpu.memory_space<hbm>> -> memref<20480xi32, #tpu.memory_space<hbm>>
    tpu.enqueue_dma source(%dma_start3A_10 : memref<20480xi32, #tpu.memory_space<hbm>>) target(%arg7 : memref<20480xi32, #tpu.memory_space<vmem>>) target_semaphore(%arg14 : memref<!tpu.dma_semaphore, #tpu.memory_space<semaphore_mem>>)
    %dma_start3A_11 = arith.constant 1 : i32
    %dma_start3A_12 = arith.constant 0 : i32
    %dma_start3A_13 = arith.constant 0 : i32
    %dma_start3A_14 = tpu.memref_slice %arg4[%dma_start3A_11, %arg1, %dma_start3A_12, %dma_start3A_13] : memref<2x16x160x128xi32, #tpu.memory_space<hbm>> -> memref<1x1x160x128xi32, #tpu.memory_space<hbm>>
    %dma_start3A_15 = tpu.memref_squeeze %dma_start3A_14 : memref<1x1x160x128xi32, #tpu.memory_space<hbm>> -> memref<160x128xi32, #tpu.memory_space<hbm>>
    %dma_start3A_16 = arith.constant 0 : i32
    %dma_start3A_17 = arith.constant 0 : i32
    %dma_start3A_18 = tpu.memref_slice %arg4[%dma_start3A_11, %arg1, %dma_start3A_16, %dma_start3A_17] : memref<2x16x160x128xi32, #tpu.memory_space<hbm>> -> memref<1x1x160x128xi32, #tpu.memory_space<hbm>>
    %dma_start3A_19 = tpu.memref_squeeze %dma_start3A_18 : memref<1x1x160x128xi32, #tpu.memory_space<hbm>> -> memref<160x128xi32, #tpu.memory_space<hbm>>
    tpu.enqueue_dma source(%dma_start3A_19 : memref<160x128xi32, #tpu.memory_space<hbm>>) target(%arg8 : memref<160x128xi32, #tpu.memory_space<vmem>>) target_semaphore(%arg14 : memref<!tpu.dma_semaphore, #tpu.memory_space<semaphore_mem>>)
    %dma_wait3A = arith.constant 0 : i32
    %dma_wait3A_20 = arith.constant 0 : i32
    %dma_wait3A_21 = tpu.memref_slice %arg3[%dma_wait3A, %arg1, %dma_wait3A_20] : memref<2x16x20480xi32, #tpu.memory_space<hbm>> -> memref<1x1x20480xi32, #tpu.memory_space<hbm>>
    %dma_wait3A_22 = tpu.memref_squeeze %dma_wait3A_21 : memref<1x1x20480xi32, #tpu.memory_space<hbm>> -> memref<20480xi32, #tpu.memory_space<hbm>>
    %dma_wait3A_23 = arith.constant 0 : i32
    %dma_wait3A_24 = tpu.memref_slice %arg3[%dma_wait3A, %arg1, %dma_wait3A_23] : memref<2x16x20480xi32, #tpu.memory_space<hbm>> -> memref<1x1x20480xi32, #tpu.memory_space<hbm>>
    %dma_wait3A_25 = tpu.memref_squeeze %dma_wait3A_24 : memref<1x1x20480xi32, #tpu.memory_space<hbm>> -> memref<20480xi32, #tpu.memory_space<hbm>>
    tpu.wait_dma2 semaphore(%arg14 : memref<!tpu.dma_semaphore, #tpu.memory_space<semaphore_mem>>) src(%dma_wait3A_25 : memref<20480xi32, #tpu.memory_space<hbm>>) dst(%arg7 : memref<20480xi32, #tpu.memory_space<vmem>>)
    %scan3A = arith.constant 0 : i32
    %scan3A_26 = arith.constant 0 : i32
    %scan3A_27 = arith.constant 160 : i32
    %scan3A_28 = arith.addi %scan3A_26, %scan3A_27 : i32
    %scan3A_29 = arith.constant 1 : i32
    scf.for %scan3A_149 = %scan3A_26 to %scan3A_28 step %scan3A_29  : i32 {
      %mul3A_150 = arith.constant 128 : i32
      %mul3A_151 = arith.muli %scan3A_149, %mul3A_150 : i32
      %add3A = arith.constant 0 : i32
      %add3A_152 = arith.addi %mul3A_151, %add3A : i32
      %get3A = arith.index_cast %add3A_152 : i32 to index
      %get3A_153 = tpu.vector_load %arg7[%get3A] {strides = array<i32>} : memref<20480xi32, #tpu.memory_space<vmem>>, vector<16xi32>,
      %get3A_154 = vector.shape_cast %get3A_153 : vector<16xi32> to vector<16xi32>
      %add3A_155 = vector.broadcast %arg0 : i32 to vector<16xi32>
      %add3A_156 = arith.addi %get3A_154, %add3A_155 : vector<16xi32>
      %swap3A = arith.index_cast %add3A_152 : i32 to index
      %swap3A_157 = tpu.vector_load %arg7[%swap3A] {strides = array<i32>} : memref<20480xi32, #tpu.memory_space<vmem>>, vector<16xi32>,
      %swap3A_158 = vector.shape_cast %swap3A_157 : vector<16xi32> to vector<16xi32>
      %swap3A_159 = vector.shape_cast %add3A_156 : vector<16xi32> to vector<16xi32>
      tpu.vector_store %arg7[%swap3A], %swap3A_159 {strides = array<i32>} : memref<20480xi32, #tpu.memory_space<vmem>>, vector<16xi32>,
      %mul3A_160 = arith.constant 128 : i32
      %mul3A_161 = arith.muli %scan3A_149, %mul3A_160 : i32
      %add3A_162 = arith.constant 16 : i32
      %add3A_163 = arith.addi %mul3A_161, %add3A_162 : i32
      %get3A_164 = arith.index_cast %add3A_163 : i32 to index
      %get3A_165 = tpu.vector_load %arg7[%get3A_164] {strides = array<i32>} : memref<20480xi32, #tpu.memory_space<vmem>>, vector<16xi32>,
      %get3A_166 = vector.shape_cast %get3A_165 : vector<16xi32> to vector<16xi32>
      %add3A_167 = vector.broadcast %arg0 : i32 to vector<16xi32>
      %add3A_168 = arith.addi %get3A_166, %add3A_167 : vector<16xi32>
      %swap3A_169 = arith.index_cast %add3A_163 : i32 to index
      %swap3A_170 = tpu.vector_load %arg7[%swap3A_169] {strides = array<i32>} : memref<20480xi32, #tpu.memory_space<vmem>>, vector<16xi32>,
      %swap3A_171 = vector.shape_cast %swap3A_170 : vector<16xi32> to vector<16xi32>
      %swap3A_172 = vector.shape_cast %add3A_168 : vector<16xi32> to vector<16xi32>
      tpu.vector_store %arg7[%swap3A_169], %swap3A_172 {strides = array<i32>} : memref<20480xi32, #tpu.memory_space<vmem>>, vector<16xi32>,
      %mul3A_173 = arith.constant 128 : i32
      %mul3A_174 = arith.muli %scan3A_149, %mul3A_173 : i32
      %add3A_175 = arith.constant 32 : i32
      %add3A_176 = arith.addi %mul3A_174, %add3A_175 : i32
      %get3A_177 = arith.index_cast %add3A_176 : i32 to index
      %get3A_178 = tpu.vector_load %arg7[%get3A_177] {strides = array<i32>} : memref<20480xi32, #tpu.memory_space<vmem>>, vector<16xi32>,
      %get3A_179 = vector.shape_cast %get3A_178 : vector<16xi32> to vector<16xi32>
      %add3A_180 = vector.broadcast %arg0 : i32 to vector<16xi32>
      %add3A_181 = arith.addi %get3A_179, %add3A_180 : vector<16xi32>
      %swap3A_182 = arith.index_cast %add3A_176 : i32 to index
      %swap3A_183 = tpu.vector_load %arg7[%swap3A_182] {strides = array<i32>} : memref<20480xi32, #tpu.memory_space<vmem>>, vector<16xi32>,
      %swap3A_184 = vector.shape_cast %swap3A_183 : vector<16xi32> to vector<16xi32>
      %swap3A_185 = vector.shape_cast %add3A_181 : vector<16xi32> to vector<16xi32>
      tpu.vector_store %arg7[%swap3A_182], %swap3A_185 {strides = array<i32>} : memref<20480xi32, #tpu.memory_space<vmem>>, vector<16xi32>,
      %mul3A_186 = arith.constant 128 : i32
      %mul3A_187 = arith.muli %scan3A_149, %mul3A_186 : i32
      %add3A_188 = arith.constant 48 : i32
      %add3A_189 = arith.addi %mul3A_187, %add3A_188 : i32
      %get3A_190 = arith.index_cast %add3A_189 : i32 to index
      %get3A_191 = tpu.vector_load %arg7[%get3A_190] {strides = array<i32>} : memref<20480xi32, #tpu.memory_space<vmem>>, vector<16xi32>,
      %get3A_192 = vector.shape_cast %get3A_191 : vector<16xi32> to vector<16xi32>
      %add3A_193 = vector.broadcast %arg0 : i32 to vector<16xi32>
      %add3A_194 = arith.addi %get3A_192, %add3A_193 : vector<16xi32>
      %swap3A_195 = arith.index_cast %add3A_189 : i32 to index
      %swap3A_196 = tpu.vector_load %arg7[%swap3A_195] {strides = array<i32>} : memref<20480xi32, #tpu.memory_space<vmem>>, vector<16xi32>,
      %swap3A_197 = vector.shape_cast %swap3A_196 : vector<16xi32> to vector<16xi32>
      %swap3A_198 = vector.shape_cast %add3A_194 : vector<16xi32> to vector<16xi32>
      tpu.vector_store %arg7[%swap3A_195], %swap3A_198 {strides = array<i32>} : memref<20480xi32, #tpu.memory_space<vmem>>, vector<16xi32>,
      %mul3A_199 = arith.constant 128 : i32
      %mul3A_200 = arith.muli %scan3A_149, %mul3A_199 : i32
      %add3A_201 = arith.constant 64 : i32
      %add3A_202 = arith.addi %mul3A_200, %add3A_201 : i32
      %get3A_203 = arith.index_cast %add3A_202 : i32 to index
      %get3A_204 = tpu.vector_load %arg7[%get3A_203] {strides = array<i32>} : memref<20480xi32, #tpu.memory_space<vmem>>, vector<16xi32>,
      %get3A_205 = vector.shape_cast %get3A_204 : vector<16xi32> to vector<16xi32>
      %add3A_206 = vector.broadcast %arg0 : i32 to vector<16xi32>
      %add3A_207 = arith.addi %get3A_205, %add3A_206 : vector<16xi32>
      %swap3A_208 = arith.index_cast %add3A_202 : i32 to index
      %swap3A_209 = tpu.vector_load %arg7[%swap3A_208] {strides = array<i32>} : memref<20480xi32, #tpu.memory_space<vmem>>, vector<16xi32>,
      %swap3A_210 = vector.shape_cast %swap3A_209 : vector<16xi32> to vector<16xi32>
      %swap3A_211 = vector.shape_cast %add3A_207 : vector<16xi32> to vector<16xi32>
      tpu.vector_store %arg7[%swap3A_208], %swap3A_211 {strides = array<i32>} : memref<20480xi32, #tpu.memory_space<vmem>>, vector<16xi32>,
      %mul3A_212 = arith.constant 128 : i32
      %mul3A_213 = arith.muli %scan3A_149, %mul3A_212 : i32
      %add3A_214 = arith.constant 80 : i32
      %add3A_215 = arith.addi %mul3A_213, %add3A_214 : i32
      %get3A_216 = arith.index_cast %add3A_215 : i32 to index
      %get3A_217 = tpu.vector_load %arg7[%get3A_216] {strides = array<i32>} : memref<20480xi32, #tpu.memory_space<vmem>>, vector<16xi32>,
      %get3A_218 = vector.shape_cast %get3A_217 : vector<16xi32> to vector<16xi32>
      %add3A_219 = vector.broadcast %arg0 : i32 to vector<16xi32>
      %add3A_220 = arith.addi %get3A_218, %add3A_219 : vector<16xi32>
      %swap3A_221 = arith.index_cast %add3A_215 : i32 to index
      %swap3A_222 = tpu.vector_load %arg7[%swap3A_221] {strides = array<i32>} : memref<20480xi32, #tpu.memory_space<vmem>>, vector<16xi32>,
      %swap3A_223 = vector.shape_cast %swap3A_222 : vector<16xi32> to vector<16xi32>
      %swap3A_224 = vector.shape_cast %add3A_220 : vector<16xi32> to vector<16xi32>
      tpu.vector_store %arg7[%swap3A_221], %swap3A_224 {strides = array<i32>} : memref<20480xi32, #tpu.memory_space<vmem>>, vector<16xi32>,
      %mul3A_225 = arith.constant 128 : i32
      %mul3A_226 = arith.muli %scan3A_149, %mul3A_225 : i32
      %add3A_227 = arith.constant 96 : i32
      %add3A_228 = arith.addi %mul3A_226, %add3A_227 : i32
      %get3A_229 = arith.index_cast %add3A_228 : i32 to index
      %get3A_230 = tpu.vector_load %arg7[%get3A_229] {strides = array<i32>} : memref<20480xi32, #tpu.memory_space<vmem>>, vector<16xi32>,
      %get3A_231 = vector.shape_cast %get3A_230 : vector<16xi32> to vector<16xi32>
      %add3A_232 = vector.broadcast %arg0 : i32 to vector<16xi32>
      %add3A_233 = arith.addi %get3A_231, %add3A_232 : vector<16xi32>
      %swap3A_234 = arith.index_cast %add3A_228 : i32 to index
      %swap3A_235 = tpu.vector_load %arg7[%swap3A_234] {strides = array<i32>} : memref<20480xi32, #tpu.memory_space<vmem>>, vector<16xi32>,
      %swap3A_236 = vector.shape_cast %swap3A_235 : vector<16xi32> to vector<16xi32>
      %swap3A_237 = vector.shape_cast %add3A_233 : vector<16xi32> to vector<16xi32>
      tpu.vector_store %arg7[%swap3A_234], %swap3A_237 {strides = array<i32>} : memref<20480xi32, #tpu.memory_space<vmem>>, vector<16xi32>,
      %mul3A_238 = arith.constant 128 : i32
      %mul3A_239 = arith.muli %scan3A_149, %mul3A_238 : i32
      %add3A_240 = arith.constant 112 : i32
      %add3A_241 = arith.addi %mul3A_239, %add3A_240 : i32
      %get3A_242 = arith.index_cast %add3A_241 : i32 to index
      %get3A_243 = tpu.vector_load %arg7[%get3A_242] {strides = array<i32>} : memref<20480xi32, #tpu.memory_space<vmem>>, vector<16xi32>,
      %get3A_244 = vector.shape_cast %get3A_243 : vector<16xi32> to vector<16xi32>
      %add3A_245 = vector.broadcast %arg0 : i32 to vector<16xi32>
      %add3A_246 = arith.addi %get3A_244, %add3A_245 : vector<16xi32>
      %swap3A_247 = arith.index_cast %add3A_241 : i32 to index
      %swap3A_248 = tpu.vector_load %arg7[%swap3A_247] {strides = array<i32>} : memref<20480xi32, #tpu.memory_space<vmem>>, vector<16xi32>,
      %swap3A_249 = vector.shape_cast %swap3A_248 : vector<16xi32> to vector<16xi32>
      %swap3A_250 = vector.shape_cast %add3A_246 : vector<16xi32> to vector<16xi32>
      tpu.vector_store %arg7[%swap3A_247], %swap3A_250 {strides = array<i32>} : memref<20480xi32, #tpu.memory_space<vmem>>, vector<16xi32>,
    }
    %scan3A_30 = arith.constant 160 : i32
    %dma_wait3A_31 = arith.constant 1 : i32
    %dma_wait3A_32 = arith.constant 0 : i32
    %dma_wait3A_33 = arith.constant 0 : i32
    %dma_wait3A_34 = tpu.memref_slice %arg4[%dma_wait3A_31, %arg1, %dma_wait3A_32, %dma_wait3A_33] : memref<2x16x160x128xi32, #tpu.memory_space<hbm>> -> memref<1x1x160x128xi32, #tpu.memory_space<hbm>>
    %dma_wait3A_35 = tpu.memref_squeeze %dma_wait3A_34 : memref<1x1x160x128xi32, #tpu.memory_space<hbm>> -> memref<160x128xi32, #tpu.memory_space<hbm>>
    %dma_wait3A_36 = arith.constant 0 : i32
    %dma_wait3A_37 = arith.constant 0 : i32
    %dma_wait3A_38 = tpu.memref_slice %arg4[%dma_wait3A_31, %arg1, %dma_wait3A_36, %dma_wait3A_37] : memref<2x16x160x128xi32, #tpu.memory_space<hbm>> -> memref<1x1x160x128xi32, #tpu.memory_space<hbm>>
    %dma_wait3A_39 = tpu.memref_squeeze %dma_wait3A_38 : memref<1x1x160x128xi32, #tpu.memory_space<hbm>> -> memref<160x128xi32, #tpu.memory_space<hbm>>
    tpu.wait_dma2 semaphore(%arg14 : memref<!tpu.dma_semaphore, #tpu.memory_space<semaphore_mem>>) src(%dma_wait3A_39 : memref<160x128xi32, #tpu.memory_space<hbm>>) dst(%arg8 : memref<160x128xi32, #tpu.memory_space<vmem>>)
    %dma_wait3A_40 = arith.constant 0 : i32
    %dma_wait3A_41 = tpu.memref_slice %arg13[%mul3A_0, %dma_wait3A_40] : memref<10240x64xf32, #tpu.memory_space<vmem_shared>> -> memref<640x64xf32, #tpu.memory_space<vmem_shared>>
    %dma_wait3A_42 = arith.constant 0 : i32
    %dma_wait3A_43 = tpu.memref_slice %arg5[%mul3A_0, %dma_wait3A_42] : memref<10240x64xf32, #tpu.memory_space<hbm>> -> memref<640x64xf32, #tpu.memory_space<hbm>>
    tpu.wait_dma2 semaphore(%arg15 : memref<!tpu.dma_semaphore, #tpu.memory_space<semaphore_mem>>) src(%dma_wait3A_43 : memref<640x64xf32, #tpu.memory_space<hbm>>) dst(%dma_wait3A_41 : memref<640x64xf32, #tpu.memory_space<vmem_shared>>)
    %barrier3A = arith.constant 0 : index
    tpu.barrier barrier_id(%barrier3A)
    %dma_start3A_44 = arith.constant 0 : i32
    %dma_start3A_45 = tpu.memref_slice %arg7[%dma_start3A_44] : memref<20480xi32, #tpu.memory_space<vmem>> -> memref<128xi32, #tpu.memory_space<vmem>>
    %dma_start3A_46 = arith.constant 0 : i32
    %dma_start3A_47 = arith.constant 0 : i32
    %dma_start3A_48 = tpu.memref_slice %arg2[%dma_start3A_46, %dma_start3A_47] : memref<20480x64xf32, #tpu.memory_space<hbm>> -> memref<20480x64xf32, #tpu.memory_space<hbm>>
    tpu.enqueue_indirect_dma source(%dma_start3A_48 : memref<20480x64xf32, #tpu.memory_space<hbm>>) target(%arg9 : memref<128x64xf32, #tpu.memory_space<vmem>>) offsets(%dma_start3A_45 : memref<128xi32, #tpu.memory_space<vmem>>) semaphore(%arg14 : memref<!tpu.dma_semaphore, #tpu.memory_space<semaphore_mem>>)
    %dma_start3A_49 = arith.constant 128 : i32
    %dma_start3A_50 = tpu.memref_slice %arg7[%dma_start3A_49] : memref<20480xi32, #tpu.memory_space<vmem>> -> memref<128xi32, #tpu.memory_space<vmem>>
    %dma_start3A_51 = arith.constant 0 : i32
    %dma_start3A_52 = arith.constant 0 : i32
    %dma_start3A_53 = tpu.memref_slice %arg2[%dma_start3A_51, %dma_start3A_52] : memref<20480x64xf32, #tpu.memory_space<hbm>> -> memref<20480x64xf32, #tpu.memory_space<hbm>>
    tpu.enqueue_indirect_dma source(%dma_start3A_53 : memref<20480x64xf32, #tpu.memory_space<hbm>>) target(%arg10 : memref<128x64xf32, #tpu.memory_space<vmem>>) offsets(%dma_start3A_50 : memref<128xi32, #tpu.memory_space<vmem>>) semaphore(%arg14 : memref<!tpu.dma_semaphore, #tpu.memory_space<semaphore_mem>>)
    %scan3A_54 = arith.constant 0 : i32
    %scan3A_55 = arith.constant 0 : i32
    %scan3A_56 = arith.constant 39 : i32
    %scan3A_57 = arith.addi %scan3A_55, %scan3A_56 : i32
    %scan3A_58 = arith.constant 1 : i32
    scf.for %scan3A_149 = %scan3A_55 to %scan3A_57 step %scan3A_58  : i32 {
      %mul3A_150 = arith.constant 4 : i32
      %mul3A_151 = arith.muli %mul3A_150, %scan3A_149 : i32
      %add3A = arith.constant 2 : i32
      %add3A_152 = arith.addi %mul3A_151, %add3A : i32
      %mul3A_153 = arith.constant 128 : i32
      %mul3A_154 = arith.muli %add3A_152, %mul3A_153 : i32
      %dma_start3A_155 = tpu.memref_slice %arg7[%mul3A_154] : memref<20480xi32, #tpu.memory_space<vmem>> -> memref<128xi32, #tpu.memory_space<vmem>>
      %dma_start3A_156 = arith.constant 0 : i32
      %dma_start3A_157 = arith.constant 0 : i32
      %dma_start3A_158 = tpu.memref_slice %arg2[%dma_start3A_156, %dma_start3A_157] : memref<20480x64xf32, #tpu.memory_space<hbm>> -> memref<20480x64xf32, #tpu.memory_space<hbm>>
      tpu.enqueue_indirect_dma source(%dma_start3A_158 : memref<20480x64xf32, #tpu.memory_space<hbm>>) target(%arg11 : memref<128x64xf32, #tpu.memory_space<vmem>>) offsets(%dma_start3A_155 : memref<128xi32, #tpu.memory_space<vmem>>) semaphore(%arg14 : memref<!tpu.dma_semaphore, #tpu.memory_space<semaphore_mem>>)
      %add3A_159 = arith.constant 3 : i32
      %add3A_160 = arith.addi %mul3A_151, %add3A_159 : i32
      %mul3A_161 = arith.constant 128 : i32
      %mul3A_162 = arith.muli %add3A_160, %mul3A_161 : i32
      %dma_start3A_163 = tpu.memref_slice %arg7[%mul3A_162] : memref<20480xi32, #tpu.memory_space<vmem>> -> memref<128xi32, #tpu.memory_space<vmem>>
      %dma_start3A_164 = arith.constant 0 : i32
      %dma_start3A_165 = arith.constant 0 : i32
      %dma_start3A_166 = tpu.memref_slice %arg2[%dma_start3A_164, %dma_start3A_165] : memref<20480x64xf32, #tpu.memory_space<hbm>> -> memref<20480x64xf32, #tpu.memory_space<hbm>>
      tpu.enqueue_indirect_dma source(%dma_start3A_166 : memref<20480x64xf32, #tpu.memory_space<hbm>>) target(%arg12 : memref<128x64xf32, #tpu.memory_space<vmem>>) offsets(%dma_start3A_163 : memref<128xi32, #tpu.memory_space<vmem>>) semaphore(%arg14 : memref<!tpu.dma_semaphore, #tpu.memory_space<semaphore_mem>>)
      %mul3A_167 = arith.constant 128 : i32
      %mul3A_168 = arith.muli %mul3A_151, %mul3A_167 : i32
      %dma_wait3A_169 = tpu.memref_slice %arg7[%mul3A_168] : memref<20480xi32, #tpu.memory_space<vmem>> -> memref<128xi32, #tpu.memory_space<vmem>>
      %dma_wait3A_170 = arith.constant 0 : i32
      %dma_wait3A_171 = arith.constant 0 : i32
      %dma_wait3A_172 = tpu.memref_slice %arg2[%dma_wait3A_170, %dma_wait3A_171] : memref<20480x64xf32, #tpu.memory_space<hbm>> -> memref<20480x64xf32, #tpu.memory_space<hbm>>
      tpu.wait_indirect_dma semaphore(%arg14 : memref<!tpu.dma_semaphore, #tpu.memory_space<semaphore_mem>>) src(%dma_wait3A_172 : memref<20480x64xf32, #tpu.memory_space<hbm>>) dst(%arg9 : memref<128x64xf32, #tpu.memory_space<vmem>>)
      %add3A_173 = arith.constant 1 : i32
      %add3A_174 = arith.addi %mul3A_151, %add3A_173 : i32
      %mul3A_175 = arith.constant 128 : i32
      %mul3A_176 = arith.muli %add3A_174, %mul3A_175 : i32
      %dma_wait3A_177 = tpu.memref_slice %arg7[%mul3A_176] : memref<20480xi32, #tpu.memory_space<vmem>> -> memref<128xi32, #tpu.memory_space<vmem>>
      %dma_wait3A_178 = arith.constant 0 : i32
      %dma_wait3A_179 = arith.constant 0 : i32
      %dma_wait3A_180 = tpu.memref_slice %arg2[%dma_wait3A_178, %dma_wait3A_179] : memref<20480x64xf32, #tpu.memory_space<hbm>> -> memref<20480x64xf32, #tpu.memory_space<hbm>>
      tpu.wait_indirect_dma semaphore(%arg14 : memref<!tpu.dma_semaphore, #tpu.memory_space<semaphore_mem>>) src(%dma_wait3A_180 : memref<20480x64xf32, #tpu.memory_space<hbm>>) dst(%arg10 : memref<128x64xf32, #tpu.memory_space<vmem>>)
      %add3A_181 = arith.constant 1 : i32
      %add3A_182 = arith.addi %mul3A_151, %add3A_181 : i32
      %dma_start3A_183 = arith.constant 0 : i32
      %dma_start3A_184 = tpu.memref_slice %arg8[%mul3A_151, %dma_start3A_183] : memref<160x128xi32, #tpu.memory_space<vmem>> -> memref<1x128xi32, #tpu.memory_space<vmem>>
      %dma_start3A_185 = tpu.memref_squeeze %dma_start3A_184 : memref<1x128xi32, #tpu.memory_space<vmem>> -> memref<128xi32, #tpu.memory_space<vmem>>
      %dma_start3A_186 = arith.constant 0 : i32
      %dma_start3A_187 = arith.constant 0 : i32
      %dma_start3A_188 = tpu.memref_slice %arg13[%dma_start3A_186, %dma_start3A_187] : memref<10240x64xf32, #tpu.memory_space<vmem_shared>> -> memref<10240x64xf32, #tpu.memory_space<vmem_shared>>
      tpu.enqueue_indirect_dma source(%arg9 : memref<128x64xf32, #tpu.memory_space<vmem>>) target(%dma_start3A_188 : memref<10240x64xf32, #tpu.memory_space<vmem_shared>>) offsets(%dma_start3A_185 : memref<128xi32, #tpu.memory_space<vmem>>) semaphore(%arg15 : memref<!tpu.dma_semaphore, #tpu.memory_space<semaphore_mem>>) {add = true}
      %dma_start3A_189 = arith.constant 0 : i32
      %dma_start3A_190 = tpu.memref_slice %arg8[%add3A_182, %dma_start3A_189] : memref<160x128xi32, #tpu.memory_space<vmem>> -> memref<1x128xi32, #tpu.memory_space<vmem>>
      %dma_start3A_191 = tpu.memref_squeeze %dma_start3A_190 : memref<1x128xi32, #tpu.memory_space<vmem>> -> memref<128xi32, #tpu.memory_space<vmem>>
      %dma_start3A_192 = arith.constant 0 : i32
      %dma_start3A_193 = arith.constant 0 : i32
      %dma_start3A_194 = tpu.memref_slice %arg13[%dma_start3A_192, %dma_start3A_193] : memref<10240x64xf32, #tpu.memory_space<vmem_shared>> -> memref<10240x64xf32, #tpu.memory_space<vmem_shared>>
      tpu.enqueue_indirect_dma source(%arg10 : memref<128x64xf32, #tpu.memory_space<vmem>>) target(%dma_start3A_194 : memref<10240x64xf32, #tpu.memory_space<vmem_shared>>) offsets(%dma_start3A_191 : memref<128xi32, #tpu.memory_space<vmem>>) semaphore(%arg15 : memref<!tpu.dma_semaphore, #tpu.memory_space<semaphore_mem>>) {add = true}
      %dma_wait3A_195 = arith.constant 0 : i32
      %dma_wait3A_196 = tpu.memref_slice %arg8[%mul3A_151, %dma_wait3A_195] : memref<160x128xi32, #tpu.memory_space<vmem>> -> memref<1x128xi32, #tpu.memory_space<vmem>>
      %dma_wait3A_197 = tpu.memref_squeeze %dma_wait3A_196 : memref<1x128xi32, #tpu.memory_space<vmem>> -> memref<128xi32, #tpu.memory_space<vmem>>
      %dma_wait3A_198 = arith.constant 0 : i32
      %dma_wait3A_199 = arith.constant 0 : i32
      %dma_wait3A_200 = tpu.memref_slice %arg13[%dma_wait3A_198, %dma_wait3A_199] : memref<10240x64xf32, #tpu.memory_space<vmem_shared>> -> memref<10240x64xf32, #tpu.memory_space<vmem_shared>>
      tpu.wait_indirect_dma semaphore(%arg15 : memref<!tpu.dma_semaphore, #tpu.memory_space<semaphore_mem>>) src(%arg9 : memref<128x64xf32, #tpu.memory_space<vmem>>) dst(%dma_wait3A_200 : memref<10240x64xf32, #tpu.memory_space<vmem_shared>>)
      %dma_wait3A_201 = arith.constant 0 : i32
      %dma_wait3A_202 = tpu.memref_slice %arg8[%add3A_182, %dma_wait3A_201] : memref<160x128xi32, #tpu.memory_space<vmem>> -> memref<1x128xi32, #tpu.memory_space<vmem>>
      %dma_wait3A_203 = tpu.memref_squeeze %dma_wait3A_202 : memref<1x128xi32, #tpu.memory_space<vmem>> -> memref<128xi32, #tpu.memory_space<vmem>>
      %dma_wait3A_204 = arith.constant 0 : i32
      %dma_wait3A_205 = arith.constant 0 : i32
      %dma_wait3A_206 = tpu.memref_slice %arg13[%dma_wait3A_204, %dma_wait3A_205] : memref<10240x64xf32, #tpu.memory_space<vmem_shared>> -> memref<10240x64xf32, #tpu.memory_space<vmem_shared>>
      tpu.wait_indirect_dma semaphore(%arg15 : memref<!tpu.dma_semaphore, #tpu.memory_space<semaphore_mem>>) src(%arg10 : memref<128x64xf32, #tpu.memory_space<vmem>>) dst(%dma_wait3A_206 : memref<10240x64xf32, #tpu.memory_space<vmem_shared>>)
      %add3A_207 = arith.constant 4 : i32
      %add3A_208 = arith.addi %mul3A_151, %add3A_207 : i32
      %mul3A_209 = arith.constant 128 : i32
      %mul3A_210 = arith.muli %add3A_208, %mul3A_209 : i32
      %dma_start3A_211 = tpu.memref_slice %arg7[%mul3A_210] : memref<20480xi32, #tpu.memory_space<vmem>> -> memref<128xi32, #tpu.memory_space<vmem>>
      %dma_start3A_212 = arith.constant 0 : i32
      %dma_start3A_213 = arith.constant 0 : i32
      %dma_start3A_214 = tpu.memref_slice %arg2[%dma_start3A_212, %dma_start3A_213] : memref<20480x64xf32, #tpu.memory_space<hbm>> -> memref<20480x64xf32, #tpu.memory_space<hbm>>
      tpu.enqueue_indirect_dma source(%dma_start3A_214 : memref<20480x64xf32, #tpu.memory_space<hbm>>) target(%arg9 : memref<128x64xf32, #tpu.memory_space<vmem>>) offsets(%dma_start3A_211 : memref<128xi32, #tpu.memory_space<vmem>>) semaphore(%arg14 : memref<!tpu.dma_semaphore, #tpu.memory_space<semaphore_mem>>)
      %add3A_215 = arith.constant 5 : i32
      %add3A_216 = arith.addi %mul3A_151, %add3A_215 : i32
      %mul3A_217 = arith.constant 128 : i32
      %mul3A_218 = arith.muli %add3A_216, %mul3A_217 : i32
      %dma_start3A_219 = tpu.memref_slice %arg7[%mul3A_218] : memref<20480xi32, #tpu.memory_space<vmem>> -> memref<128xi32, #tpu.memory_space<vmem>>
      %dma_start3A_220 = arith.constant 0 : i32
      %dma_start3A_221 = arith.constant 0 : i32
      %dma_start3A_222 = tpu.memref_slice %arg2[%dma_start3A_220, %dma_start3A_221] : memref<20480x64xf32, #tpu.memory_space<hbm>> -> memref<20480x64xf32, #tpu.memory_space<hbm>>
      tpu.enqueue_indirect_dma source(%dma_start3A_222 : memref<20480x64xf32, #tpu.memory_space<hbm>>) target(%arg10 : memref<128x64xf32, #tpu.memory_space<vmem>>) offsets(%dma_start3A_219 : memref<128xi32, #tpu.memory_space<vmem>>) semaphore(%arg14 : memref<!tpu.dma_semaphore, #tpu.memory_space<semaphore_mem>>)
      %add3A_223 = arith.constant 2 : i32
      %add3A_224 = arith.addi %mul3A_151, %add3A_223 : i32
      %mul3A_225 = arith.constant 128 : i32
      %mul3A_226 = arith.muli %add3A_224, %mul3A_225 : i32
      %dma_wait3A_227 = tpu.memref_slice %arg7[%mul3A_226] : memref<20480xi32, #tpu.memory_space<vmem>> -> memref<128xi32, #tpu.memory_space<vmem>>
      %dma_wait3A_228 = arith.constant 0 : i32
      %dma_wait3A_229 = arith.constant 0 : i32
      %dma_wait3A_230 = tpu.memref_slice %arg2[%dma_wait3A_228, %dma_wait3A_229] : memref<20480x64xf32, #tpu.memory_space<hbm>> -> memref<20480x64xf32, #tpu.memory_space<hbm>>
      tpu.wait_indirect_dma semaphore(%arg14 : memref<!tpu.dma_semaphore, #tpu.memory_space<semaphore_mem>>) src(%dma_wait3A_230 : memref<20480x64xf32, #tpu.memory_space<hbm>>) dst(%arg11 : memref<128x64xf32, #tpu.memory_space<vmem>>)
      %add3A_231 = arith.constant 3 : i32
      %add3A_232 = arith.addi %mul3A_151, %add3A_231 : i32
      %mul3A_233 = arith.constant 128 : i32
      %mul3A_234 = arith.muli %add3A_232, %mul3A_233 : i32
      %dma_wait3A_235 = tpu.memref_slice %arg7[%mul3A_234] : memref<20480xi32, #tpu.memory_space<vmem>> -> memref<128xi32, #tpu.memory_space<vmem>>
      %dma_wait3A_236 = arith.constant 0 : i32
      %dma_wait3A_237 = arith.constant 0 : i32
      %dma_wait3A_238 = tpu.memref_slice %arg2[%dma_wait3A_236, %dma_wait3A_237] : memref<20480x64xf32, #tpu.memory_space<hbm>> -> memref<20480x64xf32, #tpu.memory_space<hbm>>
      tpu.wait_indirect_dma semaphore(%arg14 : memref<!tpu.dma_semaphore, #tpu.memory_space<semaphore_mem>>) src(%dma_wait3A_238 : memref<20480x64xf32, #tpu.memory_space<hbm>>) dst(%arg12 : memref<128x64xf32, #tpu.memory_space<vmem>>)
      %add3A_239 = arith.constant 2 : i32
      %add3A_240 = arith.addi %mul3A_151, %add3A_239 : i32
      %add3A_241 = arith.constant 3 : i32
      %add3A_242 = arith.addi %mul3A_151, %add3A_241 : i32
      %dma_start3A_243 = arith.constant 0 : i32
      %dma_start3A_244 = tpu.memref_slice %arg8[%add3A_240, %dma_start3A_243] : memref<160x128xi32, #tpu.memory_space<vmem>> -> memref<1x128xi32, #tpu.memory_space<vmem>>
      %dma_start3A_245 = tpu.memref_squeeze %dma_start3A_244 : memref<1x128xi32, #tpu.memory_space<vmem>> -> memref<128xi32, #tpu.memory_space<vmem>>
      %dma_start3A_246 = arith.constant 0 : i32
      %dma_start3A_247 = arith.constant 0 : i32
      %dma_start3A_248 = tpu.memref_slice %arg13[%dma_start3A_246, %dma_start3A_247] : memref<10240x64xf32, #tpu.memory_space<vmem_shared>> -> memref<10240x64xf32, #tpu.memory_space<vmem_shared>>
      tpu.enqueue_indirect_dma source(%arg11 : memref<128x64xf32, #tpu.memory_space<vmem>>) target(%dma_start3A_248 : memref<10240x64xf32, #tpu.memory_space<vmem_shared>>) offsets(%dma_start3A_245 : memref<128xi32, #tpu.memory_space<vmem>>) semaphore(%arg15 : memref<!tpu.dma_semaphore, #tpu.memory_space<semaphore_mem>>) {add = true}
      %dma_start3A_249 = arith.constant 0 : i32
      %dma_start3A_250 = tpu.memref_slice %arg8[%add3A_242, %dma_start3A_249] : memref<160x128xi32, #tpu.memory_space<vmem>> -> memref<1x128xi32, #tpu.memory_space<vmem>>
      %dma_start3A_251 = tpu.memref_squeeze %dma_start3A_250 : memref<1x128xi32, #tpu.memory_space<vmem>> -> memref<128xi32, #tpu.memory_space<vmem>>
      %dma_start3A_252 = arith.constant 0 : i32
      %dma_start3A_253 = arith.constant 0 : i32
      %dma_start3A_254 = tpu.memref_slice %arg13[%dma_start3A_252, %dma_start3A_253] : memref<10240x64xf32, #tpu.memory_space<vmem_shared>> -> memref<10240x64xf32, #tpu.memory_space<vmem_shared>>
      tpu.enqueue_indirect_dma source(%arg12 : memref<128x64xf32, #tpu.memory_space<vmem>>) target(%dma_start3A_254 : memref<10240x64xf32, #tpu.memory_space<vmem_shared>>) offsets(%dma_start3A_251 : memref<128xi32, #tpu.memory_space<vmem>>) semaphore(%arg15 : memref<!tpu.dma_semaphore, #tpu.memory_space<semaphore_mem>>) {add = true}
      %dma_wait3A_255 = arith.constant 0 : i32
      %dma_wait3A_256 = tpu.memref_slice %arg8[%add3A_240, %dma_wait3A_255] : memref<160x128xi32, #tpu.memory_space<vmem>> -> memref<1x128xi32, #tpu.memory_space<vmem>>
      %dma_wait3A_257 = tpu.memref_squeeze %dma_wait3A_256 : memref<1x128xi32, #tpu.memory_space<vmem>> -> memref<128xi32, #tpu.memory_space<vmem>>
      %dma_wait3A_258 = arith.constant 0 : i32
      %dma_wait3A_259 = arith.constant 0 : i32
      %dma_wait3A_260 = tpu.memref_slice %arg13[%dma_wait3A_258, %dma_wait3A_259] : memref<10240x64xf32, #tpu.memory_space<vmem_shared>> -> memref<10240x64xf32, #tpu.memory_space<vmem_shared>>
      tpu.wait_indirect_dma semaphore(%arg15 : memref<!tpu.dma_semaphore, #tpu.memory_space<semaphore_mem>>) src(%arg11 : memref<128x64xf32, #tpu.memory_space<vmem>>) dst(%dma_wait3A_260 : memref<10240x64xf32, #tpu.memory_space<vmem_shared>>)
      %dma_wait3A_261 = arith.constant 0 : i32
      %dma_wait3A_262 = tpu.memref_slice %arg8[%add3A_242, %dma_wait3A_261] : memref<160x128xi32, #tpu.memory_space<vmem>> -> memref<1x128xi32, #tpu.memory_space<vmem>>
      %dma_wait3A_263 = tpu.memref_squeeze %dma_wait3A_262 : memref<1x128xi32, #tpu.memory_space<vmem>> -> memref<128xi32, #tpu.memory_space<vmem>>
      %dma_wait3A_264 = arith.constant 0 : i32
      %dma_wait3A_265 = arith.constant 0 : i32
      %dma_wait3A_266 = tpu.memref_slice %arg13[%dma_wait3A_264, %dma_wait3A_265] : memref<10240x64xf32, #tpu.memory_space<vmem_shared>> -> memref<10240x64xf32, #tpu.memory_space<vmem_shared>>
      tpu.wait_indirect_dma semaphore(%arg15 : memref<!tpu.dma_semaphore, #tpu.memory_space<semaphore_mem>>) src(%arg12 : memref<128x64xf32, #tpu.memory_space<vmem>>) dst(%dma_wait3A_266 : memref<10240x64xf32, #tpu.memory_space<vmem_shared>>)
    }
    %scan3A_59 = arith.constant 39 : i32
    %dma_start3A_60 = arith.constant 20224 : i32
    %dma_start3A_61 = tpu.memref_slice %arg7[%dma_start3A_60] : memref<20480xi32, #tpu.memory_space<vmem>> -> memref<128xi32, #tpu.memory_space<vmem>>
    %dma_start3A_62 = arith.constant 0 : i32
    %dma_start3A_63 = arith.constant 0 : i32
    %dma_start3A_64 = tpu.memref_slice %arg2[%dma_start3A_62, %dma_start3A_63] : memref<20480x64xf32, #tpu.memory_space<hbm>> -> memref<20480x64xf32, #tpu.memory_space<hbm>>
    tpu.enqueue_indirect_dma source(%dma_start3A_64 : memref<20480x64xf32, #tpu.memory_space<hbm>>) target(%arg11 : memref<128x64xf32, #tpu.memory_space<vmem>>) offsets(%dma_start3A_61 : memref<128xi32, #tpu.memory_space<vmem>>) semaphore(%arg14 : memref<!tpu.dma_semaphore, #tpu.memory_space<semaphore_mem>>)
    %dma_start3A_65 = arith.constant 20352 : i32
    %dma_start3A_66 = tpu.memref_slice %arg7[%dma_start3A_65] : memref<20480xi32, #tpu.memory_space<vmem>> -> memref<128xi32, #tpu.memory_space<vmem>>
    %dma_start3A_67 = arith.constant 0 : i32
    %dma_start3A_68 = arith.constant 0 : i32
    %dma_start3A_69 = tpu.memref_slice %arg2[%dma_start3A_67, %dma_start3A_68] : memref<20480x64xf32, #tpu.memory_space<hbm>> -> memref<20480x64xf32, #tpu.memory_space<hbm>>
    tpu.enqueue_indirect_dma source(%dma_start3A_69 : memref<20480x64xf32, #tpu.memory_space<hbm>>) target(%arg12 : memref<128x64xf32, #tpu.memory_space<vmem>>) offsets(%dma_start3A_66 : memref<128xi32, #tpu.memory_space<vmem>>) semaphore(%arg14 : memref<!tpu.dma_semaphore, #tpu.memory_space<semaphore_mem>>)
    %dma_wait3A_70 = arith.constant 19968 : i32
    %dma_wait3A_71 = tpu.memref_slice %arg7[%dma_wait3A_70] : memref<20480xi32, #tpu.memory_space<vmem>> -> memref<128xi32, #tpu.memory_space<vmem>>
    %dma_wait3A_72 = arith.constant 0 : i32
    %dma_wait3A_73 = arith.constant 0 : i32
    %dma_wait3A_74 = tpu.memref_slice %arg2[%dma_wait3A_72, %dma_wait3A_73] : memref<20480x64xf32, #tpu.memory_space<hbm>> -> memref<20480x64xf32, #tpu.memory_space<hbm>>
    tpu.wait_indirect_dma semaphore(%arg14 : memref<!tpu.dma_semaphore, #tpu.memory_space<semaphore_mem>>) src(%dma_wait3A_74 : memref<20480x64xf32, #tpu.memory_space<hbm>>) dst(%arg9 : memref<128x64xf32, #tpu.memory_space<vmem>>)
    %dma_wait3A_75 = arith.constant 20096 : i32
    %dma_wait3A_76 = tpu.memref_slice %arg7[%dma_wait3A_75] : memref<20480xi32, #tpu.memory_space<vmem>> -> memref<128xi32, #tpu.memory_space<vmem>>
    %dma_wait3A_77 = arith.constant 0 : i32
    %dma_wait3A_78 = arith.constant 0 : i32
    %dma_wait3A_79 = tpu.memref_slice %arg2[%dma_wait3A_77, %dma_wait3A_78] : memref<20480x64xf32, #tpu.memory_space<hbm>> -> memref<20480x64xf32, #tpu.memory_space<hbm>>
    tpu.wait_indirect_dma semaphore(%arg14 : memref<!tpu.dma_semaphore, #tpu.memory_space<semaphore_mem>>) src(%dma_wait3A_79 : memref<20480x64xf32, #tpu.memory_space<hbm>>) dst(%arg10 : memref<128x64xf32, #tpu.memory_space<vmem>>)
    %dma_start3A_80 = arith.constant 156 : i32
    %dma_start3A_81 = arith.constant 0 : i32
    %dma_start3A_82 = tpu.memref_slice %arg8[%dma_start3A_80, %dma_start3A_81] : memref<160x128xi32, #tpu.memory_space<vmem>> -> memref<1x128xi32, #tpu.memory_space<vmem>>
    %dma_start3A_83 = tpu.memref_squeeze %dma_start3A_82 : memref<1x128xi32, #tpu.memory_space<vmem>> -> memref<128xi32, #tpu.memory_space<vmem>>
    %dma_start3A_84 = arith.constant 0 : i32
    %dma_start3A_85 = arith.constant 0 : i32
    %dma_start3A_86 = tpu.memref_slice %arg13[%dma_start3A_84, %dma_start3A_85] : memref<10240x64xf32, #tpu.memory_space<vmem_shared>> -> memref<10240x64xf32, #tpu.memory_space<vmem_shared>>
    tpu.enqueue_indirect_dma source(%arg9 : memref<128x64xf32, #tpu.memory_space<vmem>>) target(%dma_start3A_86 : memref<10240x64xf32, #tpu.memory_space<vmem_shared>>) offsets(%dma_start3A_83 : memref<128xi32, #tpu.memory_space<vmem>>) semaphore(%arg15 : memref<!tpu.dma_semaphore, #tpu.memory_space<semaphore_mem>>) {add = true}
    %dma_start3A_87 = arith.constant 157 : i32
    %dma_start3A_88 = arith.constant 0 : i32
    %dma_start3A_89 = tpu.memref_slice %arg8[%dma_start3A_87, %dma_start3A_88] : memref<160x128xi32, #tpu.memory_space<vmem>> -> memref<1x128xi32, #tpu.memory_space<vmem>>
    %dma_start3A_90 = tpu.memref_squeeze %dma_start3A_89 : memref<1x128xi32, #tpu.memory_space<vmem>> -> memref<128xi32, #tpu.memory_space<vmem>>
    %dma_start3A_91 = arith.constant 0 : i32
    %dma_start3A_92 = arith.constant 0 : i32
    %dma_start3A_93 = tpu.memref_slice %arg13[%dma_start3A_91, %dma_start3A_92] : memref<10240x64xf32, #tpu.memory_space<vmem_shared>> -> memref<10240x64xf32, #tpu.memory_space<vmem_shared>>
    tpu.enqueue_indirect_dma source(%arg10 : memref<128x64xf32, #tpu.memory_space<vmem>>) target(%dma_start3A_93 : memref<10240x64xf32, #tpu.memory_space<vmem_shared>>) offsets(%dma_start3A_90 : memref<128xi32, #tpu.memory_space<vmem>>) semaphore(%arg15 : memref<!tpu.dma_semaphore, #tpu.memory_space<semaphore_mem>>) {add = true}
    %dma_wait3A_94 = arith.constant 156 : i32
    %dma_wait3A_95 = arith.constant 0 : i32
    %dma_wait3A_96 = tpu.memref_slice %arg8[%dma_wait3A_94, %dma_wait3A_95] : memref<160x128xi32, #tpu.memory_space<vmem>> -> memref<1x128xi32, #tpu.memory_space<vmem>>
    %dma_wait3A_97 = tpu.memref_squeeze %dma_wait3A_96 : memref<1x128xi32, #tpu.memory_space<vmem>> -> memref<128xi32, #tpu.memory_space<vmem>>
    %dma_wait3A_98 = arith.constant 0 : i32
    %dma_wait3A_99 = arith.constant 0 : i32
    %dma_wait3A_100 = tpu.memref_slice %arg13[%dma_wait3A_98, %dma_wait3A_99] : memref<10240x64xf32, #tpu.memory_space<vmem_shared>> -> memref<10240x64xf32, #tpu.memory_space<vmem_shared>>
    tpu.wait_indirect_dma semaphore(%arg15 : memref<!tpu.dma_semaphore, #tpu.memory_space<semaphore_mem>>) src(%arg9 : memref<128x64xf32, #tpu.memory_space<vmem>>) dst(%dma_wait3A_100 : memref<10240x64xf32, #tpu.memory_space<vmem_shared>>)
    %dma_wait3A_101 = arith.constant 157 : i32
    %dma_wait3A_102 = arith.constant 0 : i32
    %dma_wait3A_103 = tpu.memref_slice %arg8[%dma_wait3A_101, %dma_wait3A_102] : memref<160x128xi32, #tpu.memory_space<vmem>> -> memref<1x128xi32, #tpu.memory_space<vmem>>
    %dma_wait3A_104 = tpu.memref_squeeze %dma_wait3A_103 : memref<1x128xi32, #tpu.memory_space<vmem>> -> memref<128xi32, #tpu.memory_space<vmem>>
    %dma_wait3A_105 = arith.constant 0 : i32
    %dma_wait3A_106 = arith.constant 0 : i32
    %dma_wait3A_107 = tpu.memref_slice %arg13[%dma_wait3A_105, %dma_wait3A_106] : memref<10240x64xf32, #tpu.memory_space<vmem_shared>> -> memref<10240x64xf32, #tpu.memory_space<vmem_shared>>
    tpu.wait_indirect_dma semaphore(%arg15 : memref<!tpu.dma_semaphore, #tpu.memory_space<semaphore_mem>>) src(%arg10 : memref<128x64xf32, #tpu.memory_space<vmem>>) dst(%dma_wait3A_107 : memref<10240x64xf32, #tpu.memory_space<vmem_shared>>)
    %dma_wait3A_108 = arith.constant 20224 : i32
    %dma_wait3A_109 = tpu.memref_slice %arg7[%dma_wait3A_108] : memref<20480xi32, #tpu.memory_space<vmem>> -> memref<128xi32, #tpu.memory_space<vmem>>
    %dma_wait3A_110 = arith.constant 0 : i32
    %dma_wait3A_111 = arith.constant 0 : i32
    %dma_wait3A_112 = tpu.memref_slice %arg2[%dma_wait3A_110, %dma_wait3A_111] : memref<20480x64xf32, #tpu.memory_space<hbm>> -> memref<20480x64xf32, #tpu.memory_space<hbm>>
    tpu.wait_indirect_dma semaphore(%arg14 : memref<!tpu.dma_semaphore, #tpu.memory_space<semaphore_mem>>) src(%dma_wait3A_112 : memref<20480x64xf32, #tpu.memory_space<hbm>>) dst(%arg11 : memref<128x64xf32, #tpu.memory_space<vmem>>)
    %dma_wait3A_113 = arith.constant 20352 : i32
    %dma_wait3A_114 = tpu.memref_slice %arg7[%dma_wait3A_113] : memref<20480xi32, #tpu.memory_space<vmem>> -> memref<128xi32, #tpu.memory_space<vmem>>
    %dma_wait3A_115 = arith.constant 0 : i32
    %dma_wait3A_116 = arith.constant 0 : i32
    %dma_wait3A_117 = tpu.memref_slice %arg2[%dma_wait3A_115, %dma_wait3A_116] : memref<20480x64xf32, #tpu.memory_space<hbm>> -> memref<20480x64xf32, #tpu.memory_space<hbm>>
    tpu.wait_indirect_dma semaphore(%arg14 : memref<!tpu.dma_semaphore, #tpu.memory_space<semaphore_mem>>) src(%dma_wait3A_117 : memref<20480x64xf32, #tpu.memory_space<hbm>>) dst(%arg12 : memref<128x64xf32, #tpu.memory_space<vmem>>)
    %dma_start3A_118 = arith.constant 158 : i32
    %dma_start3A_119 = arith.constant 0 : i32
    %dma_start3A_120 = tpu.memref_slice %arg8[%dma_start3A_118, %dma_start3A_119] : memref<160x128xi32, #tpu.memory_space<vmem>> -> memref<1x128xi32, #tpu.memory_space<vmem>>
    %dma_start3A_121 = tpu.memref_squeeze %dma_start3A_120 : memref<1x128xi32, #tpu.memory_space<vmem>> -> memref<128xi32, #tpu.memory_space<vmem>>
    %dma_start3A_122 = arith.constant 0 : i32
    %dma_start3A_123 = arith.constant 0 : i32
    %dma_start3A_124 = tpu.memref_slice %arg13[%dma_start3A_122, %dma_start3A_123] : memref<10240x64xf32, #tpu.memory_space<vmem_shared>> -> memref<10240x64xf32, #tpu.memory_space<vmem_shared>>
    tpu.enqueue_indirect_dma source(%arg11 : memref<128x64xf32, #tpu.memory_space<vmem>>) target(%dma_start3A_124 : memref<10240x64xf32, #tpu.memory_space<vmem_shared>>) offsets(%dma_start3A_121 : memref<128xi32, #tpu.memory_space<vmem>>) semaphore(%arg15 : memref<!tpu.dma_semaphore, #tpu.memory_space<semaphore_mem>>) {add = true}
    %dma_start3A_125 = arith.constant 159 : i32
    %dma_start3A_126 = arith.constant 0 : i32
    %dma_start3A_127 = tpu.memref_slice %arg8[%dma_start3A_125, %dma_start3A_126] : memref<160x128xi32, #tpu.memory_space<vmem>> -> memref<1x128xi32, #tpu.memory_space<vmem>>
    %dma_start3A_128 = tpu.memref_squeeze %dma_start3A_127 : memref<1x128xi32, #tpu.memory_space<vmem>> -> memref<128xi32, #tpu.memory_space<vmem>>
    %dma_start3A_129 = arith.constant 0 : i32
    %dma_start3A_130 = arith.constant 0 : i32
    %dma_start3A_131 = tpu.memref_slice %arg13[%dma_start3A_129, %dma_start3A_130] : memref<10240x64xf32, #tpu.memory_space<vmem_shared>> -> memref<10240x64xf32, #tpu.memory_space<vmem_shared>>
    tpu.enqueue_indirect_dma source(%arg12 : memref<128x64xf32, #tpu.memory_space<vmem>>) target(%dma_start3A_131 : memref<10240x64xf32, #tpu.memory_space<vmem_shared>>) offsets(%dma_start3A_128 : memref<128xi32, #tpu.memory_space<vmem>>) semaphore(%arg15 : memref<!tpu.dma_semaphore, #tpu.memory_space<semaphore_mem>>) {add = true}
    %dma_wait3A_132 = arith.constant 158 : i32
    %dma_wait3A_133 = arith.constant 0 : i32
    %dma_wait3A_134 = tpu.memref_slice %arg8[%dma_wait3A_132, %dma_wait3A_133] : memref<160x128xi32, #tpu.memory_space<vmem>> -> memref<1x128xi32, #tpu.memory_space<vmem>>
    %dma_wait3A_135 = tpu.memref_squeeze %dma_wait3A_134 : memref<1x128xi32, #tpu.memory_space<vmem>> -> memref<128xi32, #tpu.memory_space<vmem>>
    %dma_wait3A_136 = arith.constant 0 : i32
    %dma_wait3A_137 = arith.constant 0 : i32
    %dma_wait3A_138 = tpu.memref_slice %arg13[%dma_wait3A_136, %dma_wait3A_137] : memref<10240x64xf32, #tpu.memory_space<vmem_shared>> -> memref<10240x64xf32, #tpu.memory_space<vmem_shared>>
    tpu.wait_indirect_dma semaphore(%arg15 : memref<!tpu.dma_semaphore, #tpu.memory_space<semaphore_mem>>) src(%arg11 : memref<128x64xf32, #tpu.memory_space<vmem>>) dst(%dma_wait3A_138 : memref<10240x64xf32, #tpu.memory_space<vmem_shared>>)
    %dma_wait3A_139 = arith.constant 159 : i32
    %dma_wait3A_140 = arith.constant 0 : i32
    %dma_wait3A_141 = tpu.memref_slice %arg8[%dma_wait3A_139, %dma_wait3A_140] : memref<160x128xi32, #tpu.memory_space<vmem>> -> memref<1x128xi32, #tpu.memory_space<vmem>>
    %dma_wait3A_142 = tpu.memref_squeeze %dma_wait3A_141 : memref<1x128xi32, #tpu.memory_space<vmem>> -> memref<128xi32, #tpu.memory_space<vmem>>
    %dma_wait3A_143 = arith.constant 0 : i32
    %dma_wait3A_144 = arith.constant 0 : i32
    %dma_wait3A_145 = tpu.memref_slice %arg13[%dma_wait3A_143, %dma_wait3A_144] : memref<10240x64xf32, #tpu.memory_space<vmem_shared>> -> memref<10240x64xf32, #tpu.memory_space<vmem_shared>>
    tpu.wait_indirect_dma semaphore(%arg15 : memref<!tpu.dma_semaphore, #tpu.memory_space<semaphore_mem>>) src(%arg12 : memref<128x64xf32, #tpu.memory_space<vmem>>) dst(%dma_wait3A_145 : memref<10240x64xf32, #tpu.memory_space<vmem_shared>>)
    %barrier3A_146 = arith.constant 0 : index
    tpu.barrier barrier_id(%barrier3A_146)
    %mul3A_147 = arith.constant 64 : i32
    %mul3A_148 = arith.muli %arg0, %mul3A_147 : i32
    "tpu.region"() ({
      %run_scoped3A = tpu.sem_alloc : memref<!tpu.dma_semaphore, #tpu.memory_space<semaphore_mem>>
      %dma_start3A_149 = tpu.memref_slice %arg6[%mul3A_0, %mul3A_148] : memref<10240x128xf32, #tpu.memory_space<hbm>> -> memref<640x64xf32, #tpu.memory_space<hbm>>
      %dma_start3A_150 = arith.constant 0 : i32
      %dma_start3A_151 = tpu.memref_slice %arg13[%mul3A_0, %dma_start3A_150] : memref<10240x64xf32, #tpu.memory_space<vmem_shared>> -> memref<640x64xf32, #tpu.memory_space<vmem_shared>>
      tpu.enqueue_dma source(%dma_start3A_151 : memref<640x64xf32, #tpu.memory_space<vmem_shared>>) target(%dma_start3A_149 : memref<640x64xf32, #tpu.memory_space<hbm>>) target_semaphore(%run_scoped3A : memref<!tpu.dma_semaphore, #tpu.memory_space<semaphore_mem>>)
      %dma_wait3A_152 = tpu.memref_slice %arg6[%mul3A_0, %mul3A_148] : memref<10240x128xf32, #tpu.memory_space<hbm>> -> memref<640x64xf32, #tpu.memory_space<hbm>>
      %dma_wait3A_153 = arith.constant 0 : i32
      %dma_wait3A_154 = tpu.memref_slice %arg13[%mul3A_0, %dma_wait3A_153] : memref<10240x64xf32, #tpu.memory_space<vmem_shared>> -> memref<640x64xf32, #tpu.memory_space<vmem_shared>>
      tpu.wait_dma2 semaphore(%run_scoped3A : memref<!tpu.dma_semaphore, #tpu.memory_space<semaphore_mem>>) src(%dma_wait3A_154 : memref<640x64xf32, #tpu.memory_space<vmem_shared>>) dst(%dma_wait3A_152 : memref<640x64xf32, #tpu.memory_space<hbm>>)
      tpu.yield
    }) : () -> ()
    return
  }
}

#map = affine_map<(d0, d1) -> (0, 0)>
#map1 = affine_map<(d0, d1) -> (0, 0, 0)>
#map2 = affine_map<(d0, d1) -> (0, 0, 0, 0)>
module attributes {stable_mosaic.version = 14 : i64} {
  func.func @_agg_kernel(%arg0: i32, %arg1: i32, %arg2: memref<20480x64xf32, #tpu.memory_space<hbm>>, %arg3: memref<2x16x20480xi32, #tpu.memory_space<hbm>>, %arg4: memref<2x16x160x128xi32, #tpu.memory_space<hbm>>, %arg5: memref<10240x64xf32, #tpu.memory_space<hbm>>, %arg6: memref<10240x128xf32, #tpu.memory_space<hbm>>, %arg7: memref<20480xi32, #tpu.memory_space<vmem>>, %arg8: memref<160x128xi32, #tpu.memory_space<vmem>>, %arg9: memref<128x64xf32, #tpu.memory_space<vmem>>, %arg10: memref<128x64xf32, #tpu.memory_space<vmem>>, %arg11: memref<128x64xf32, #tpu.memory_space<vmem>>, %arg12: memref<128x64xf32, #tpu.memory_space<vmem>>, %arg13: memref<10240x64xf32, #tpu.memory_space<vmem_shared>>, %arg14: memref<!tpu.dma_semaphore, #tpu.memory_space<semaphore_mem>>, %arg15: memref<!tpu.dma_semaphore, #tpu.memory_space<semaphore_mem>>) attributes {dimension_semantics = [#tpu.dimension_semantics<core_parallel>, #tpu.dimension_semantics<subcore_parallel>], iteration_bounds = array<i64: 2, 16>, scalar_prefetch = 0 : i64, scratch_operands = 9 : i64, tpu.core_type = #tpu.core_type<sc_vector_subcore>, window_params = [{transform_indices = #map}, {transform_indices = #map1}, {transform_indices = #map2}, {transform_indices = #map}, {transform_indices = #map}]} {
    %mul3A = arith.constant 640 : i32
    %mul3A_0 = arith.muli %arg1, %mul3A : i32
    %dma_start3A = arith.constant 0 : i32
    %dma_start3A_1 = tpu.memref_slice %arg13[%mul3A_0, %dma_start3A] : memref<10240x64xf32, #tpu.memory_space<vmem_shared>> -> memref<640x64xf32, #tpu.memory_space<vmem_shared>>
    %dma_start3A_2 = arith.constant 0 : i32
    %dma_start3A_3 = tpu.memref_slice %arg5[%mul3A_0, %dma_start3A_2] : memref<10240x64xf32, #tpu.memory_space<hbm>> -> memref<640x64xf32, #tpu.memory_space<hbm>>
    tpu.enqueue_dma source(%dma_start3A_3 : memref<640x64xf32, #tpu.memory_space<hbm>>) target(%dma_start3A_1 : memref<640x64xf32, #tpu.memory_space<vmem_shared>>) target_semaphore(%arg15 : memref<!tpu.dma_semaphore, #tpu.memory_space<semaphore_mem>>)
    %dma_start3A_4 = arith.constant 0 : i32
    %dma_start3A_5 = arith.constant 0 : i32
    %dma_start3A_6 = tpu.memref_slice %arg3[%dma_start3A_4, %arg1, %dma_start3A_5] : memref<2x16x20480xi32, #tpu.memory_space<hbm>> -> memref<1x1x20480xi32, #tpu.memory_space<hbm>>
    %dma_start3A_7 = tpu.memref_squeeze %dma_start3A_6 : memref<1x1x20480xi32, #tpu.memory_space<hbm>> -> memref<20480xi32, #tpu.memory_space<hbm>>
    %dma_start3A_8 = arith.constant 0 : i32
    %dma_start3A_9 = tpu.memref_slice %arg3[%dma_start3A_4, %arg1, %dma_start3A_8] : memref<2x16x20480xi32, #tpu.memory_space<hbm>> -> memref<1x1x20480xi32, #tpu.memory_space<hbm>>
    %dma_start3A_10 = tpu.memref_squeeze %dma_start3A_9 : memref<1x1x20480xi32, #tpu.memory_space<hbm>> -> memref<20480xi32, #tpu.memory_space<hbm>>
    tpu.enqueue_dma source(%dma_start3A_10 : memref<20480xi32, #tpu.memory_space<hbm>>) target(%arg7 : memref<20480xi32, #tpu.memory_space<vmem>>) target_semaphore(%arg14 : memref<!tpu.dma_semaphore, #tpu.memory_space<semaphore_mem>>)
    %dma_start3A_11 = arith.constant 1 : i32
    %dma_start3A_12 = arith.constant 0 : i32
    %dma_start3A_13 = arith.constant 0 : i32
    %dma_start3A_14 = tpu.memref_slice %arg4[%dma_start3A_11, %arg1, %dma_start3A_12, %dma_start3A_13] : memref<2x16x160x128xi32, #tpu.memory_space<hbm>> -> memref<1x1x160x128xi32, #tpu.memory_space<hbm>>
    %dma_start3A_15 = tpu.memref_squeeze %dma_start3A_14 : memref<1x1x160x128xi32, #tpu.memory_space<hbm>> -> memref<160x128xi32, #tpu.memory_space<hbm>>
    %dma_start3A_16 = arith.constant 0 : i32
    %dma_start3A_17 = arith.constant 0 : i32
    %dma_start3A_18 = tpu.memref_slice %arg4[%dma_start3A_11, %arg1, %dma_start3A_16, %dma_start3A_17] : memref<2x16x160x128xi32, #tpu.memory_space<hbm>> -> memref<1x1x160x128xi32, #tpu.memory_space<hbm>>
    %dma_start3A_19 = tpu.memref_squeeze %dma_start3A_18 : memref<1x1x160x128xi32, #tpu.memory_space<hbm>> -> memref<160x128xi32, #tpu.memory_space<hbm>>
    tpu.enqueue_dma source(%dma_start3A_19 : memref<160x128xi32, #tpu.memory_space<hbm>>) target(%arg8 : memref<160x128xi32, #tpu.memory_space<vmem>>) target_semaphore(%arg14 : memref<!tpu.dma_semaphore, #tpu.memory_space<semaphore_mem>>)
    %dma_wait3A = arith.constant 0 : i32
    %dma_wait3A_20 = arith.constant 0 : i32
    %dma_wait3A_21 = tpu.memref_slice %arg3[%dma_wait3A, %arg1, %dma_wait3A_20] : memref<2x16x20480xi32, #tpu.memory_space<hbm>> -> memref<1x1x20480xi32, #tpu.memory_space<hbm>>
    %dma_wait3A_22 = tpu.memref_squeeze %dma_wait3A_21 : memref<1x1x20480xi32, #tpu.memory_space<hbm>> -> memref<20480xi32, #tpu.memory_space<hbm>>
    %dma_wait3A_23 = arith.constant 0 : i32
    %dma_wait3A_24 = tpu.memref_slice %arg3[%dma_wait3A, %arg1, %dma_wait3A_23] : memref<2x16x20480xi32, #tpu.memory_space<hbm>> -> memref<1x1x20480xi32, #tpu.memory_space<hbm>>
    %dma_wait3A_25 = tpu.memref_squeeze %dma_wait3A_24 : memref<1x1x20480xi32, #tpu.memory_space<hbm>> -> memref<20480xi32, #tpu.memory_space<hbm>>
    tpu.wait_dma2 semaphore(%arg14 : memref<!tpu.dma_semaphore, #tpu.memory_space<semaphore_mem>>) src(%dma_wait3A_25 : memref<20480xi32, #tpu.memory_space<hbm>>) dst(%arg7 : memref<20480xi32, #tpu.memory_space<vmem>>)
    %scan3A = arith.constant 0 : i32
    %scan3A_26 = arith.constant 0 : i32
    %scan3A_27 = arith.constant 160 : i32
    %scan3A_28 = arith.addi %scan3A_26, %scan3A_27 : i32
    %scan3A_29 = arith.constant 1 : i32
    scf.for %scan3A_149 = %scan3A_26 to %scan3A_28 step %scan3A_29  : i32 {
      %mul3A_150 = arith.constant 128 : i32
      %mul3A_151 = arith.muli %scan3A_149, %mul3A_150 : i32
      %add3A = arith.constant 0 : i32
      %add3A_152 = arith.addi %mul3A_151, %add3A : i32
      %get3A = arith.index_cast %add3A_152 : i32 to index
      %get3A_153 = tpu.vector_load %arg7[%get3A] {strides = array<i32>} : memref<20480xi32, #tpu.memory_space<vmem>>, vector<16xi32>,
      %get3A_154 = vector.shape_cast %get3A_153 : vector<16xi32> to vector<16xi32>
      %add3A_155 = vector.broadcast %arg0 : i32 to vector<16xi32>
      %add3A_156 = arith.addi %get3A_154, %add3A_155 : vector<16xi32>
      %swap3A = arith.index_cast %add3A_152 : i32 to index
      %swap3A_157 = tpu.vector_load %arg7[%swap3A] {strides = array<i32>} : memref<20480xi32, #tpu.memory_space<vmem>>, vector<16xi32>,
      %swap3A_158 = vector.shape_cast %swap3A_157 : vector<16xi32> to vector<16xi32>
      %swap3A_159 = vector.shape_cast %add3A_156 : vector<16xi32> to vector<16xi32>
      tpu.vector_store %arg7[%swap3A], %swap3A_159 {strides = array<i32>} : memref<20480xi32, #tpu.memory_space<vmem>>, vector<16xi32>,
      %mul3A_160 = arith.constant 128 : i32
      %mul3A_161 = arith.muli %scan3A_149, %mul3A_160 : i32
      %add3A_162 = arith.constant 16 : i32
      %add3A_163 = arith.addi %mul3A_161, %add3A_162 : i32
      %get3A_164 = arith.index_cast %add3A_163 : i32 to index
      %get3A_165 = tpu.vector_load %arg7[%get3A_164] {strides = array<i32>} : memref<20480xi32, #tpu.memory_space<vmem>>, vector<16xi32>,
      %get3A_166 = vector.shape_cast %get3A_165 : vector<16xi32> to vector<16xi32>
      %add3A_167 = vector.broadcast %arg0 : i32 to vector<16xi32>
      %add3A_168 = arith.addi %get3A_166, %add3A_167 : vector<16xi32>
      %swap3A_169 = arith.index_cast %add3A_163 : i32 to index
      %swap3A_170 = tpu.vector_load %arg7[%swap3A_169] {strides = array<i32>} : memref<20480xi32, #tpu.memory_space<vmem>>, vector<16xi32>,
      %swap3A_171 = vector.shape_cast %swap3A_170 : vector<16xi32> to vector<16xi32>
      %swap3A_172 = vector.shape_cast %add3A_168 : vector<16xi32> to vector<16xi32>
      tpu.vector_store %arg7[%swap3A_169], %swap3A_172 {strides = array<i32>} : memref<20480xi32, #tpu.memory_space<vmem>>, vector<16xi32>,
      %mul3A_173 = arith.constant 128 : i32
      %mul3A_174 = arith.muli %scan3A_149, %mul3A_173 : i32
      %add3A_175 = arith.constant 32 : i32
      %add3A_176 = arith.addi %mul3A_174, %add3A_175 : i32
      %get3A_177 = arith.index_cast %add3A_176 : i32 to index
      %get3A_178 = tpu.vector_load %arg7[%get3A_177] {strides = array<i32>} : memref<20480xi32, #tpu.memory_space<vmem>>, vector<16xi32>,
      %get3A_179 = vector.shape_cast %get3A_178 : vector<16xi32> to vector<16xi32>
      %add3A_180 = vector.broadcast %arg0 : i32 to vector<16xi32>
      %add3A_181 = arith.addi %get3A_179, %add3A_180 : vector<16xi32>
      %swap3A_182 = arith.index_cast %add3A_176 : i32 to index
      %swap3A_183 = tpu.vector_load %arg7[%swap3A_182] {strides = array<i32>} : memref<20480xi32, #tpu.memory_space<vmem>>, vector<16xi32>,
      %swap3A_184 = vector.shape_cast %swap3A_183 : vector<16xi32> to vector<16xi32>
      %swap3A_185 = vector.shape_cast %add3A_181 : vector<16xi32> to vector<16xi32>
      tpu.vector_store %arg7[%swap3A_182], %swap3A_185 {strides = array<i32>} : memref<20480xi32, #tpu.memory_space<vmem>>, vector<16xi32>,
      %mul3A_186 = arith.constant 128 : i32
      %mul3A_187 = arith.muli %scan3A_149, %mul3A_186 : i32
      %add3A_188 = arith.constant 48 : i32
      %add3A_189 = arith.addi %mul3A_187, %add3A_188 : i32
      %get3A_190 = arith.index_cast %add3A_189 : i32 to index
      %get3A_191 = tpu.vector_load %arg7[%get3A_190] {strides = array<i32>} : memref<20480xi32, #tpu.memory_space<vmem>>, vector<16xi32>,
      %get3A_192 = vector.shape_cast %get3A_191 : vector<16xi32> to vector<16xi32>
      %add3A_193 = vector.broadcast %arg0 : i32 to vector<16xi32>
      %add3A_194 = arith.addi %get3A_192, %add3A_193 : vector<16xi32>
      %swap3A_195 = arith.index_cast %add3A_189 : i32 to index
      %swap3A_196 = tpu.vector_load %arg7[%swap3A_195] {strides = array<i32>} : memref<20480xi32, #tpu.memory_space<vmem>>, vector<16xi32>,
      %swap3A_197 = vector.shape_cast %swap3A_196 : vector<16xi32> to vector<16xi32>
      %swap3A_198 = vector.shape_cast %add3A_194 : vector<16xi32> to vector<16xi32>
      tpu.vector_store %arg7[%swap3A_195], %swap3A_198 {strides = array<i32>} : memref<20480xi32, #tpu.memory_space<vmem>>, vector<16xi32>,
      %mul3A_199 = arith.constant 128 : i32
      %mul3A_200 = arith.muli %scan3A_149, %mul3A_199 : i32
      %add3A_201 = arith.constant 64 : i32
      %add3A_202 = arith.addi %mul3A_200, %add3A_201 : i32
      %get3A_203 = arith.index_cast %add3A_202 : i32 to index
      %get3A_204 = tpu.vector_load %arg7[%get3A_203] {strides = array<i32>} : memref<20480xi32, #tpu.memory_space<vmem>>, vector<16xi32>,
      %get3A_205 = vector.shape_cast %get3A_204 : vector<16xi32> to vector<16xi32>
      %add3A_206 = vector.broadcast %arg0 : i32 to vector<16xi32>
      %add3A_207 = arith.addi %get3A_205, %add3A_206 : vector<16xi32>
      %swap3A_208 = arith.index_cast %add3A_202 : i32 to index
      %swap3A_209 = tpu.vector_load %arg7[%swap3A_208] {strides = array<i32>} : memref<20480xi32, #tpu.memory_space<vmem>>, vector<16xi32>,
      %swap3A_210 = vector.shape_cast %swap3A_209 : vector<16xi32> to vector<16xi32>
      %swap3A_211 = vector.shape_cast %add3A_207 : vector<16xi32> to vector<16xi32>
      tpu.vector_store %arg7[%swap3A_208], %swap3A_211 {strides = array<i32>} : memref<20480xi32, #tpu.memory_space<vmem>>, vector<16xi32>,
      %mul3A_212 = arith.constant 128 : i32
      %mul3A_213 = arith.muli %scan3A_149, %mul3A_212 : i32
      %add3A_214 = arith.constant 80 : i32
      %add3A_215 = arith.addi %mul3A_213, %add3A_214 : i32
      %get3A_216 = arith.index_cast %add3A_215 : i32 to index
      %get3A_217 = tpu.vector_load %arg7[%get3A_216] {strides = array<i32>} : memref<20480xi32, #tpu.memory_space<vmem>>, vector<16xi32>,
      %get3A_218 = vector.shape_cast %get3A_217 : vector<16xi32> to vector<16xi32>
      %add3A_219 = vector.broadcast %arg0 : i32 to vector<16xi32>
      %add3A_220 = arith.addi %get3A_218, %add3A_219 : vector<16xi32>
      %swap3A_221 = arith.index_cast %add3A_215 : i32 to index
      %swap3A_222 = tpu.vector_load %arg7[%swap3A_221] {strides = array<i32>} : memref<20480xi32, #tpu.memory_space<vmem>>, vector<16xi32>,
      %swap3A_223 = vector.shape_cast %swap3A_222 : vector<16xi32> to vector<16xi32>
      %swap3A_224 = vector.shape_cast %add3A_220 : vector<16xi32> to vector<16xi32>
      tpu.vector_store %arg7[%swap3A_221], %swap3A_224 {strides = array<i32>} : memref<20480xi32, #tpu.memory_space<vmem>>, vector<16xi32>,
      %mul3A_225 = arith.constant 128 : i32
      %mul3A_226 = arith.muli %scan3A_149, %mul3A_225 : i32
      %add3A_227 = arith.constant 96 : i32
      %add3A_228 = arith.addi %mul3A_226, %add3A_227 : i32
      %get3A_229 = arith.index_cast %add3A_228 : i32 to index
      %get3A_230 = tpu.vector_load %arg7[%get3A_229] {strides = array<i32>} : memref<20480xi32, #tpu.memory_space<vmem>>, vector<16xi32>,
      %get3A_231 = vector.shape_cast %get3A_230 : vector<16xi32> to vector<16xi32>
      %add3A_232 = vector.broadcast %arg0 : i32 to vector<16xi32>
      %add3A_233 = arith.addi %get3A_231, %add3A_232 : vector<16xi32>
      %swap3A_234 = arith.index_cast %add3A_228 : i32 to index
      %swap3A_235 = tpu.vector_load %arg7[%swap3A_234] {strides = array<i32>} : memref<20480xi32, #tpu.memory_space<vmem>>, vector<16xi32>,
      %swap3A_236 = vector.shape_cast %swap3A_235 : vector<16xi32> to vector<16xi32>
      %swap3A_237 = vector.shape_cast %add3A_233 : vector<16xi32> to vector<16xi32>
      tpu.vector_store %arg7[%swap3A_234], %swap3A_237 {strides = array<i32>} : memref<20480xi32, #tpu.memory_space<vmem>>, vector<16xi32>,
      %mul3A_238 = arith.constant 128 : i32
      %mul3A_239 = arith.muli %scan3A_149, %mul3A_238 : i32
      %add3A_240 = arith.constant 112 : i32
      %add3A_241 = arith.addi %mul3A_239, %add3A_240 : i32
      %get3A_242 = arith.index_cast %add3A_241 : i32 to index
      %get3A_243 = tpu.vector_load %arg7[%get3A_242] {strides = array<i32>} : memref<20480xi32, #tpu.memory_space<vmem>>, vector<16xi32>,
      %get3A_244 = vector.shape_cast %get3A_243 : vector<16xi32> to vector<16xi32>
      %add3A_245 = vector.broadcast %arg0 : i32 to vector<16xi32>
      %add3A_246 = arith.addi %get3A_244, %add3A_245 : vector<16xi32>
      %swap3A_247 = arith.index_cast %add3A_241 : i32 to index
      %swap3A_248 = tpu.vector_load %arg7[%swap3A_247] {strides = array<i32>} : memref<20480xi32, #tpu.memory_space<vmem>>, vector<16xi32>,
      %swap3A_249 = vector.shape_cast %swap3A_248 : vector<16xi32> to vector<16xi32>
      %swap3A_250 = vector.shape_cast %add3A_246 : vector<16xi32> to vector<16xi32>
      tpu.vector_store %arg7[%swap3A_247], %swap3A_250 {strides = array<i32>} : memref<20480xi32, #tpu.memory_space<vmem>>, vector<16xi32>,
    }
    %scan3A_30 = arith.constant 160 : i32
    %dma_wait3A_31 = arith.constant 1 : i32
    %dma_wait3A_32 = arith.constant 0 : i32
    %dma_wait3A_33 = arith.constant 0 : i32
    %dma_wait3A_34 = tpu.memref_slice %arg4[%dma_wait3A_31, %arg1, %dma_wait3A_32, %dma_wait3A_33] : memref<2x16x160x128xi32, #tpu.memory_space<hbm>> -> memref<1x1x160x128xi32, #tpu.memory_space<hbm>>
    %dma_wait3A_35 = tpu.memref_squeeze %dma_wait3A_34 : memref<1x1x160x128xi32, #tpu.memory_space<hbm>> -> memref<160x128xi32, #tpu.memory_space<hbm>>
    %dma_wait3A_36 = arith.constant 0 : i32
    %dma_wait3A_37 = arith.constant 0 : i32
    %dma_wait3A_38 = tpu.memref_slice %arg4[%dma_wait3A_31, %arg1, %dma_wait3A_36, %dma_wait3A_37] : memref<2x16x160x128xi32, #tpu.memory_space<hbm>> -> memref<1x1x160x128xi32, #tpu.memory_space<hbm>>
    %dma_wait3A_39 = tpu.memref_squeeze %dma_wait3A_38 : memref<1x1x160x128xi32, #tpu.memory_space<hbm>> -> memref<160x128xi32, #tpu.memory_space<hbm>>
    tpu.wait_dma2 semaphore(%arg14 : memref<!tpu.dma_semaphore, #tpu.memory_space<semaphore_mem>>) src(%dma_wait3A_39 : memref<160x128xi32, #tpu.memory_space<hbm>>) dst(%arg8 : memref<160x128xi32, #tpu.memory_space<vmem>>)
    %dma_wait3A_40 = arith.constant 0 : i32
    %dma_wait3A_41 = tpu.memref_slice %arg13[%mul3A_0, %dma_wait3A_40] : memref<10240x64xf32, #tpu.memory_space<vmem_shared>> -> memref<640x64xf32, #tpu.memory_space<vmem_shared>>
    %dma_wait3A_42 = arith.constant 0 : i32
    %dma_wait3A_43 = tpu.memref_slice %arg5[%mul3A_0, %dma_wait3A_42] : memref<10240x64xf32, #tpu.memory_space<hbm>> -> memref<640x64xf32, #tpu.memory_space<hbm>>
    tpu.wait_dma2 semaphore(%arg15 : memref<!tpu.dma_semaphore, #tpu.memory_space<semaphore_mem>>) src(%dma_wait3A_43 : memref<640x64xf32, #tpu.memory_space<hbm>>) dst(%dma_wait3A_41 : memref<640x64xf32, #tpu.memory_space<vmem_shared>>)
    %barrier3A = arith.constant 0 : index
    tpu.barrier barrier_id(%barrier3A)
    %dma_start3A_44 = arith.constant 0 : i32
    %dma_start3A_45 = tpu.memref_slice %arg7[%dma_start3A_44] : memref<20480xi32, #tpu.memory_space<vmem>> -> memref<128xi32, #tpu.memory_space<vmem>>
    %dma_start3A_46 = arith.constant 0 : i32
    %dma_start3A_47 = arith.constant 0 : i32
    %dma_start3A_48 = tpu.memref_slice %arg2[%dma_start3A_46, %dma_start3A_47] : memref<20480x64xf32, #tpu.memory_space<hbm>> -> memref<20480x64xf32, #tpu.memory_space<hbm>>
    tpu.enqueue_indirect_dma source(%dma_start3A_48 : memref<20480x64xf32, #tpu.memory_space<hbm>>) target(%arg9 : memref<128x64xf32, #tpu.memory_space<vmem>>) offsets(%dma_start3A_45 : memref<128xi32, #tpu.memory_space<vmem>>) semaphore(%arg14 : memref<!tpu.dma_semaphore, #tpu.memory_space<semaphore_mem>>)
    %dma_start3A_49 = arith.constant 128 : i32
    %dma_start3A_50 = tpu.memref_slice %arg7[%dma_start3A_49] : memref<20480xi32, #tpu.memory_space<vmem>> -> memref<128xi32, #tpu.memory_space<vmem>>
    %dma_start3A_51 = arith.constant 0 : i32
    %dma_start3A_52 = arith.constant 0 : i32
    %dma_start3A_53 = tpu.memref_slice %arg2[%dma_start3A_51, %dma_start3A_52] : memref<20480x64xf32, #tpu.memory_space<hbm>> -> memref<20480x64xf32, #tpu.memory_space<hbm>>
    tpu.enqueue_indirect_dma source(%dma_start3A_53 : memref<20480x64xf32, #tpu.memory_space<hbm>>) target(%arg10 : memref<128x64xf32, #tpu.memory_space<vmem>>) offsets(%dma_start3A_50 : memref<128xi32, #tpu.memory_space<vmem>>) semaphore(%arg14 : memref<!tpu.dma_semaphore, #tpu.memory_space<semaphore_mem>>)
    %scan3A_54 = arith.constant 0 : i32
    %scan3A_55 = arith.constant 0 : i32
    %scan3A_56 = arith.constant 39 : i32
    %scan3A_57 = arith.addi %scan3A_55, %scan3A_56 : i32
    %scan3A_58 = arith.constant 1 : i32
    scf.for %scan3A_149 = %scan3A_55 to %scan3A_57 step %scan3A_58  : i32 {
      %mul3A_150 = arith.constant 4 : i32
      %mul3A_151 = arith.muli %mul3A_150, %scan3A_149 : i32
      %add3A = arith.constant 2 : i32
      %add3A_152 = arith.addi %mul3A_151, %add3A : i32
      %mul3A_153 = arith.constant 128 : i32
      %mul3A_154 = arith.muli %add3A_152, %mul3A_153 : i32
      %dma_start3A_155 = tpu.memref_slice %arg7[%mul3A_154] : memref<20480xi32, #tpu.memory_space<vmem>> -> memref<128xi32, #tpu.memory_space<vmem>>
      %dma_start3A_156 = arith.constant 0 : i32
      %dma_start3A_157 = arith.constant 0 : i32
      %dma_start3A_158 = tpu.memref_slice %arg2[%dma_start3A_156, %dma_start3A_157] : memref<20480x64xf32, #tpu.memory_space<hbm>> -> memref<20480x64xf32, #tpu.memory_space<hbm>>
      tpu.enqueue_indirect_dma source(%dma_start3A_158 : memref<20480x64xf32, #tpu.memory_space<hbm>>) target(%arg11 : memref<128x64xf32, #tpu.memory_space<vmem>>) offsets(%dma_start3A_155 : memref<128xi32, #tpu.memory_space<vmem>>) semaphore(%arg14 : memref<!tpu.dma_semaphore, #tpu.memory_space<semaphore_mem>>)
      %add3A_159 = arith.constant 3 : i32
      %add3A_160 = arith.addi %mul3A_151, %add3A_159 : i32
      %mul3A_161 = arith.constant 128 : i32
      %mul3A_162 = arith.muli %add3A_160, %mul3A_161 : i32
      %dma_start3A_163 = tpu.memref_slice %arg7[%mul3A_162] : memref<20480xi32, #tpu.memory_space<vmem>> -> memref<128xi32, #tpu.memory_space<vmem>>
      %dma_start3A_164 = arith.constant 0 : i32
      %dma_start3A_165 = arith.constant 0 : i32
      %dma_start3A_166 = tpu.memref_slice %arg2[%dma_start3A_164, %dma_start3A_165] : memref<20480x64xf32, #tpu.memory_space<hbm>> -> memref<20480x64xf32, #tpu.memory_space<hbm>>
      tpu.enqueue_indirect_dma source(%dma_start3A_166 : memref<20480x64xf32, #tpu.memory_space<hbm>>) target(%arg12 : memref<128x64xf32, #tpu.memory_space<vmem>>) offsets(%dma_start3A_163 : memref<128xi32, #tpu.memory_space<vmem>>) semaphore(%arg14 : memref<!tpu.dma_semaphore, #tpu.memory_space<semaphore_mem>>)
      %mul3A_167 = arith.constant 128 : i32
      %mul3A_168 = arith.muli %mul3A_151, %mul3A_167 : i32
      %dma_wait3A_169 = tpu.memref_slice %arg7[%mul3A_168] : memref<20480xi32, #tpu.memory_space<vmem>> -> memref<128xi32, #tpu.memory_space<vmem>>
      %dma_wait3A_170 = arith.constant 0 : i32
      %dma_wait3A_171 = arith.constant 0 : i32
      %dma_wait3A_172 = tpu.memref_slice %arg2[%dma_wait3A_170, %dma_wait3A_171] : memref<20480x64xf32, #tpu.memory_space<hbm>> -> memref<20480x64xf32, #tpu.memory_space<hbm>>
      tpu.wait_indirect_dma semaphore(%arg14 : memref<!tpu.dma_semaphore, #tpu.memory_space<semaphore_mem>>) src(%dma_wait3A_172 : memref<20480x64xf32, #tpu.memory_space<hbm>>) dst(%arg9 : memref<128x64xf32, #tpu.memory_space<vmem>>)
      %add3A_173 = arith.constant 1 : i32
      %add3A_174 = arith.addi %mul3A_151, %add3A_173 : i32
      %mul3A_175 = arith.constant 128 : i32
      %mul3A_176 = arith.muli %add3A_174, %mul3A_175 : i32
      %dma_wait3A_177 = tpu.memref_slice %arg7[%mul3A_176] : memref<20480xi32, #tpu.memory_space<vmem>> -> memref<128xi32, #tpu.memory_space<vmem>>
      %dma_wait3A_178 = arith.constant 0 : i32
      %dma_wait3A_179 = arith.constant 0 : i32
      %dma_wait3A_180 = tpu.memref_slice %arg2[%dma_wait3A_178, %dma_wait3A_179] : memref<20480x64xf32, #tpu.memory_space<hbm>> -> memref<20480x64xf32, #tpu.memory_space<hbm>>
      tpu.wait_indirect_dma semaphore(%arg14 : memref<!tpu.dma_semaphore, #tpu.memory_space<semaphore_mem>>) src(%dma_wait3A_180 : memref<20480x64xf32, #tpu.memory_space<hbm>>) dst(%arg10 : memref<128x64xf32, #tpu.memory_space<vmem>>)
      %add3A_181 = arith.constant 1 : i32
      %add3A_182 = arith.addi %mul3A_151, %add3A_181 : i32
      %dma_start3A_183 = arith.constant 0 : i32
      %dma_start3A_184 = tpu.memref_slice %arg8[%mul3A_151, %dma_start3A_183] : memref<160x128xi32, #tpu.memory_space<vmem>> -> memref<1x128xi32, #tpu.memory_space<vmem>>
      %dma_start3A_185 = tpu.memref_squeeze %dma_start3A_184 : memref<1x128xi32, #tpu.memory_space<vmem>> -> memref<128xi32, #tpu.memory_space<vmem>>
      %dma_start3A_186 = arith.constant 0 : i32
      %dma_start3A_187 = arith.constant 0 : i32
      %dma_start3A_188 = tpu.memref_slice %arg13[%dma_start3A_186, %dma_start3A_187] : memref<10240x64xf32, #tpu.memory_space<vmem_shared>> -> memref<10240x64xf32, #tpu.memory_space<vmem_shared>>
      tpu.enqueue_indirect_dma source(%arg9 : memref<128x64xf32, #tpu.memory_space<vmem>>) target(%dma_start3A_188 : memref<10240x64xf32, #tpu.memory_space<vmem_shared>>) offsets(%dma_start3A_185 : memref<128xi32, #tpu.memory_space<vmem>>) semaphore(%arg15 : memref<!tpu.dma_semaphore, #tpu.memory_space<semaphore_mem>>) {add = true}
      %dma_start3A_189 = arith.constant 0 : i32
      %dma_start3A_190 = tpu.memref_slice %arg8[%add3A_182, %dma_start3A_189] : memref<160x128xi32, #tpu.memory_space<vmem>> -> memref<1x128xi32, #tpu.memory_space<vmem>>
      %dma_start3A_191 = tpu.memref_squeeze %dma_start3A_190 : memref<1x128xi32, #tpu.memory_space<vmem>> -> memref<128xi32, #tpu.memory_space<vmem>>
      %dma_start3A_192 = arith.constant 0 : i32
      %dma_start3A_193 = arith.constant 0 : i32
      %dma_start3A_194 = tpu.memref_slice %arg13[%dma_start3A_192, %dma_start3A_193] : memref<10240x64xf32, #tpu.memory_space<vmem_shared>> -> memref<10240x64xf32, #tpu.memory_space<vmem_shared>>
      tpu.enqueue_indirect_dma source(%arg10 : memref<128x64xf32, #tpu.memory_space<vmem>>) target(%dma_start3A_194 : memref<10240x64xf32, #tpu.memory_space<vmem_shared>>) offsets(%dma_start3A_191 : memref<128xi32, #tpu.memory_space<vmem>>) semaphore(%arg15 : memref<!tpu.dma_semaphore, #tpu.memory_space<semaphore_mem>>) {add = true}
      %dma_wait3A_195 = arith.constant 0 : i32
      %dma_wait3A_196 = tpu.memref_slice %arg8[%mul3A_151, %dma_wait3A_195] : memref<160x128xi32, #tpu.memory_space<vmem>> -> memref<1x128xi32, #tpu.memory_space<vmem>>
      %dma_wait3A_197 = tpu.memref_squeeze %dma_wait3A_196 : memref<1x128xi32, #tpu.memory_space<vmem>> -> memref<128xi32, #tpu.memory_space<vmem>>
      %dma_wait3A_198 = arith.constant 0 : i32
      %dma_wait3A_199 = arith.constant 0 : i32
      %dma_wait3A_200 = tpu.memref_slice %arg13[%dma_wait3A_198, %dma_wait3A_199] : memref<10240x64xf32, #tpu.memory_space<vmem_shared>> -> memref<10240x64xf32, #tpu.memory_space<vmem_shared>>
      tpu.wait_indirect_dma semaphore(%arg15 : memref<!tpu.dma_semaphore, #tpu.memory_space<semaphore_mem>>) src(%arg9 : memref<128x64xf32, #tpu.memory_space<vmem>>) dst(%dma_wait3A_200 : memref<10240x64xf32, #tpu.memory_space<vmem_shared>>)
      %dma_wait3A_201 = arith.constant 0 : i32
      %dma_wait3A_202 = tpu.memref_slice %arg8[%add3A_182, %dma_wait3A_201] : memref<160x128xi32, #tpu.memory_space<vmem>> -> memref<1x128xi32, #tpu.memory_space<vmem>>
      %dma_wait3A_203 = tpu.memref_squeeze %dma_wait3A_202 : memref<1x128xi32, #tpu.memory_space<vmem>> -> memref<128xi32, #tpu.memory_space<vmem>>
      %dma_wait3A_204 = arith.constant 0 : i32
      %dma_wait3A_205 = arith.constant 0 : i32
      %dma_wait3A_206 = tpu.memref_slice %arg13[%dma_wait3A_204, %dma_wait3A_205] : memref<10240x64xf32, #tpu.memory_space<vmem_shared>> -> memref<10240x64xf32, #tpu.memory_space<vmem_shared>>
      tpu.wait_indirect_dma semaphore(%arg15 : memref<!tpu.dma_semaphore, #tpu.memory_space<semaphore_mem>>) src(%arg10 : memref<128x64xf32, #tpu.memory_space<vmem>>) dst(%dma_wait3A_206 : memref<10240x64xf32, #tpu.memory_space<vmem_shared>>)
      %add3A_207 = arith.constant 4 : i32
      %add3A_208 = arith.addi %mul3A_151, %add3A_207 : i32
      %mul3A_209 = arith.constant 128 : i32
      %mul3A_210 = arith.muli %add3A_208, %mul3A_209 : i32
      %dma_start3A_211 = tpu.memref_slice %arg7[%mul3A_210] : memref<20480xi32, #tpu.memory_space<vmem>> -> memref<128xi32, #tpu.memory_space<vmem>>
      %dma_start3A_212 = arith.constant 0 : i32
      %dma_start3A_213 = arith.constant 0 : i32
      %dma_start3A_214 = tpu.memref_slice %arg2[%dma_start3A_212, %dma_start3A_213] : memref<20480x64xf32, #tpu.memory_space<hbm>> -> memref<20480x64xf32, #tpu.memory_space<hbm>>
      tpu.enqueue_indirect_dma source(%dma_start3A_214 : memref<20480x64xf32, #tpu.memory_space<hbm>>) target(%arg9 : memref<128x64xf32, #tpu.memory_space<vmem>>) offsets(%dma_start3A_211 : memref<128xi32, #tpu.memory_space<vmem>>) semaphore(%arg14 : memref<!tpu.dma_semaphore, #tpu.memory_space<semaphore_mem>>)
      %add3A_215 = arith.constant 5 : i32
      %add3A_216 = arith.addi %mul3A_151, %add3A_215 : i32
      %mul3A_217 = arith.constant 128 : i32
      %mul3A_218 = arith.muli %add3A_216, %mul3A_217 : i32
      %dma_start3A_219 = tpu.memref_slice %arg7[%mul3A_218] : memref<20480xi32, #tpu.memory_space<vmem>> -> memref<128xi32, #tpu.memory_space<vmem>>
      %dma_start3A_220 = arith.constant 0 : i32
      %dma_start3A_221 = arith.constant 0 : i32
      %dma_start3A_222 = tpu.memref_slice %arg2[%dma_start3A_220, %dma_start3A_221] : memref<20480x64xf32, #tpu.memory_space<hbm>> -> memref<20480x64xf32, #tpu.memory_space<hbm>>
      tpu.enqueue_indirect_dma source(%dma_start3A_222 : memref<20480x64xf32, #tpu.memory_space<hbm>>) target(%arg10 : memref<128x64xf32, #tpu.memory_space<vmem>>) offsets(%dma_start3A_219 : memref<128xi32, #tpu.memory_space<vmem>>) semaphore(%arg14 : memref<!tpu.dma_semaphore, #tpu.memory_space<semaphore_mem>>)
      %add3A_223 = arith.constant 2 : i32
      %add3A_224 = arith.addi %mul3A_151, %add3A_223 : i32
      %mul3A_225 = arith.constant 128 : i32
      %mul3A_226 = arith.muli %add3A_224, %mul3A_225 : i32
      %dma_wait3A_227 = tpu.memref_slice %arg7[%mul3A_226] : memref<20480xi32, #tpu.memory_space<vmem>> -> memref<128xi32, #tpu.memory_space<vmem>>
      %dma_wait3A_228 = arith.constant 0 : i32
      %dma_wait3A_229 = arith.constant 0 : i32
      %dma_wait3A_230 = tpu.memref_slice %arg2[%dma_wait3A_228, %dma_wait3A_229] : memref<20480x64xf32, #tpu.memory_space<hbm>> -> memref<20480x64xf32, #tpu.memory_space<hbm>>
      tpu.wait_indirect_dma semaphore(%arg14 : memref<!tpu.dma_semaphore, #tpu.memory_space<semaphore_mem>>) src(%dma_wait3A_230 : memref<20480x64xf32, #tpu.memory_space<hbm>>) dst(%arg11 : memref<128x64xf32, #tpu.memory_space<vmem>>)
      %add3A_231 = arith.constant 3 : i32
      %add3A_232 = arith.addi %mul3A_151, %add3A_231 : i32
      %mul3A_233 = arith.constant 128 : i32
      %mul3A_234 = arith.muli %add3A_232, %mul3A_233 : i32
      %dma_wait3A_235 = tpu.memref_slice %arg7[%mul3A_234] : memref<20480xi32, #tpu.memory_space<vmem>> -> memref<128xi32, #tpu.memory_space<vmem>>
      %dma_wait3A_236 = arith.constant 0 : i32
      %dma_wait3A_237 = arith.constant 0 : i32
      %dma_wait3A_238 = tpu.memref_slice %arg2[%dma_wait3A_236, %dma_wait3A_237] : memref<20480x64xf32, #tpu.memory_space<hbm>> -> memref<20480x64xf32, #tpu.memory_space<hbm>>
      tpu.wait_indirect_dma semaphore(%arg14 : memref<!tpu.dma_semaphore, #tpu.memory_space<semaphore_mem>>) src(%dma_wait3A_238 : memref<20480x64xf32, #tpu.memory_space<hbm>>) dst(%arg12 : memref<128x64xf32, #tpu.memory_space<vmem>>)
      %add3A_239 = arith.constant 2 : i32
      %add3A_240 = arith.addi %mul3A_151, %add3A_239 : i32
      %add3A_241 = arith.constant 3 : i32
      %add3A_242 = arith.addi %mul3A_151, %add3A_241 : i32
      %dma_start3A_243 = arith.constant 0 : i32
      %dma_start3A_244 = tpu.memref_slice %arg8[%add3A_240, %dma_start3A_243] : memref<160x128xi32, #tpu.memory_space<vmem>> -> memref<1x128xi32, #tpu.memory_space<vmem>>
      %dma_start3A_245 = tpu.memref_squeeze %dma_start3A_244 : memref<1x128xi32, #tpu.memory_space<vmem>> -> memref<128xi32, #tpu.memory_space<vmem>>
      %dma_start3A_246 = arith.constant 0 : i32
      %dma_start3A_247 = arith.constant 0 : i32
      %dma_start3A_248 = tpu.memref_slice %arg13[%dma_start3A_246, %dma_start3A_247] : memref<10240x64xf32, #tpu.memory_space<vmem_shared>> -> memref<10240x64xf32, #tpu.memory_space<vmem_shared>>
      tpu.enqueue_indirect_dma source(%arg11 : memref<128x64xf32, #tpu.memory_space<vmem>>) target(%dma_start3A_248 : memref<10240x64xf32, #tpu.memory_space<vmem_shared>>) offsets(%dma_start3A_245 : memref<128xi32, #tpu.memory_space<vmem>>) semaphore(%arg15 : memref<!tpu.dma_semaphore, #tpu.memory_space<semaphore_mem>>) {add = true}
      %dma_start3A_249 = arith.constant 0 : i32
      %dma_start3A_250 = tpu.memref_slice %arg8[%add3A_242, %dma_start3A_249] : memref<160x128xi32, #tpu.memory_space<vmem>> -> memref<1x128xi32, #tpu.memory_space<vmem>>
      %dma_start3A_251 = tpu.memref_squeeze %dma_start3A_250 : memref<1x128xi32, #tpu.memory_space<vmem>> -> memref<128xi32, #tpu.memory_space<vmem>>
      %dma_start3A_252 = arith.constant 0 : i32
      %dma_start3A_253 = arith.constant 0 : i32
      %dma_start3A_254 = tpu.memref_slice %arg13[%dma_start3A_252, %dma_start3A_253] : memref<10240x64xf32, #tpu.memory_space<vmem_shared>> -> memref<10240x64xf32, #tpu.memory_space<vmem_shared>>
      tpu.enqueue_indirect_dma source(%arg12 : memref<128x64xf32, #tpu.memory_space<vmem>>) target(%dma_start3A_254 : memref<10240x64xf32, #tpu.memory_space<vmem_shared>>) offsets(%dma_start3A_251 : memref<128xi32, #tpu.memory_space<vmem>>) semaphore(%arg15 : memref<!tpu.dma_semaphore, #tpu.memory_space<semaphore_mem>>) {add = true}
      %dma_wait3A_255 = arith.constant 0 : i32
      %dma_wait3A_256 = tpu.memref_slice %arg8[%add3A_240, %dma_wait3A_255] : memref<160x128xi32, #tpu.memory_space<vmem>> -> memref<1x128xi32, #tpu.memory_space<vmem>>
      %dma_wait3A_257 = tpu.memref_squeeze %dma_wait3A_256 : memref<1x128xi32, #tpu.memory_space<vmem>> -> memref<128xi32, #tpu.memory_space<vmem>>
      %dma_wait3A_258 = arith.constant 0 : i32
      %dma_wait3A_259 = arith.constant 0 : i32
      %dma_wait3A_260 = tpu.memref_slice %arg13[%dma_wait3A_258, %dma_wait3A_259] : memref<10240x64xf32, #tpu.memory_space<vmem_shared>> -> memref<10240x64xf32, #tpu.memory_space<vmem_shared>>
      tpu.wait_indirect_dma semaphore(%arg15 : memref<!tpu.dma_semaphore, #tpu.memory_space<semaphore_mem>>) src(%arg11 : memref<128x64xf32, #tpu.memory_space<vmem>>) dst(%dma_wait3A_260 : memref<10240x64xf32, #tpu.memory_space<vmem_shared>>)
      %dma_wait3A_261 = arith.constant 0 : i32
      %dma_wait3A_262 = tpu.memref_slice %arg8[%add3A_242, %dma_wait3A_261] : memref<160x128xi32, #tpu.memory_space<vmem>> -> memref<1x128xi32, #tpu.memory_space<vmem>>
      %dma_wait3A_263 = tpu.memref_squeeze %dma_wait3A_262 : memref<1x128xi32, #tpu.memory_space<vmem>> -> memref<128xi32, #tpu.memory_space<vmem>>
      %dma_wait3A_264 = arith.constant 0 : i32
      %dma_wait3A_265 = arith.constant 0 : i32
      %dma_wait3A_266 = tpu.memref_slice %arg13[%dma_wait3A_264, %dma_wait3A_265] : memref<10240x64xf32, #tpu.memory_space<vmem_shared>> -> memref<10240x64xf32, #tpu.memory_space<vmem_shared>>
      tpu.wait_indirect_dma semaphore(%arg15 : memref<!tpu.dma_semaphore, #tpu.memory_space<semaphore_mem>>) src(%arg12 : memref<128x64xf32, #tpu.memory_space<vmem>>) dst(%dma_wait3A_266 : memref<10240x64xf32, #tpu.memory_space<vmem_shared>>)
    }
    %scan3A_59 = arith.constant 39 : i32
    %dma_start3A_60 = arith.constant 20224 : i32
    %dma_start3A_61 = tpu.memref_slice %arg7[%dma_start3A_60] : memref<20480xi32, #tpu.memory_space<vmem>> -> memref<128xi32, #tpu.memory_space<vmem>>
    %dma_start3A_62 = arith.constant 0 : i32
    %dma_start3A_63 = arith.constant 0 : i32
    %dma_start3A_64 = tpu.memref_slice %arg2[%dma_start3A_62, %dma_start3A_63] : memref<20480x64xf32, #tpu.memory_space<hbm>> -> memref<20480x64xf32, #tpu.memory_space<hbm>>
    tpu.enqueue_indirect_dma source(%dma_start3A_64 : memref<20480x64xf32, #tpu.memory_space<hbm>>) target(%arg11 : memref<128x64xf32, #tpu.memory_space<vmem>>) offsets(%dma_start3A_61 : memref<128xi32, #tpu.memory_space<vmem>>) semaphore(%arg14 : memref<!tpu.dma_semaphore, #tpu.memory_space<semaphore_mem>>)
    %dma_start3A_65 = arith.constant 20352 : i32
    %dma_start3A_66 = tpu.memref_slice %arg7[%dma_start3A_65] : memref<20480xi32, #tpu.memory_space<vmem>> -> memref<128xi32, #tpu.memory_space<vmem>>
    %dma_start3A_67 = arith.constant 0 : i32
    %dma_start3A_68 = arith.constant 0 : i32
    %dma_start3A_69 = tpu.memref_slice %arg2[%dma_start3A_67, %dma_start3A_68] : memref<20480x64xf32, #tpu.memory_space<hbm>> -> memref<20480x64xf32, #tpu.memory_space<hbm>>
    tpu.enqueue_indirect_dma source(%dma_start3A_69 : memref<20480x64xf32, #tpu.memory_space<hbm>>) target(%arg12 : memref<128x64xf32, #tpu.memory_space<vmem>>) offsets(%dma_start3A_66 : memref<128xi32, #tpu.memory_space<vmem>>) semaphore(%arg14 : memref<!tpu.dma_semaphore, #tpu.memory_space<semaphore_mem>>)
    %dma_wait3A_70 = arith.constant 19968 : i32
    %dma_wait3A_71 = tpu.memref_slice %arg7[%dma_wait3A_70] : memref<20480xi32, #tpu.memory_space<vmem>> -> memref<128xi32, #tpu.memory_space<vmem>>
    %dma_wait3A_72 = arith.constant 0 : i32
    %dma_wait3A_73 = arith.constant 0 : i32
    %dma_wait3A_74 = tpu.memref_slice %arg2[%dma_wait3A_72, %dma_wait3A_73] : memref<20480x64xf32, #tpu.memory_space<hbm>> -> memref<20480x64xf32, #tpu.memory_space<hbm>>
    tpu.wait_indirect_dma semaphore(%arg14 : memref<!tpu.dma_semaphore, #tpu.memory_space<semaphore_mem>>) src(%dma_wait3A_74 : memref<20480x64xf32, #tpu.memory_space<hbm>>) dst(%arg9 : memref<128x64xf32, #tpu.memory_space<vmem>>)
    %dma_wait3A_75 = arith.constant 20096 : i32
    %dma_wait3A_76 = tpu.memref_slice %arg7[%dma_wait3A_75] : memref<20480xi32, #tpu.memory_space<vmem>> -> memref<128xi32, #tpu.memory_space<vmem>>
    %dma_wait3A_77 = arith.constant 0 : i32
    %dma_wait3A_78 = arith.constant 0 : i32
    %dma_wait3A_79 = tpu.memref_slice %arg2[%dma_wait3A_77, %dma_wait3A_78] : memref<20480x64xf32, #tpu.memory_space<hbm>> -> memref<20480x64xf32, #tpu.memory_space<hbm>>
    tpu.wait_indirect_dma semaphore(%arg14 : memref<!tpu.dma_semaphore, #tpu.memory_space<semaphore_mem>>) src(%dma_wait3A_79 : memref<20480x64xf32, #tpu.memory_space<hbm>>) dst(%arg10 : memref<128x64xf32, #tpu.memory_space<vmem>>)
    %dma_start3A_80 = arith.constant 156 : i32
    %dma_start3A_81 = arith.constant 0 : i32
    %dma_start3A_82 = tpu.memref_slice %arg8[%dma_start3A_80, %dma_start3A_81] : memref<160x128xi32, #tpu.memory_space<vmem>> -> memref<1x128xi32, #tpu.memory_space<vmem>>
    %dma_start3A_83 = tpu.memref_squeeze %dma_start3A_82 : memref<1x128xi32, #tpu.memory_space<vmem>> -> memref<128xi32, #tpu.memory_space<vmem>>
    %dma_start3A_84 = arith.constant 0 : i32
    %dma_start3A_85 = arith.constant 0 : i32
    %dma_start3A_86 = tpu.memref_slice %arg13[%dma_start3A_84, %dma_start3A_85] : memref<10240x64xf32, #tpu.memory_space<vmem_shared>> -> memref<10240x64xf32, #tpu.memory_space<vmem_shared>>
    tpu.enqueue_indirect_dma source(%arg9 : memref<128x64xf32, #tpu.memory_space<vmem>>) target(%dma_start3A_86 : memref<10240x64xf32, #tpu.memory_space<vmem_shared>>) offsets(%dma_start3A_83 : memref<128xi32, #tpu.memory_space<vmem>>) semaphore(%arg15 : memref<!tpu.dma_semaphore, #tpu.memory_space<semaphore_mem>>) {add = true}
    %dma_start3A_87 = arith.constant 157 : i32
    %dma_start3A_88 = arith.constant 0 : i32
    %dma_start3A_89 = tpu.memref_slice %arg8[%dma_start3A_87, %dma_start3A_88] : memref<160x128xi32, #tpu.memory_space<vmem>> -> memref<1x128xi32, #tpu.memory_space<vmem>>
    %dma_start3A_90 = tpu.memref_squeeze %dma_start3A_89 : memref<1x128xi32, #tpu.memory_space<vmem>> -> memref<128xi32, #tpu.memory_space<vmem>>
    %dma_start3A_91 = arith.constant 0 : i32
    %dma_start3A_92 = arith.constant 0 : i32
    %dma_start3A_93 = tpu.memref_slice %arg13[%dma_start3A_91, %dma_start3A_92] : memref<10240x64xf32, #tpu.memory_space<vmem_shared>> -> memref<10240x64xf32, #tpu.memory_space<vmem_shared>>
    tpu.enqueue_indirect_dma source(%arg10 : memref<128x64xf32, #tpu.memory_space<vmem>>) target(%dma_start3A_93 : memref<10240x64xf32, #tpu.memory_space<vmem_shared>>) offsets(%dma_start3A_90 : memref<128xi32, #tpu.memory_space<vmem>>) semaphore(%arg15 : memref<!tpu.dma_semaphore, #tpu.memory_space<semaphore_mem>>) {add = true}
    %dma_wait3A_94 = arith.constant 156 : i32
    %dma_wait3A_95 = arith.constant 0 : i32
    %dma_wait3A_96 = tpu.memref_slice %arg8[%dma_wait3A_94, %dma_wait3A_95] : memref<160x128xi32, #tpu.memory_space<vmem>> -> memref<1x128xi32, #tpu.memory_space<vmem>>
    %dma_wait3A_97 = tpu.memref_squeeze %dma_wait3A_96 : memref<1x128xi32, #tpu.memory_space<vmem>> -> memref<128xi32, #tpu.memory_space<vmem>>
    %dma_wait3A_98 = arith.constant 0 : i32
    %dma_wait3A_99 = arith.constant 0 : i32
    %dma_wait3A_100 = tpu.memref_slice %arg13[%dma_wait3A_98, %dma_wait3A_99] : memref<10240x64xf32, #tpu.memory_space<vmem_shared>> -> memref<10240x64xf32, #tpu.memory_space<vmem_shared>>
    tpu.wait_indirect_dma semaphore(%arg15 : memref<!tpu.dma_semaphore, #tpu.memory_space<semaphore_mem>>) src(%arg9 : memref<128x64xf32, #tpu.memory_space<vmem>>) dst(%dma_wait3A_100 : memref<10240x64xf32, #tpu.memory_space<vmem_shared>>)
    %dma_wait3A_101 = arith.constant 157 : i32
    %dma_wait3A_102 = arith.constant 0 : i32
    %dma_wait3A_103 = tpu.memref_slice %arg8[%dma_wait3A_101, %dma_wait3A_102] : memref<160x128xi32, #tpu.memory_space<vmem>> -> memref<1x128xi32, #tpu.memory_space<vmem>>
    %dma_wait3A_104 = tpu.memref_squeeze %dma_wait3A_103 : memref<1x128xi32, #tpu.memory_space<vmem>> -> memref<128xi32, #tpu.memory_space<vmem>>
    %dma_wait3A_105 = arith.constant 0 : i32
    %dma_wait3A_106 = arith.constant 0 : i32
    %dma_wait3A_107 = tpu.memref_slice %arg13[%dma_wait3A_105, %dma_wait3A_106] : memref<10240x64xf32, #tpu.memory_space<vmem_shared>> -> memref<10240x64xf32, #tpu.memory_space<vmem_shared>>
    tpu.wait_indirect_dma semaphore(%arg15 : memref<!tpu.dma_semaphore, #tpu.memory_space<semaphore_mem>>) src(%arg10 : memref<128x64xf32, #tpu.memory_space<vmem>>) dst(%dma_wait3A_107 : memref<10240x64xf32, #tpu.memory_space<vmem_shared>>)
    %dma_wait3A_108 = arith.constant 20224 : i32
    %dma_wait3A_109 = tpu.memref_slice %arg7[%dma_wait3A_108] : memref<20480xi32, #tpu.memory_space<vmem>> -> memref<128xi32, #tpu.memory_space<vmem>>
    %dma_wait3A_110 = arith.constant 0 : i32
    %dma_wait3A_111 = arith.constant 0 : i32
    %dma_wait3A_112 = tpu.memref_slice %arg2[%dma_wait3A_110, %dma_wait3A_111] : memref<20480x64xf32, #tpu.memory_space<hbm>> -> memref<20480x64xf32, #tpu.memory_space<hbm>>
    tpu.wait_indirect_dma semaphore(%arg14 : memref<!tpu.dma_semaphore, #tpu.memory_space<semaphore_mem>>) src(%dma_wait3A_112 : memref<20480x64xf32, #tpu.memory_space<hbm>>) dst(%arg11 : memref<128x64xf32, #tpu.memory_space<vmem>>)
    %dma_wait3A_113 = arith.constant 20352 : i32
    %dma_wait3A_114 = tpu.memref_slice %arg7[%dma_wait3A_113] : memref<20480xi32, #tpu.memory_space<vmem>> -> memref<128xi32, #tpu.memory_space<vmem>>
    %dma_wait3A_115 = arith.constant 0 : i32
    %dma_wait3A_116 = arith.constant 0 : i32
    %dma_wait3A_117 = tpu.memref_slice %arg2[%dma_wait3A_115, %dma_wait3A_116] : memref<20480x64xf32, #tpu.memory_space<hbm>> -> memref<20480x64xf32, #tpu.memory_space<hbm>>
    tpu.wait_indirect_dma semaphore(%arg14 : memref<!tpu.dma_semaphore, #tpu.memory_space<semaphore_mem>>) src(%dma_wait3A_117 : memref<20480x64xf32, #tpu.memory_space<hbm>>) dst(%arg12 : memref<128x64xf32, #tpu.memory_space<vmem>>)
    %dma_start3A_118 = arith.constant 158 : i32
    %dma_start3A_119 = arith.constant 0 : i32
    %dma_start3A_120 = tpu.memref_slice %arg8[%dma_start3A_118, %dma_start3A_119] : memref<160x128xi32, #tpu.memory_space<vmem>> -> memref<1x128xi32, #tpu.memory_space<vmem>>
    %dma_start3A_121 = tpu.memref_squeeze %dma_start3A_120 : memref<1x128xi32, #tpu.memory_space<vmem>> -> memref<128xi32, #tpu.memory_space<vmem>>
    %dma_start3A_122 = arith.constant 0 : i32
    %dma_start3A_123 = arith.constant 0 : i32
    %dma_start3A_124 = tpu.memref_slice %arg13[%dma_start3A_122, %dma_start3A_123] : memref<10240x64xf32, #tpu.memory_space<vmem_shared>> -> memref<10240x64xf32, #tpu.memory_space<vmem_shared>>
    tpu.enqueue_indirect_dma source(%arg11 : memref<128x64xf32, #tpu.memory_space<vmem>>) target(%dma_start3A_124 : memref<10240x64xf32, #tpu.memory_space<vmem_shared>>) offsets(%dma_start3A_121 : memref<128xi32, #tpu.memory_space<vmem>>) semaphore(%arg15 : memref<!tpu.dma_semaphore, #tpu.memory_space<semaphore_mem>>) {add = true}
    %dma_start3A_125 = arith.constant 159 : i32
    %dma_start3A_126 = arith.constant 0 : i32
    %dma_start3A_127 = tpu.memref_slice %arg8[%dma_start3A_125, %dma_start3A_126] : memref<160x128xi32, #tpu.memory_space<vmem>> -> memref<1x128xi32, #tpu.memory_space<vmem>>
    %dma_start3A_128 = tpu.memref_squeeze %dma_start3A_127 : memref<1x128xi32, #tpu.memory_space<vmem>> -> memref<128xi32, #tpu.memory_space<vmem>>
    %dma_start3A_129 = arith.constant 0 : i32
    %dma_start3A_130 = arith.constant 0 : i32
    %dma_start3A_131 = tpu.memref_slice %arg13[%dma_start3A_129, %dma_start3A_130] : memref<10240x64xf32, #tpu.memory_space<vmem_shared>> -> memref<10240x64xf32, #tpu.memory_space<vmem_shared>>
    tpu.enqueue_indirect_dma source(%arg12 : memref<128x64xf32, #tpu.memory_space<vmem>>) target(%dma_start3A_131 : memref<10240x64xf32, #tpu.memory_space<vmem_shared>>) offsets(%dma_start3A_128 : memref<128xi32, #tpu.memory_space<vmem>>) semaphore(%arg15 : memref<!tpu.dma_semaphore, #tpu.memory_space<semaphore_mem>>) {add = true}
    %dma_wait3A_132 = arith.constant 158 : i32
    %dma_wait3A_133 = arith.constant 0 : i32
    %dma_wait3A_134 = tpu.memref_slice %arg8[%dma_wait3A_132, %dma_wait3A_133] : memref<160x128xi32, #tpu.memory_space<vmem>> -> memref<1x128xi32, #tpu.memory_space<vmem>>
    %dma_wait3A_135 = tpu.memref_squeeze %dma_wait3A_134 : memref<1x128xi32, #tpu.memory_space<vmem>> -> memref<128xi32, #tpu.memory_space<vmem>>
    %dma_wait3A_136 = arith.constant 0 : i32
    %dma_wait3A_137 = arith.constant 0 : i32
    %dma_wait3A_138 = tpu.memref_slice %arg13[%dma_wait3A_136, %dma_wait3A_137] : memref<10240x64xf32, #tpu.memory_space<vmem_shared>> -> memref<10240x64xf32, #tpu.memory_space<vmem_shared>>
    tpu.wait_indirect_dma semaphore(%arg15 : memref<!tpu.dma_semaphore, #tpu.memory_space<semaphore_mem>>) src(%arg11 : memref<128x64xf32, #tpu.memory_space<vmem>>) dst(%dma_wait3A_138 : memref<10240x64xf32, #tpu.memory_space<vmem_shared>>)
    %dma_wait3A_139 = arith.constant 159 : i32
    %dma_wait3A_140 = arith.constant 0 : i32
    %dma_wait3A_141 = tpu.memref_slice %arg8[%dma_wait3A_139, %dma_wait3A_140] : memref<160x128xi32, #tpu.memory_space<vmem>> -> memref<1x128xi32, #tpu.memory_space<vmem>>
    %dma_wait3A_142 = tpu.memref_squeeze %dma_wait3A_141 : memref<1x128xi32, #tpu.memory_space<vmem>> -> memref<128xi32, #tpu.memory_space<vmem>>
    %dma_wait3A_143 = arith.constant 0 : i32
    %dma_wait3A_144 = arith.constant 0 : i32
    %dma_wait3A_145 = tpu.memref_slice %arg13[%dma_wait3A_143, %dma_wait3A_144] : memref<10240x64xf32, #tpu.memory_space<vmem_shared>> -> memref<10240x64xf32, #tpu.memory_space<vmem_shared>>
    tpu.wait_indirect_dma semaphore(%arg15 : memref<!tpu.dma_semaphore, #tpu.memory_space<semaphore_mem>>) src(%arg12 : memref<128x64xf32, #tpu.memory_space<vmem>>) dst(%dma_wait3A_145 : memref<10240x64xf32, #tpu.memory_space<vmem_shared>>)
    %barrier3A_146 = arith.constant 0 : index
    tpu.barrier barrier_id(%barrier3A_146)
    %mul3A_147 = arith.constant 64 : i32
    %mul3A_148 = arith.muli %arg0, %mul3A_147 : i32
    "tpu.region"() ({
      %run_scoped3A = tpu.sem_alloc : memref<!tpu.dma_semaphore, #tpu.memory_space<semaphore_mem>>
      %dma_start3A_149 = tpu.memref_slice %arg6[%mul3A_0, %mul3A_148] : memref<10240x128xf32, #tpu.memory_space<hbm>> -> memref<640x64xf32, #tpu.memory_space<hbm>>
      %dma_start3A_150 = arith.constant 0 : i32
      %dma_start3A_151 = tpu.memref_slice %arg13[%mul3A_0, %dma_start3A_150] : memref<10240x64xf32, #tpu.memory_space<vmem_shared>> -> memref<640x64xf32, #tpu.memory_space<vmem_shared>>
      tpu.enqueue_dma source(%dma_start3A_151 : memref<640x64xf32, #tpu.memory_space<vmem_shared>>) target(%dma_start3A_149 : memref<640x64xf32, #tpu.memory_space<hbm>>) target_semaphore(%run_scoped3A : memref<!tpu.dma_semaphore, #tpu.memory_space<semaphore_mem>>)
      %dma_wait3A_152 = tpu.memref_slice %arg6[%mul3A_0, %mul3A_148] : memref<10240x128xf32, #tpu.memory_space<hbm>> -> memref<640x64xf32, #tpu.memory_space<hbm>>
      %dma_wait3A_153 = arith.constant 0 : i32
      %dma_wait3A_154 = tpu.memref_slice %arg13[%mul3A_0, %dma_wait3A_153] : memref<10240x64xf32, #tpu.memory_space<vmem_shared>> -> memref<640x64xf32, #tpu.memory_space<vmem_shared>>
      tpu.wait_dma2 semaphore(%run_scoped3A : memref<!tpu.dma_semaphore, #tpu.memory_space<semaphore_mem>>) src(%dma_wait3A_154 : memref<640x64xf32, #tpu.memory_space<vmem_shared>>) dst(%dma_wait3A_152 : memref<640x64xf32, #tpu.memory_space<hbm>>)
      tpu.yield
    }) : () -> ()
    return
  }
}

module attributes {stable_mosaic.version = 14 : i64} {
  func.func @_stage0_body(%arg0: i32, %arg1: memref<1024x128xf32, #tpu.memory_space<vmem>>, %arg2: memref<1024x128xf32, #tpu.memory_space<vmem>>, %arg3: memref<128x128xf32, #tpu.memory_space<vmem>>, %arg4: memref<1024x128xf32, #tpu.memory_space<vmem>>, %arg5: memref<1024x1xf32, #tpu.memory_space<vmem>>) attributes {dimension_semantics = [#tpu.dimension_semantics<arbitrary>], iteration_bounds = array<i64: 10>, scalar_prefetch = 0 : i64, scratch_operands = 0 : i64, tpu.core_type = #tpu.core_type<tc>, window_params = [{transform_indices = @transform_0, window_bounds = array<i64: 1024, 128>}, {transform_indices = @transform_1, window_bounds = array<i64: 1024, 128>}, {pipeline_mode = #tpu.pipeline_mode<synchronous>, transform_indices = @transform_2, window_bounds = array<i64: 128, 128>}, {transform_indices = @transform_3, window_bounds = array<i64: 1024, 128>}, {transform_indices = @transform_4, window_bounds = array<i64: 1024, 1>}]} {
    %get3A = arith.constant 0 : index
    %get3A_0 = arith.constant 0 : index
    %get3A_1 = vector.load %arg1[%get3A, %get3A_0] : memref<1024x128xf32, #tpu.memory_space<vmem>>, vector<1024x1xf32>
    %get3A_2 = arith.constant 0 : index
    %get3A_3 = arith.constant 16 : index
    %get3A_4 = vector.load %arg1[%get3A_2, %get3A_3] : memref<1024x128xf32, #tpu.memory_space<vmem>>, vector<1024x1xf32>
    %add3A = arith.addf %get3A_1, %get3A_4 : vector<1024x1xf32>
    %add3A_5 = arith.constant 1.000000e+00 : f32
    %add3A_6 = vector.broadcast %add3A_5 : f32 to vector<1024x1xf32>
    %add3A_7 = arith.addf %add3A, %add3A_6 : vector<1024x1xf32>
    %rsqrt3A = math.rsqrt %add3A_7 : vector<1024x1xf32>
    %get3A_8 = arith.constant 0 : index
    %get3A_9 = arith.constant 0 : index
    %get3A_10 = vector.load %arg2[%get3A_8, %get3A_9] : memref<1024x128xf32, #tpu.memory_space<vmem>>, vector<1024x128xf32>
    %get3A_11 = arith.constant 0 : index
    %get3A_12 = arith.constant 0 : index
    %get3A_13 = vector.load %arg3[%get3A_11, %get3A_12] : memref<128x128xf32, #tpu.memory_space<vmem>>, vector<128x128xf32>
    %dot_general3A = arith.constant dense<0.000000e+00> : vector<1024x128xf32>
    %dot_general3A_14 = tpu.matmul %get3A_10, %get3A_13, %dot_general3A {dimension_numbers = #tpu.dot_dimension_numbers<[1], [0], [0], [1], [0, 0, 1, 1], [], []>, transpose_lhs_hint = false} : vector<1024x128xf32>, vector<128x128xf32>, vector<1024x128xf32> -> vector<1024x128xf32>
    %mul3A = vector.broadcast %rsqrt3A : vector<1024x1xf32> to vector<1024x128xf32>
    %mul3A_15 = arith.mulf %dot_general3A_14, %mul3A : vector<1024x128xf32>
    %swap3A = arith.constant 0 : index
    %swap3A_16 = arith.constant 0 : index
    %swap3A_17 = vector.load %arg4[%swap3A, %swap3A_16] : memref<1024x128xf32, #tpu.memory_space<vmem>>, vector<1024x128xf32>
    tpu.vector_store %arg4[%swap3A, %swap3A_16], %mul3A_15 {strides = array<i32>} : memref<1024x128xf32, #tpu.memory_space<vmem>>, vector<1024x128xf32>,
    %swap3A_18 = arith.constant 0 : index
    %swap3A_19 = arith.constant 0 : index
    %swap3A_20 = vector.load %arg5[%swap3A_18, %swap3A_19] : memref<1024x1xf32, #tpu.memory_space<vmem>>, vector<1024x1xf32>
    tpu.vector_store %arg5[%swap3A_18, %swap3A_19], %rsqrt3A {strides = array<i32>} : memref<1024x1xf32, #tpu.memory_space<vmem>>, vector<1024x1xf32>,
    return
  }
  func.func @transform_0(%arg0: i32) -> (i32, i32) {
    %c0_i32 = arith.constant 0 : i32
    %c0_i32_0 = arith.constant 0 : i32
    return %arg0, %c0_i32 : i32, i32
  }
  func.func @transform_1(%arg0: i32) -> (i32, i32) {
    %c0_i32 = arith.constant 0 : i32
    %c0_i32_0 = arith.constant 0 : i32
    return %arg0, %c0_i32 : i32, i32
  }
  func.func @transform_2(%arg0: i32) -> (i32, i32) {
    %c0_i32 = arith.constant 0 : i32
    %c0_i32_0 = arith.constant 0 : i32
    %c0_i32_1 = arith.constant 0 : i32
    return %c0_i32, %c0_i32_0 : i32, i32
  }
  func.func @transform_3(%arg0: i32) -> (i32, i32) {
    %c0_i32 = arith.constant 0 : i32
    %c0_i32_0 = arith.constant 0 : i32
    return %arg0, %c0_i32 : i32, i32
  }
  func.func @transform_4(%arg0: i32) -> (i32, i32) {
    %c0_i32 = arith.constant 0 : i32
    %c0_i32_0 = arith.constant 0 : i32
    return %arg0, %c0_i32 : i32, i32
  }
}

module attributes {stable_mosaic.version = 14 : i64} {
  func.func @_stage_mid_body(%arg0: i32, %arg1: memref<1024x128xf32, #tpu.memory_space<vmem>>, %arg2: memref<1024x128xf32, #tpu.memory_space<vmem>>, %arg3: memref<1024x1xf32, #tpu.memory_space<vmem>>, %arg4: memref<1x128xf32, #tpu.memory_space<vmem>>, %arg5: memref<128x128xf32, #tpu.memory_space<vmem>>, %arg6: memref<1024x128xf32, #tpu.memory_space<vmem>>) attributes {dimension_semantics = [#tpu.dimension_semantics<arbitrary>], iteration_bounds = array<i64: 10>, scalar_prefetch = 0 : i64, scratch_operands = 0 : i64, tpu.core_type = #tpu.core_type<tc>, window_params = [{transform_indices = @transform_0, window_bounds = array<i64: 1024, 128>}, {transform_indices = @transform_1, window_bounds = array<i64: 1024, 128>}, {transform_indices = @transform_2, window_bounds = array<i64: 1024, 1>}, {pipeline_mode = #tpu.pipeline_mode<synchronous>, transform_indices = @transform_3, window_bounds = array<i64: 1, 128>}, {pipeline_mode = #tpu.pipeline_mode<synchronous>, transform_indices = @transform_4, window_bounds = array<i64: 128, 128>}, {transform_indices = @transform_5, window_bounds = array<i64: 1024, 128>}]} {
    %get3A = arith.constant 0 : index
    %get3A_0 = arith.constant 0 : index
    %get3A_1 = vector.load %arg1[%get3A, %get3A_0] : memref<1024x128xf32, #tpu.memory_space<vmem>>, vector<1024x128xf32>
    %get3A_2 = arith.constant 0 : index
    %get3A_3 = arith.constant 0 : index
    %get3A_4 = vector.load %arg2[%get3A_2, %get3A_3] : memref<1024x128xf32, #tpu.memory_space<vmem>>, vector<1024x128xf32>
    %add3A = arith.addf %get3A_1, %get3A_4 : vector<1024x128xf32>
    %get3A_5 = arith.constant 0 : index
    %get3A_6 = arith.constant 0 : index
    %get3A_7 = vector.load %arg3[%get3A_5, %get3A_6] : memref<1024x1xf32, #tpu.memory_space<vmem>>, vector<1024x1xf32>
    %mul3A = vector.broadcast %get3A_7 : vector<1024x1xf32> to vector<1024x128xf32>
    %mul3A_8 = arith.mulf %add3A, %mul3A : vector<1024x128xf32>
    %get3A_9 = arith.constant 0 : index
    %get3A_10 = arith.constant 0 : index
    %get3A_11 = vector.load %arg4[%get3A_9, %get3A_10] : memref<1x128xf32, #tpu.memory_space<vmem>>, vector<1x128xf32>
    %add3A_12 = vector.broadcast %get3A_11 : vector<1x128xf32> to vector<1024x128xf32>
    %add3A_13 = arith.addf %mul3A_8, %add3A_12 : vector<1024x128xf32>
    %max3A = arith.constant 0.000000e+00 : f32
    %max3A_14 = vector.broadcast %max3A : f32 to vector<1024x128xf32>
    %max3A_15 = arith.maximumf %add3A_13, %max3A_14 : vector<1024x128xf32>
    %get3A_16 = arith.constant 0 : index
    %get3A_17 = arith.constant 0 : index
    %get3A_18 = vector.load %arg5[%get3A_16, %get3A_17] : memref<128x128xf32, #tpu.memory_space<vmem>>, vector<128x128xf32>
    %dot_general3A = arith.constant dense<0.000000e+00> : vector<1024x128xf32>
    %dot_general3A_19 = tpu.matmul %max3A_15, %get3A_18, %dot_general3A {dimension_numbers = #tpu.dot_dimension_numbers<[1], [0], [0], [1], [0, 0, 1, 1], [], []>, transpose_lhs_hint = false} : vector<1024x128xf32>, vector<128x128xf32>, vector<1024x128xf32> -> vector<1024x128xf32>
    %get3A_20 = arith.constant 0 : index
    %get3A_21 = arith.constant 0 : index
    %get3A_22 = vector.load %arg3[%get3A_20, %get3A_21] : memref<1024x1xf32, #tpu.memory_space<vmem>>, vector<1024x1xf32>
    %mul3A_23 = vector.broadcast %get3A_22 : vector<1024x1xf32> to vector<1024x128xf32>
    %mul3A_24 = arith.mulf %dot_general3A_19, %mul3A_23 : vector<1024x128xf32>
    %swap3A = arith.constant 0 : index
    %swap3A_25 = arith.constant 0 : index
    %swap3A_26 = vector.load %arg6[%swap3A, %swap3A_25] : memref<1024x128xf32, #tpu.memory_space<vmem>>, vector<1024x128xf32>
    tpu.vector_store %arg6[%swap3A, %swap3A_25], %mul3A_24 {strides = array<i32>} : memref<1024x128xf32, #tpu.memory_space<vmem>>, vector<1024x128xf32>,
    return
  }
  func.func @transform_0(%arg0: i32) -> (i32, i32) {
    %c0_i32 = arith.constant 0 : i32
    %c0_i32_0 = arith.constant 0 : i32
    return %arg0, %c0_i32 : i32, i32
  }
  func.func @transform_1(%arg0: i32) -> (i32, i32) {
    %c0_i32 = arith.constant 0 : i32
    %c0_i32_0 = arith.constant 0 : i32
    return %arg0, %c0_i32 : i32, i32
  }
  func.func @transform_2(%arg0: i32) -> (i32, i32) {
    %c0_i32 = arith.constant 0 : i32
    %c0_i32_0 = arith.constant 0 : i32
    return %arg0, %c0_i32 : i32, i32
  }
  func.func @transform_3(%arg0: i32) -> (i32, i32) {
    %c0_i32 = arith.constant 0 : i32
    %c0_i32_0 = arith.constant 0 : i32
    %c0_i32_1 = arith.constant 0 : i32
    return %c0_i32, %c0_i32_0 : i32, i32
  }
  func.func @transform_4(%arg0: i32) -> (i32, i32) {
    %c0_i32 = arith.constant 0 : i32
    %c0_i32_0 = arith.constant 0 : i32
    %c0_i32_1 = arith.constant 0 : i32
    return %c0_i32, %c0_i32_0 : i32, i32
  }
  func.func @transform_5(%arg0: i32) -> (i32, i32) {
    %c0_i32 = arith.constant 0 : i32
    %c0_i32_0 = arith.constant 0 : i32
    return %arg0, %c0_i32 : i32, i32
  }
}

module attributes {stable_mosaic.version = 14 : i64} {
  func.func @_stage_last_body(%arg0: i32, %arg1: memref<1000x128xf32, #tpu.memory_space<vmem>>, %arg2: memref<1000x128xf32, #tpu.memory_space<vmem>>, %arg3: memref<1000x1xf32, #tpu.memory_space<vmem>>, %arg4: memref<1x128xf32, #tpu.memory_space<vmem>>, %arg5: memref<1000x128xf32, #tpu.memory_space<vmem>>) attributes {dimension_semantics = [#tpu.dimension_semantics<arbitrary>], iteration_bounds = array<i64: 10>, scalar_prefetch = 0 : i64, scratch_operands = 0 : i64, tpu.core_type = #tpu.core_type<tc>, window_params = [{transform_indices = @transform_0, window_bounds = array<i64: 1000, 128>}, {transform_indices = @transform_1, window_bounds = array<i64: 1000, 128>}, {transform_indices = @transform_2, window_bounds = array<i64: 1000, 1>}, {pipeline_mode = #tpu.pipeline_mode<synchronous>, transform_indices = @transform_3, window_bounds = array<i64: 1, 128>}, {transform_indices = @transform_4, window_bounds = array<i64: 1000, 128>}]} {
    %get3A = arith.constant 0 : index
    %get3A_0 = arith.constant 0 : index
    %get3A_1 = vector.load %arg1[%get3A, %get3A_0] : memref<1000x128xf32, #tpu.memory_space<vmem>>, vector<1000x128xf32>
    %get3A_2 = arith.constant 0 : index
    %get3A_3 = arith.constant 0 : index
    %get3A_4 = vector.load %arg2[%get3A_2, %get3A_3] : memref<1000x128xf32, #tpu.memory_space<vmem>>, vector<1000x128xf32>
    %add3A = arith.addf %get3A_1, %get3A_4 : vector<1000x128xf32>
    %get3A_5 = arith.constant 0 : index
    %get3A_6 = arith.constant 0 : index
    %get3A_7 = vector.load %arg3[%get3A_5, %get3A_6] : memref<1000x1xf32, #tpu.memory_space<vmem>>, vector<1000x1xf32>
    %mul3A = vector.broadcast %get3A_7 : vector<1000x1xf32> to vector<1000x128xf32>
    %mul3A_8 = arith.mulf %add3A, %mul3A : vector<1000x128xf32>
    %get3A_9 = arith.constant 0 : index
    %get3A_10 = arith.constant 0 : index
    %get3A_11 = vector.load %arg4[%get3A_9, %get3A_10] : memref<1x128xf32, #tpu.memory_space<vmem>>, vector<1x128xf32>
    %add3A_12 = vector.broadcast %get3A_11 : vector<1x128xf32> to vector<1000x128xf32>
    %add3A_13 = arith.addf %mul3A_8, %add3A_12 : vector<1000x128xf32>
    %swap3A = arith.constant 0 : index
    %swap3A_14 = arith.constant 0 : index
    %swap3A_15 = vector.load %arg5[%swap3A, %swap3A_14] : memref<1000x128xf32, #tpu.memory_space<vmem>>, vector<1000x128xf32>
    tpu.vector_store %arg5[%swap3A, %swap3A_14], %add3A_13 {strides = array<i32>} : memref<1000x128xf32, #tpu.memory_space<vmem>>, vector<1000x128xf32>,
    return
  }
  func.func @transform_0(%arg0: i32) -> (i32, i32) {
    %c0_i32 = arith.constant 0 : i32
    %c0_i32_0 = arith.constant 0 : i32
    return %arg0, %c0_i32 : i32, i32
  }
  func.func @transform_1(%arg0: i32) -> (i32, i32) {
    %c0_i32 = arith.constant 0 : i32
    %c0_i32_0 = arith.constant 0 : i32
    return %arg0, %c0_i32 : i32, i32
  }
  func.func @transform_2(%arg0: i32) -> (i32, i32) {
    %c0_i32 = arith.constant 0 : i32
    %c0_i32_0 = arith.constant 0 : i32
    return %arg0, %c0_i32 : i32, i32
  }
  func.func @transform_3(%arg0: i32) -> (i32, i32) {
    %c0_i32 = arith.constant 0 : i32
    %c0_i32_0 = arith.constant 0 : i32
    %c0_i32_1 = arith.constant 0 : i32
    return %c0_i32, %c0_i32_0 : i32, i32
  }
  func.func @transform_4(%arg0: i32) -> (i32, i32) {
    %c0_i32 = arith.constant 0 : i32
    %c0_i32_0 = arith.constant 0 : i32
    return %arg0, %c0_i32 : i32, i32
  }
}

</mosaic_0001>

<sc_bundles>
// kernel: kernel.10.cloned.1.call-start
scs
__scs_entry_jumppad:
0x0: {  	(pc) =	sbr.rel $0x88, $3  }
0x1: {  	(tag) =	ssettag $0x0;
	lr =	simm.s32 $0x1  }
0x2: {  	[smem:$0x3F99] =	sst lr;
	_ =	strace $0xD0000000  }
0x3: {  	_ = 	snop  }
0x4: {  	_ = 	snop  }
0x5: {  	_ = 	snop  }
0x6: {  	_ = 	snop  }
0x7: {  	_ = 	snop  }
__scs_overlays_trampoline_lowered:
0x8: {  	[smem:$0x3FA8] =	sst s0  }
0x9: {  	[smem:$0x3FA9] =	sst s1  }
0xa: {  	[smem:$0x3FAA] =	sst s2  }
0xb: {  	[smem:$0x3FAB] =	sst s3  }
0xc: {  	[smem:$0x3FAC] =	sst s4  }
0xd: {  	[smem:$0x3FAD] =	sst s5  }
0xe: {  	[smem:$0x3FAE] =	sst s6  }
0xf: {  	[smem:$0x3FAF] =	sst s7  }
0x10: {  	[smem:$0x3FB0] =	sst s8  }
0x11: {  	[smem:$0x3FB1] =	sst s9;
	s0 =	simm.s32 @!p0 $0x0  }
0x12: {  	s1 =	sld [smem:$0x3F97];
	s0 =	simm.s32 @p0 $0x1  }
0x13: {  	[smem:$0x3FB2] =	sst s0;
	s0 =	simm.s32 @!p1 $0x0  }
0x14: {  	s2 =	sld [smem:$0x3F96];
	s0 =	simm.s32 @p1 $0x1  }
0x15: {  	[smem:$0x3FB3] =	sst s0;
	s0 =	simm.s32 @!p2 $0x0  }
0x16: {  	s3 =	sld [smem:$0x3FDB];
	s0 =	simm.s32 @p2 $0x1  }
0x17: {  	s4 =	simm.s32 $0x1BF5;
	[smem:$0x3FB5] =	sst s0  }
0x18: {  	s0 =	sld [smem:$0x3F98];
	_ =	swait.ge [sflag:s4], $0x0  }
0x19: {  	s7 =	sld [smem:$0x3F99]  }
0x1a: {  	s8 =	sadd.s32 $0xFFFFE003, lr  }
0x1b: {  	s9 =	sadd.s32 $0xFFFFFEF7, lr;
	s5 =	simm.s32 $0xFFFFFFFF;
	p2 =	slt.u32 s8, $0xFFFFF086  }
0x1c: {  	p1 =	slt.u32 s9, $0xF7A;
	s5 =	simm.s32 @!p2 $0x0  }
0x1d: {  	s5 =	simm.s32 @p1 $0x1;
	p0 =	seq.s32 s7, s2  }
0x1e: {  	s7 =	smul.u32 @!p0 $0xF7A, s2;
	p2 =	seq.s32 @!p0 s5, $0x0  }
0x1f: {  	s9 =	smul.u32 $0xF7A, s1;
	s8 =	simm.s32 @!p0 $0x1BF5;
	p2 =	por !p2, p0  }
0x20: {  	[sflag:s8] =	ssyncset.s32 @!p0 $0xFFFFF086;
	s6 =	sadd.s32 @!p0 s3, s7;
	s7 =	simm.s32 @!p0 $0x108  }
0x21: {  	s3 =	sadd.s32 s3, s9;
	s6 =	sadd.s32 @!p0 $0x88, s6;
	s7 =	simm.s32 @p2 $0x1082  }
0x22: {  	[simem:s7], [sflag:s8] =	dma.local @!p0 [hbm:s6], $0xF7A  }
0x23: {  	s9 =	sor.u32 $0xD0000000, s2;
	s6 =	simm.s32 $0x108;
	_ =	swait.ge @!p0 [sflag:s8], $0x0  }
0x24: {  	s3 =	sadd.s32 $0x88, s3;
	s6 =	simm.s32 @!p1 $0x1082;
	[sflag:s4] =	ssyncset.s32 $0xFFFFF086  }
0x25: {  	[simem:s6], [sflag:s4] =	dma.local [hbm:s3], $0xF7A  }
0x26: {  	[smem:$0x3F99] =	sst s1;
	(tag) =	ssettag s2;
	_ =	strace s9  }
0x27: {  	s1 =	sld [smem:$0x3FA9]  }
0x28: {  	s2 =	sld [smem:$0x3FAA]  }
0x29: {  	s4 =	sld [smem:$0x3FAC]  }
0x2a: {  	p0 =	seq.s32 s5, $0x0;
	s5 =	sld [smem:$0x3FAD]  }
0x2b: {  	s6 =	sld [smem:$0x3FAE]  }
0x2c: {  	s7 =	sld [smem:$0x3FAF]  }
0x2d: {  	s3 =	simm.s32 $0x108;
	s8 =	sld [smem:$0x3FB0]  }
0x2e: {  	s3 =	simm.s32 @!p0 $0x1082;
	s9 =	sld [smem:$0x3FB1]  }
0x2f: {  	lr =	sadd.s32 s0, s3;
	s0 =	sld [smem:$0x3FA8]  }
0x30: {  	s3 =	sld [smem:$0x3FAB]  }
0x31: {  	[smem:$0x3FB4] =	sst s10  }
0x32: {  	s10 =	sld [smem:$0x3FB2];
	_ =	sdelay $0x3  }
0x33: {  	p0 =	seq.s32 s10, $0x1;
	s10 =	sld [smem:$0x3FB4];
	_ =	sdelay $0x3  }
0x34: {  	[smem:$0x3FB4] =	sst s10  }
0x35: {  	s10 =	sld [smem:$0x3FB3];
	_ =	sdelay $0x3  }
0x36: {  	p1 =	seq.s32 s10, $0x1;
	s10 =	sld [smem:$0x3FB4];
	_ =	sdelay $0x3  }
0x37: {  	[smem:$0x3FB4] =	sst s10  }
0x38: {  	s10 =	sld [smem:$0x3FB5]  }
0x39: {  	_ = 	snop;
	(pc) =	sbr.ind lr, $3  }
0x3a: {  	_ = 	snop  }
0x3b: {  	_ = 	snop  }
0x3c: {  	p2 =	seq.s32 s10, $0x1;
	s10 =	sld [smem:$0x3FB4]  }
0x3d: {  	_ =	shalt  }
0x3e: {  	_ =	shalt  }
0x3f: {  	_ =	shalt  }
0x40: {  	_ =	shalt  }
0x41: {  	_ =	shalt  }
0x42: {  	_ =	shalt  }
0x43: {  	_ =	shalt  }
0x44: {  	_ =	shalt  }
0x45: {  	_ =	shalt  }
0x46: {  	_ =	shalt  }
0x47: {  	_ =	shalt  }
0x48: {  	_ =	shalt  }
0x49: {  	_ =	shalt  }
0x4a: {  	_ =	shalt  }
0x4b: {  	_ =	shalt  }
0x4c: {  	_ =	shalt  }
0x4d: {  	_ =	shalt  }
0x4e: {  	_ =	shalt  }
0x4f: {  	_ =	shalt  }
0x50: {  	_ =	shalt  }
0x51: {  	_ =	shalt  }
0x52: {  	_ =	shalt  }
0x53: {  	_ =	shalt  }
0x54: {  	_ =	shalt  }
0x55: {  	_ =	shalt  }
0x56: {  	_ =	shalt  }
0x57: {  	_ =	shalt  }
0x58: {  	_ =	shalt  }
0x59: {  	_ =	shalt  }
0x5a: {  	_ =	shalt  }
0x5b: {  	_ =	shalt  }
0x5c: {  	_ =	shalt  }
0x5d: {  	_ =	shalt  }
0x5e: {  	_ =	shalt  }
0x5f: {  	_ =	shalt  }
0x60: {  	_ =	shalt  }
0x61: {  	_ =	shalt  }
0x62: {  	_ =	shalt  }
0x63: {  	_ =	shalt  }
0x64: {  	_ =	shalt  }
0x65: {  	_ =	shalt  }
0x66: {  	_ =	shalt  }
0x67: {  	_ =	shalt  }
0x68: {  	_ =	shalt  }
0x69: {  	_ =	shalt  }
0x6a: {  	_ =	shalt  }
0x6b: {  	_ =	shalt  }
0x6c: {  	_ =	shalt  }
0x6d: {  	_ =	shalt  }
0x6e: {  	_ =	shalt  }
0x6f: {  	_ =	shalt  }
0x70: {  	_ =	shalt  }
0x71: {  	_ =	shalt  }
0x72: {  	_ =	shalt  }
0x73: {  	_ =	shalt  }
0x74: {  	_ =	shalt  }
0x75: {  	_ =	shalt  }
0x76: {  	_ =	shalt  }
0x77: {  	_ =	shalt  }
0x78: {  	_ =	shalt  }
0x79: {  	_ =	shalt  }
0x7a: {  	_ =	shalt  }
0x7b: {  	_ =	shalt  }
0x7c: {  	_ =	shalt  }
0x7d: {  	_ =	shalt  }
0x7e: {  	_ =	shalt  }
0x7f: {  	_ =	shalt  }
0x80: {  	_ =	shalt  }
0x81: {  	_ =	shalt  }
0x82: {  	_ =	shalt  }
0x83: {  	_ =	shalt  }
0x84: {  	_ =	shalt  }
0x85: {  	_ =	shalt  }
0x86: {  	_ =	shalt  }
0x87: {  	_ =	shalt  }
.Lfunc_end0:
.L_simem_size_0:
called_computation_lowered:
.L_overlay_start_0:
0x88: {  	s2 =	sld [smem:$0x3FD9]  }
0x89: {  	s3 =	sld [smem:$0x3FFE];
	_ =	sdelay $0x1  }
0x8a: {  	s1 =	srdreg.scid  }
0x8b: {  	s0 =	sand.u32 $0x1, s1  }
0x8c: {  	s17 =	sshll.u32 s0, $0xA;
	s2 =	sadd.s32 s3, s2  }
0x8d: {  	s2 =	sadd.s32 s2, s17  }
0x8e: {  	[smem:$0x3FC0] =	sst s2  }
0x8f: {  	_ = 	snop  }
0x90: {  	s2 =	sld [smem:$0x3FD0];
	(tm) =	ssettm $0x1  }
0x91: {  	s18 =	sld [smem:$0x3FFB];
	_ =	sdelay $0x3  }
0x92: {  	_ =	strace s18  }
0x93: {  	s3 =	sld [smem:$0x3FFC];
	_ =	sdelay $0x3  }
0x94: {  	_ =	strace s3  }
0x95: {  	s3 =	sld [smem:$0x3FFD];
	_ =	sdelay $0x3  }
0x96: {  	_ =	strace s3  }
0x97: {  	_ =	strace $0x8FFFFFFF  }
0x98: {  	s19 =	sld [smem:$0x3FDB];
	_ =	sdelay $0x1  }
0x99: {  	s4 =	simm.s32 $_scs_section_size  }
0x9a: {  	s5 =	simm.s32 $_size__tile_overlayer_lowered;
	s6 =	simm.s32 $_tile_overlayer_lowered  }
0x9b: {  	s22 =	simm.s32 $0x1BFF;
	s21 =	sshll.u32 s6, $0x1;
	s3 =	sadd.s32 s4, s19  }
0x9c: {  	s7 =	simm.s32 $0x0;
	s20 =	sshll.u32 s5, $0x1;
	s5 =	sadd.s32 s21, s3  }
0x9d: {  	[timem:s7], [sflag:s22] =	dma.local [hbm:s5], s20  }
0x9e: {  	_ =	swait.ge [sflag:s22], s20  }
0x9f: {  	s4 =	ssub.s32 $0x0, s20;
	[sflag:s22] =	ssyncset.done $0x0  }
0xa0: {  	[sflag:s22] =	ssyncadd.s32 s4;
	_ =	sdelay $0x1  }
0xa1: {  	s23 =	simm.s32 $0x1B8B  }
0xa2: {  	_ =	swait.ge [sflag:s23], $0x1  }
0xa3: {  	[sflag:s23] =	ssyncset.done $0x0  }
0xa4: {  	s25 =	simm.s32 $0x1B8E;
	s24 =	sld [smem:$0x3FFE];
	[sflag:s23] =	ssyncadd.s32 $0xFFFFFFFF  }
0xa5: {  	s26 =	simm.s32 $execute0_lowered;
	[smem:$0x3FD2] =	sst s25  }
0xa6: {  	s5 =	sshll.u32 s26, $0x1;
	_ =	strace $0x80000046;
	[dreg:$0x1] =	wrdreg $0xFFFFFFFF  }
0xa7: {  	s28 =	simm.s32 $_size_execute0_lowered;
	s3 =	sadd.s32 s3, s5;
	[dreg:$0x0] =	wrdreg $0x0  }
0xa8: {  	s5 =	sshll.u32 s28, $0x1;
	[dreg:$0x2] =	wrdreg s3  }
0xa9: {  	[dreg:$0x3] =	wrdreg s5  }
0xaa: {  	[dreg:$0x4] =	wrdreg $0xC0  }
0xab: {  	_ =	task [dreg:s7], $0x5FFFF  }
0xac: {  	[dreg:$0x1] =	wrdreg $0xFFFFFFFF  }
0xad: {  	[dreg:$0x0] =	wrdreg $0x60  }
0xae: {  	[dreg:$0x2] =	wrdreg s2  }
0xaf: {  	[dreg:$0x3] =	wrdreg s24  }
0xb0: {  	[dreg:$0x4] =	wrdreg $0x30000  }
0xb1: {  	[dreg:$0x5] =	wrdreg $0x9  }
0xb2: {  	_ =	task.clear_ibuf [dreg:s7], $0x6FFFF;
	_ =	strace $0x90000046  }
0xb3: {  	s29 =	simm.s32 $0x9;
	_ =	strace $0x80000048  }
0xb4: {  	_ =	swait.ge [sflag:s29], $0x1  }
0xb5: {  	[sflag:s29] =	ssyncadd.s32 $0xFFFFFFFF  }
0xb6: {  	_ =	strace $0x90000048  }
0xb7: {  	_ =	sfence  }
0xb8: {  	s30 =	sld [smem:$0x0];
	_ =	sdelay $0x2  }
0xb9: {  	s31 =	sshll.u32 s1, $0xD;
	s1 =	sshrl.u32 s1, $0x2  }
0xba: {  	s3 =	sand.u32 $0x4000, s31;
	s1 =	sadd.s32 s1, s30  }
0xbb: {  	s0 =	sor.u32 s3, s0;
	s1 =	sshll.u32 s1, $0x11  }
0xbc: {  	s0 =	sor.u32 s1, s0  }
0xbd: {  	s0 =	sadd.s32 $0x8F2B, s0  }
0xbe: {  	[sflag:s0] =	ssyncadd.remote.s32 $0x1  }
0xbf: {  	_ =	sfence.sel $0xFFFF  }
0xc0: {  	[dreg:$0x0] =	wrdreg $0xFFFFFFFF;
	(pc) =	sbr.abs _section_cstart, $3  }
0xc1: {  	[dreg:$0x1] =	wrdreg $0xFFFFFFFF  }
0xc2: {  	_ =	task.clear_ibuf [dreg:s7], $0x2FFFF;
	_ =	strace $0x9FFFFFFF  }
0xc3: {  	(tm) =	ssettm $0x7FFFFFFF  }
tec
execute0_lowered:
.L_overlay_start_1:
0x0: {  	(tag) =	ssettag $0x1  }
0x1: {  	s6 =	rddreg [dreg:$0x0]  }
0x2: {  	s5 =	rddreg [dreg:$0x1]  }
0x3: {  	s2 =	rddreg [dreg:$0x2]  }
0x4: {  	s0 =	rddreg [dreg:$0x3];
	s1 =	stileid.u32  }
0x5: {  	s3 =	simm.s32 $0x0;
	s4 =	srdreg.scid;
	s14 =	simm.s32 $0x2  }
0x6: {  	s16 =	simm.s32 $0x10;
	s17 =	simm.s32 $0x0;
	s7 =	smul.u32 $0x2800, s1  }
0x7: {  	[smem:$0x7FF] =	sst s3;
	s8 =	sand.u32 $0x1, s4;
	s9 =	smul.u32 $0x14000, s1  }
0x8: {  	s4 =	sadd.s32 $0x9E00, s5;
	s15 =	sshll.u32 s1, $0x6;
	_ =	strace $0x80000047  }
0x9: {  	s10 =	sshll.u32 s8, $0x4;
	s8 =	ssub.s32 $0x2, s8;
	s11 =	sshrl.u32 s7, $0x3  }
0xa: {  	s9 =	sor.u32 s10, s9;
	s10 =	sor.u32 s1, s10;
	s30 =	sshrl.u32 s8, $0x1  }
0xb: {  	s13 =	sadd.s32 s7, s2;
	s9 =	sshrl.u32 s9, $0x3;
	s10 =	smul.u32 $0x2800, s10  }
0xc: {  	s11 =	sadd.s32 s11, s5;
	s12 =	ssub.s32 s8, s30;
	s9 =	sadd.s32 s9, s5  }
0xd: {  	s5 =	sadd.s32 $0x4E00, s11;
	s11 =	simm.s32 $0x2800;
	s31 =	sshrl.u32 s10, $0x3  }
0xe: {  	s8 =	sadd.s32 $0xA000, s9;
	s9 =	smax.u32 s12, $0x1;
	s10 =	sshrl.u32 s13, $0x3  }
0xf: {  	s12 =	simm.s32 $0x1;
	s13 =	simm.s32 $0x80;
	s7 =	sadd.s32 s6, s31  }
0x10: {  	s6 =	sor.u32 $0x1C01, s15;
	s15 =	sor.u32 $0x1C02, s15;
	s7 =	sadd.s32 $0xA000, s7  }
.LBB2_1:
0x11: {  	[spmem:s10], [sflag:s6] =	dma.local [hbm:s5], $0x500  }
0x12: {  	[tilespmem:s3], [sflag:$0x1] =	stream.linear.gather [hbm4b:s7+s3], $0x2800, $0x38;
	[tilespmem:$0x5800] =	vst v63  }
0x13: {  	_ = 	snop  }
0x14: {  	[tilespmem:s11], [sflag:$0x1] =	stream.linear.gather [hbm4b:s4+s3], $0x800, $0x38;
	[tilespmem:$0x5800] =	vst v63  }
0x15: {  	_ =	swait.ge [sflag:s12], $0x500  }
0x16: {  	[sflag:s12] =	ssyncset.done $0x0  }
0x17: {  	[sflag:s12] =	ssyncadd.s32 $0xFFFFFB00  }
0x18: {  	_ =	swait.ge [sflag:s12], $0x2800  }
0x19: {  	[sflag:s12] =	ssyncset.done $0x0  }
0x1a: {  	[sflag:s12] =	ssyncadd.s32 $0xFFFFD800  }
0x1b: {  	_ =	swait.ge [sflag:s12], $0x800  }
0x1c: {  	[sflag:s12] =	ssyncset.done $0x0  }
0x1d: {  	[sflag:s12] =	ssyncadd.s32 $0xFFFFF800  }
0x1e: {  	s18 =	simm.s32 $0x0;
	[bflag:$0x0] =	sbarrier.arrive $0xFFFF  }
0x1f: {  	[spmem:s2] =	stream.indirect.scatter.add.f32 [tilespmem:s11], [sflag:$0x2], $0x10, s18, s13, $0xb8;
	[tilespmem:$0x5800] =	vst v63  }
0x20: {  	_ =	swait.ge [sflag:s14], $0x800  }
0x21: {  	s18 =	simm.s32 $0x200;
	[sflag:s14] =	ssyncset.done $0x0  }
.LBB2_2:
0x22: {  	s19 =	sshra.s32 s18, $0x2;
	[sflag:s14] =	ssyncadd.s32 $0xFFFFF800;
	p0 =	sne.s32 s18, $0x9E00  }
0x23: {  	[spmem:s2] =	stream.indirect.scatter.add.f32 [tilespmem:s11], [sflag:$0x2], $0x10, s19, s13, $0xb8;
	[tilespmem:$0x5800] =	vst v63  }
.Ltmp0:
0x24: {  	_ = 	snop;
	(pc) =	sbr.rel @p0 .LBB2_2-.Ltmp0, $4  }
0x25: {  	_ = 	snop  }
0x26: {  	s18 =	sadd.s32 $0x200, s18  }
0x27: {  	_ =	swait.ge [sflag:s14], $0x800  }
0x28: {  	[sflag:s14] =	ssyncset.done $0x0  }
0x29: {  	s17 =	sadd.s32 $0x1, s17  }
0x2a: {  	[sflag:s14] =	ssyncadd.s32 $0xFFFFF800;
	p0 =	sne.s32 s17, s9  }
.Ltmp1:
0x2b: {  	[bflag:$0x0] =	sbarrier.arrive $0xFFFF;
	(pc) =	sbr.rel @p0 .LBB2_1-.Ltmp1, $4  }
0x2c: {  	[hbm:s8@s16], [sflag:s15] =	dma.strided [spmem:s10@s14], $0x500, s12, $0x2   }
0x2d: {  	_ =	swait.ge [sflag:s14], $0x500  }
0x2e: {  	[sflag:s14] =	ssyncset.done $0x0  }
0x2f: {  	[sflag:s14] =	ssyncadd.s32 $0xFFFFFB00  }
0x30: {  	_ =	sfence.sel $0x180000  }
0x31: {  	[bflag:$0x0] =	sbarrier.arrive $0xFFFF  }
0x32: {  	p0 =	sne.s32 s1, $0x0;
	_ =	strace $0x90000047  }
0x33: {  	s0 =	sadd.s32 @!p0 $0x100000, s0;
	[bflag:$0x2] =	sbarrier.arrive $0xFFFF  }
0x34: {  	[sflag:s0] =	ssyncadd.tile.s32 @!p0 $0x1;
	_ =	shalt  }
.Lfunc_end2:
_tile_overlayer_lowered:
.L_overlay_start_2:
0x35: {  	(tag) =	ssettag $0x2  }
0x36: {  	s0 =	rddreg [dreg:$0x0];
	s2 =	stileid.u32  }
0x37: {  	s1 =	rddreg [dreg:$0x1];
	p0 =	sne.s32 s2, $0x0  }
0x38: {  	s3 =	rddreg [dreg:$0x2];
	[bflag:$0x3] =	sbarrier.arrive $0xFFFF;
	s2 =	simm.s32 @!p0 $0x1C02  }
0x39: {  	[timem:s3], [sflag:s2] =	dma.local @!p0 [hbm:s0], s1  }
0x3a: {  	s0 =	simm.s32 @!p0 $0x2  }
0x3b: {  	_ =	swait.ge @!p0 [sflag:s0], s1  }
0x3c: {  	s1 =	ssub.s32 @!p0 $0x0, s1;
	[sflag:s0] =	ssyncset.done @!p0 $0x0  }
0x3d: {  	[sflag:s0] =	ssyncadd.s32 @!p0 s1  }
0x3e: {  	[bflag:$0x3] =	sbarrier.arrive $0xFFFF  }
0x3f: {  	_ =	shalt  }

// kernel: kernel.13.cloned.1.call-start
scs
__scs_entry_jumppad:
0x0: {  	(pc) =	sbr.rel $0x88, $3  }
0x1: {  	(tag) =	ssettag $0x0;
	lr =	simm.s32 $0x1  }
0x2: {  	[smem:$0x3F99] =	sst lr;
	_ =	strace $0xD0000000  }
0x3: {  	_ = 	snop  }
0x4: {  	_ = 	snop  }
0x5: {  	_ = 	snop  }
0x6: {  	_ = 	snop  }
0x7: {  	_ = 	snop  }
__scs_overlays_trampoline_lowered:
0x8: {  	[smem:$0x3FA8] =	sst s0  }
0x9: {  	[smem:$0x3FA9] =	sst s1  }
0xa: {  	[smem:$0x3FAA] =	sst s2  }
0xb: {  	[smem:$0x3FAB] =	sst s3  }
0xc: {  	[smem:$0x3FAC] =	sst s4  }
0xd: {  	[smem:$0x3FAD] =	sst s5  }
0xe: {  	[smem:$0x3FAE] =	sst s6  }
0xf: {  	[smem:$0x3FAF] =	sst s7  }
0x10: {  	[smem:$0x3FB0] =	sst s8  }
0x11: {  	[smem:$0x3FB1] =	sst s9;
	s0 =	simm.s32 @!p0 $0x0  }
0x12: {  	s1 =	sld [smem:$0x3F97];
	s0 =	simm.s32 @p0 $0x1  }
0x13: {  	[smem:$0x3FB2] =	sst s0;
	s0 =	simm.s32 @!p1 $0x0  }
0x14: {  	s2 =	sld [smem:$0x3F96];
	s0 =	simm.s32 @p1 $0x1  }
0x15: {  	[smem:$0x3FB3] =	sst s0;
	s0 =	simm.s32 @!p2 $0x0  }
0x16: {  	s3 =	sld [smem:$0x3FDB];
	s0 =	simm.s32 @p2 $0x1  }
0x17: {  	s4 =	simm.s32 $0x1BF5;
	[smem:$0x3FB5] =	sst s0  }
0x18: {  	s0 =	sld [smem:$0x3F98];
	_ =	swait.ge [sflag:s4], $0x0  }
0x19: {  	s7 =	sld [smem:$0x3F99]  }
0x1a: {  	s8 =	sadd.s32 $0xFFFFE003, lr  }
0x1b: {  	s9 =	sadd.s32 $0xFFFFFEF7, lr;
	s5 =	simm.s32 $0xFFFFFFFF;
	p2 =	slt.u32 s8, $0xFFFFF086  }
0x1c: {  	p1 =	slt.u32 s9, $0xF7A;
	s5 =	simm.s32 @!p2 $0x0  }
0x1d: {  	s5 =	simm.s32 @p1 $0x1;
	p0 =	seq.s32 s7, s2  }
0x1e: {  	s7 =	smul.u32 @!p0 $0xF7A, s2;
	p2 =	seq.s32 @!p0 s5, $0x0  }
0x1f: {  	s9 =	smul.u32 $0xF7A, s1;
	s8 =	simm.s32 @!p0 $0x1BF5;
	p2 =	por !p2, p0  }
0x20: {  	[sflag:s8] =	ssyncset.s32 @!p0 $0xFFFFF086;
	s6 =	sadd.s32 @!p0 s3, s7;
	s7 =	simm.s32 @!p0 $0x108  }
0x21: {  	s3 =	sadd.s32 s3, s9;
	s6 =	sadd.s32 @!p0 $0x88, s6;
	s7 =	simm.s32 @p2 $0x1082  }
0x22: {  	[simem:s7], [sflag:s8] =	dma.local @!p0 [hbm:s6], $0xF7A  }
0x23: {  	s9 =	sor.u32 $0xD0000000, s2;
	s6 =	simm.s32 $0x108;
	_ =	swait.ge @!p0 [sflag:s8], $0x0  }
0x24: {  	s3 =	sadd.s32 $0x88, s3;
	s6 =	simm.s32 @!p1 $0x1082;
	[sflag:s4] =	ssyncset.s32 $0xFFFFF086  }
0x25: {  	[simem:s6], [sflag:s4] =	dma.local [hbm:s3], $0xF7A  }
0x26: {  	[smem:$0x3F99] =	sst s1;
	(tag) =	ssettag s2;
	_ =	strace s9  }
0x27: {  	s1 =	sld [smem:$0x3FA9]  }
0x28: {  	s2 =	sld [smem:$0x3FAA]  }
0x29: {  	s4 =	sld [smem:$0x3FAC]  }
0x2a: {  	p0 =	seq.s32 s5, $0x0;
	s5 =	sld [smem:$0x3FAD]  }
0x2b: {  	s6 =	sld [smem:$0x3FAE]  }
0x2c: {  	s7 =	sld [smem:$0x3FAF]  }
0x2d: {  	s3 =	simm.s32 $0x108;
	s8 =	sld [smem:$0x3FB0]  }
0x2e: {  	s3 =	simm.s32 @!p0 $0x1082;
	s9 =	sld [smem:$0x3FB1]  }
0x2f: {  	lr =	sadd.s32 s0, s3;
	s0 =	sld [smem:$0x3FA8]  }
0x30: {  	s3 =	sld [smem:$0x3FAB]  }
0x31: {  	[smem:$0x3FB4] =	sst s10  }
0x32: {  	s10 =	sld [smem:$0x3FB2];
	_ =	sdelay $0x3  }
0x33: {  	p0 =	seq.s32 s10, $0x1;
	s10 =	sld [smem:$0x3FB4];
	_ =	sdelay $0x3  }
0x34: {  	[smem:$0x3FB4] =	sst s10  }
0x35: {  	s10 =	sld [smem:$0x3FB3];
	_ =	sdelay $0x3  }
0x36: {  	p1 =	seq.s32 s10, $0x1;
	s10 =	sld [smem:$0x3FB4];
	_ =	sdelay $0x3  }
0x37: {  	[smem:$0x3FB4] =	sst s10  }
0x38: {  	s10 =	sld [smem:$0x3FB5]  }
0x39: {  	_ = 	snop;
	(pc) =	sbr.ind lr, $3  }
0x3a: {  	_ = 	snop  }
0x3b: {  	_ = 	snop  }
0x3c: {  	p2 =	seq.s32 s10, $0x1;
	s10 =	sld [smem:$0x3FB4]  }
0x3d: {  	_ =	shalt  }
0x3e: {  	_ =	shalt  }
0x3f: {  	_ =	shalt  }
0x40: {  	_ =	shalt  }
0x41: {  	_ =	shalt  }
0x42: {  	_ =	shalt  }
0x43: {  	_ =	shalt  }
0x44: {  	_ =	shalt  }
0x45: {  	_ =	shalt  }
0x46: {  	_ =	shalt  }
0x47: {  	_ =	shalt  }
0x48: {  	_ =	shalt  }
0x49: {  	_ =	shalt  }
0x4a: {  	_ =	shalt  }
0x4b: {  	_ =	shalt  }
0x4c: {  	_ =	shalt  }
0x4d: {  	_ =	shalt  }
0x4e: {  	_ =	shalt  }
0x4f: {  	_ =	shalt  }
0x50: {  	_ =	shalt  }
0x51: {  	_ =	shalt  }
0x52: {  	_ =	shalt  }
0x53: {  	_ =	shalt  }
0x54: {  	_ =	shalt  }
0x55: {  	_ =	shalt  }
0x56: {  	_ =	shalt  }
0x57: {  	_ =	shalt  }
0x58: {  	_ =	shalt  }
0x59: {  	_ =	shalt  }
0x5a: {  	_ =	shalt  }
0x5b: {  	_ =	shalt  }
0x5c: {  	_ =	shalt  }
0x5d: {  	_ =	shalt  }
0x5e: {  	_ =	shalt  }
0x5f: {  	_ =	shalt  }
0x60: {  	_ =	shalt  }
0x61: {  	_ =	shalt  }
0x62: {  	_ =	shalt  }
0x63: {  	_ =	shalt  }
0x64: {  	_ =	shalt  }
0x65: {  	_ =	shalt  }
0x66: {  	_ =	shalt  }
0x67: {  	_ =	shalt  }
0x68: {  	_ =	shalt  }
0x69: {  	_ =	shalt  }
0x6a: {  	_ =	shalt  }
0x6b: {  	_ =	shalt  }
0x6c: {  	_ =	shalt  }
0x6d: {  	_ =	shalt  }
0x6e: {  	_ =	shalt  }
0x6f: {  	_ =	shalt  }
0x70: {  	_ =	shalt  }
0x71: {  	_ =	shalt  }
0x72: {  	_ =	shalt  }
0x73: {  	_ =	shalt  }
0x74: {  	_ =	shalt  }
0x75: {  	_ =	shalt  }
0x76: {  	_ =	shalt  }
0x77: {  	_ =	shalt  }
0x78: {  	_ =	shalt  }
0x79: {  	_ =	shalt  }
0x7a: {  	_ =	shalt  }
0x7b: {  	_ =	shalt  }
0x7c: {  	_ =	shalt  }
0x7d: {  	_ =	shalt  }
0x7e: {  	_ =	shalt  }
0x7f: {  	_ =	shalt  }
0x80: {  	_ =	shalt  }
0x81: {  	_ =	shalt  }
0x82: {  	_ =	shalt  }
0x83: {  	_ =	shalt  }
0x84: {  	_ =	shalt  }
0x85: {  	_ =	shalt  }
0x86: {  	_ =	shalt  }
0x87: {  	_ =	shalt  }
.Lfunc_end0:
.L_simem_size_0:
called_computation.1_lowered:
.L_overlay_start_0:
0x88: {  	s2 =	sld [smem:$0x3FD9]  }
0x89: {  	s3 =	sld [smem:$0x3FFE];
	_ =	sdelay $0x1  }
0x8a: {  	s1 =	srdreg.scid  }
0x8b: {  	s0 =	sand.u32 $0x1, s1  }
0x8c: {  	s17 =	sshll.u32 s0, $0xA;
	s2 =	sadd.s32 s3, s2  }
0x8d: {  	s2 =	sadd.s32 s2, s17  }
0x8e: {  	[smem:$0x3FC0] =	sst s2  }
0x8f: {  	_ = 	snop  }
0x90: {  	s2 =	sld [smem:$0x3FD0];
	(tm) =	ssettm $0x1  }
0x91: {  	s18 =	sld [smem:$0x3FFB];
	_ =	sdelay $0x3  }
0x92: {  	_ =	strace s18  }
0x93: {  	s3 =	sld [smem:$0x3FFC];
	_ =	sdelay $0x3  }
0x94: {  	_ =	strace s3  }
0x95: {  	s3 =	sld [smem:$0x3FFD];
	_ =	sdelay $0x3  }
0x96: {  	_ =	strace s3  }
0x97: {  	_ =	strace $0x8FFFFFFF  }
0x98: {  	s19 =	sld [smem:$0x3FDB];
	_ =	sdelay $0x1  }
0x99: {  	s4 =	simm.s32 $_scs_section_size  }
0x9a: {  	s5 =	simm.s32 $_size__tile_overlayer_lowered;
	s6 =	simm.s32 $_tile_overlayer_lowered  }
0x9b: {  	s22 =	simm.s32 $0x1BFF;
	s21 =	sshll.u32 s6, $0x1;
	s3 =	sadd.s32 s4, s19  }
0x9c: {  	s7 =	simm.s32 $0x0;
	s20 =	sshll.u32 s5, $0x1;
	s5 =	sadd.s32 s21, s3  }
0x9d: {  	[timem:s7], [sflag:s22] =	dma.local [hbm:s5], s20  }
0x9e: {  	_ =	swait.ge [sflag:s22], s20  }
0x9f: {  	s4 =	ssub.s32 $0x0, s20;
	[sflag:s22] =	ssyncset.done $0x0  }
0xa0: {  	[sflag:s22] =	ssyncadd.s32 s4;
	_ =	sdelay $0x1  }
0xa1: {  	s23 =	simm.s32 $0x1B8B  }
0xa2: {  	_ =	swait.ge [sflag:s23], $0x1  }
0xa3: {  	[sflag:s23] =	ssyncset.done $0x0  }
0xa4: {  	s25 =	simm.s32 $0x1B8E;
	s24 =	sld [smem:$0x3FFE];
	[sflag:s23] =	ssyncadd.s32 $0xFFFFFFFF  }
0xa5: {  	s26 =	simm.s32 $execute0_lowered;
	[smem:$0x3FD2] =	sst s25  }
0xa6: {  	s5 =	sshll.u32 s26, $0x1;
	_ =	strace $0x80000049;
	[dreg:$0x1] =	wrdreg $0xFFFFFFFF  }
0xa7: {  	s28 =	simm.s32 $_size_execute0_lowered;
	s3 =	sadd.s32 s3, s5;
	[dreg:$0x0] =	wrdreg $0x0  }
0xa8: {  	s5 =	sshll.u32 s28, $0x1;
	[dreg:$0x2] =	wrdreg s3  }
0xa9: {  	[dreg:$0x3] =	wrdreg s5  }
0xaa: {  	[dreg:$0x4] =	wrdreg $0xC0  }
0xab: {  	_ =	task [dreg:s7], $0x5FFFF  }
0xac: {  	[dreg:$0x1] =	wrdreg $0xFFFFFFFF  }
0xad: {  	[dreg:$0x0] =	wrdreg $0x60  }
0xae: {  	[dreg:$0x2] =	wrdreg s24  }
0xaf: {  	[dreg:$0x3] =	wrdreg s2  }
0xb0: {  	[dreg:$0x4] =	wrdreg $0x120000  }
0xb1: {  	[dreg:$0x5] =	wrdreg $0x9  }
0xb2: {  	_ =	task.clear_ibuf [dreg:s7], $0x6FFFF;
	_ =	strace $0x90000049  }
0xb3: {  	s29 =	simm.s32 $0x9;
	_ =	strace $0x8000004B  }
0xb4: {  	_ =	swait.ge [sflag:s29], $0x1  }
0xb5: {  	[sflag:s29] =	ssyncadd.s32 $0xFFFFFFFF  }
0xb6: {  	_ =	strace $0x9000004B  }
0xb7: {  	_ =	sfence  }
0xb8: {  	s30 =	sld [smem:$0x0];
	_ =	sdelay $0x2  }
0xb9: {  	s31 =	sshll.u32 s1, $0xD;
	s1 =	sshrl.u32 s1, $0x2  }
0xba: {  	s3 =	sand.u32 $0x4000, s31;
	s1 =	sadd.s32 s1, s30  }
0xbb: {  	s0 =	sor.u32 s3, s0;
	s1 =	sshll.u32 s1, $0x11  }
0xbc: {  	s0 =	sor.u32 s1, s0  }
0xbd: {  	s0 =	sadd.s32 $0x8F2B, s0  }
0xbe: {  	[sflag:s0] =	ssyncadd.remote.s32 $0x1  }
0xbf: {  	_ =	sfence.sel $0xFFFF  }
0xc0: {  	[dreg:$0x0] =	wrdreg $0xFFFFFFFF;
	(pc) =	sbr.abs _section_cstart, $3  }
0xc1: {  	[dreg:$0x1] =	wrdreg $0xFFFFFFFF  }
0xc2: {  	_ =	task.clear_ibuf [dreg:s7], $0x2FFFF;
	_ =	strace $0x9FFFFFFF  }
0xc3: {  	(tm) =	ssettm $0x7FFFFFFF  }
tec
execute0_lowered:
.L_overlay_start_1:
0x0: {  	(tag) =	ssettag $0x1  }
0x1: {  	s0 =	rddreg [dreg:$0x0]  }
0x2: {  	s1 =	rddreg [dreg:$0x1]  }
0x3: {  	s2 =	rddreg [dreg:$0x2];
	s3 =	simm.s32 $0x0  }
0x4: {  	s14 =	stileid.u32;
	s6 =	srdreg.scid;
	s15 =	simm.s32 $0x2  }
0x5: {  	s16 =	simm.s32 $0x80;
	s17 =	simm.s32 $0xA000;
	s18 =	simm.s32 $0xC000  }
0x6: {  	s19 =	simm.s32 $0xE000;
	s20 =	simm.s32 $0x10000;
	s23 =	simm.s32 $0x9E00  }
0x7: {  	s24 =	simm.s32 $0x9E80;
	s28 =	simm.s32 $0x10;
	s29 =	simm.s32 $0x8  }
0x8: {  	s30 =	simm.s32 $0x3;
	s31 =	simm.s32 $0x0;
	s4 =	smul.u32 $0x5000, s14  }
0x9: {  	[smem:$0x7FF] =	sst s3;
	s5 =	smul.u32 $0xA000, s14;
	s13 =	sand.u32 $0x1, s6  }
0xa: {  	s25 =	smul.u32 $0x14000, s14;
	_ =	strace $0x8000004A;
	s9 =	sshll.u32 s13, $0x6  }
0xb: {  	s26 =	ssub.s32 $0x2, s13;
	s7 =	sshrl.u32 s4, $0x3;
	s4 =	sadd.s32 $0x4E00, s0  }
0xc: {  	s10 =	sshrl.u32 s5, $0x3;
	s6 =	sor.u32 s9, s25;
	s11 =	sshrl.u32 s26, $0x1  }
0xd: {  	s12 =	sadd.s32 s5, s2;
	s25 =	simm.s32 $0x9F00;
	s8 =	sadd.s32 s7, s0  }
0xe: {  	s10 =	sadd.s32 s10, s0;
	s6 =	sshrl.u32 s6, $0x3;
	s11 =	ssub.s32 s26, s11  }
0xf: {  	s1 =	sadd.s32 s1, s7;
	s12 =	sshrl.u32 s12, $0x3;
	s26 =	simm.s32 $0x9F80  }
0x10: {  	s0 =	sadd.s32 s6, s0;
	s5 =	sadd.s32 $0x46000, s10;
	s6 =	sshll.u32 s14, $0x6  }
0x11: {  	s8 =	sadd.s32 $0x32000, s8;
	s9 =	sadd.s32 $0xA000, s1;
	s11 =	smax.u32 s11, $0x1  }
0x12: {  	v0 =	vmov s13;
	s14 =	simm.s32 $0x1;
	s7 =	sor.u32 $0x1C02, s6;
	s10 =	sadd.s32 $0x5A000, s0  }
.LBB2_1:
0x13: {  	[spmem:s12], [sflag:s7] =	dma.local [hbm:s5], $0x1400  }
0x14: {  	[tilespmem:s3], [sflag:$0x1] =	stream.linear.gather [hbm4b:s8+s3], $0x5000, $0x38;
	[tilespmem:$0x1C000] =	vst v63  }
0x15: {  	s0 =	simm.s32 $0x5000  }
0x16: {  	[tilespmem:s0], [sflag:$0x1] =	stream.linear.gather [hbm4b:s9+s3], $0x5000, $0x38;
	[tilespmem:$0x1C000] =	vst v63  }
0x17: {  	_ =	swait.ge [sflag:s14], $0x5000  }
0x18: {  	[sflag:s14] =	ssyncset.done $0x0  }
0x19: {  	s0 =	simm.s32 $0x0;
	[sflag:s14] =	ssyncadd.s32 $0xFFFFB000  }
0x1a: {  	v3 =	vld [tilespmem:s0+$0x0]  }
0x1b: {  	v5 =	vld [tilespmem:s0+$0x10]  }
0x1c: {  	v4 =	vld [tilespmem:s0+$0x20]  }
0x1d: {  	v2 =	vld [tilespmem:s0+$0x30]  }
0x1e: {  	v1 =	vld [tilespmem:s0+$0x40]  }
0x1f: {  	v6 =	vadd.s32 v0, v3;
	v3 =	vld [tilespmem:s0+$0x50]  }
0x20: {  	s1 =	simm.s32 $0x200;
	[tilespmem:s0+$0x0] =	vst v6;
	v6 =	vadd.s32 v0, v5;
	v5 =	vld [tilespmem:s0+$0x60]  }
.LBB2_2:
0x21: {  	s13 =	sshra.s32 s1, $0x2;
	p0 =	sne.s32 s1, $0x13E00;
	[tilespmem:s0+$0x10] =	vst v6;
	v4 =	vadd.s32 v0, v4;
	v6 =	vld [tilespmem:s0+$0x70]  }
0x22: {  	v7 =	vld [tilespmem:s13+$0x0];
	[tilespmem:s0+$0x20] =	vst v4;
	v2 =	vadd.s32 v0, v2  }
0x23: {  	v8 =	vld [tilespmem:s13+$0x10];
	[tilespmem:s0+$0x30] =	vst v2;
	v1 =	vadd.s32 v0, v1  }
.Ltmp0:
0x24: {  	v4 =	vld [tilespmem:s13+$0x20];
	[tilespmem:s0+$0x40] =	vst v1;
	v1 =	vadd.s32 v0, v3;
	(pc) =	sbr.rel @p0 .LBB2_2-.Ltmp0, $4  }
0x25: {  	v2 =	vld [tilespmem:s13+$0x30];
	[tilespmem:s0+$0x50] =	vst v1;
	v3 =	vadd.s32 v0, v5  }
0x26: {  	v1 =	vld [tilespmem:s13+$0x40];
	[tilespmem:s0+$0x60] =	vst v3;
	v5 =	vadd.s32 v0, v6  }
0x27: {  	v6 =	vadd.s32 v0, v7;
	v3 =	vld [tilespmem:s13+$0x50];
	[tilespmem:s0+$0x70] =	vst v5;
	s0 =	smov.u32 s13  }
0x28: {  	s1 =	sadd.s32 $0x200, s1;
	[tilespmem:s0+$0x0] =	vst v6;
	v6 =	vadd.s32 v0, v8;
	v5 =	vld [tilespmem:s0+$0x60]  }
0x29: {  	[tilespmem:s0+$0x10] =	vst v6;
	v4 =	vadd.s32 v0, v4;
	v63 =	vld [tilespmem:s0+$0x70]  }
0x2a: {  	[tilespmem:s0+$0x20] =	vst v4;
	v2 =	vadd.s32 v0, v2  }
0x2b: {  	[tilespmem:s0+$0x30] =	vst v2;
	v1 =	vadd.s32 v0, v1  }
0x2c: {  	[tilespmem:s0+$0x40] =	vst v1;
	v1 =	vadd.s32 v0, v3  }
0x2d: {  	[tilespmem:s0+$0x50] =	vst v1;
	v1 =	vadd.s32 v0, v5  }
0x2e: {  	[tilespmem:s0+$0x60] =	vst v1;
	v1 =	vadd.s32 v0, v63  }
0x2f: {  	[tilespmem:s0+$0x70] =	vst v1  }
0x30: {  	_ =	swait.ge [sflag:s14], $0x5000  }
0x31: {  	[sflag:s14] =	ssyncset.done $0x0  }
0x32: {  	[sflag:s14] =	ssyncadd.s32 $0xFFFFB000  }
0x33: {  	_ =	swait.ge [sflag:s15], $0x1400  }
0x34: {  	[sflag:s15] =	ssyncset.done $0x0  }
0x35: {  	[sflag:s15] =	ssyncadd.s32 $0xFFFFEC00  }
0x36: {  	s22 =	simm.s32 $0x0;
	[bflag:$0x0] =	sbarrier.arrive $0xFFFF  }
0x37: {  	[tilespmem:s17], [sflag:$0x1] =	stream.indirect.gather [hbm4b:s4+s16], $0x40, s22, s16, $0xb8;
	[tilespmem:$0x1C000] =	vst v63  }
0x38: {  	_ = 	snop  }
0x39: {  	[tilespmem:s18], [sflag:$0x1] =	stream.indirect.gather [hbm4b:s4+s16], $0x40, s16, s16, $0xb8;
	[tilespmem:$0x1C000] =	vst v63  }
0x3a: {  	s1 =	simm.s32 $0x100  }
0x3b: {  	[tilespmem:s19], [sflag:$0x1] =	stream.indirect.gather [hbm4b:s4+s16], $0x40, s1, s16, $0xb8;
	[tilespmem:$0x1C000] =	vst v63  }
0x3c: {  	s13 =	simm.s32 $0x180  }
0x3d: {  	[tilespmem:s20], [sflag:$0x1] =	stream.indirect.gather [hbm4b:s4+s16], $0x40, s13, s16, $0xb8;
	[tilespmem:$0x1C000] =	vst v63  }
0x3e: {  	_ =	swait.ge [sflag:s14], $0x2000  }
0x3f: {  	[sflag:s14] =	ssyncset.done $0x0  }
0x40: {  	[sflag:s14] =	ssyncadd.s32 $0xFFFFE000  }
0x41: {  	_ =	swait.ge [sflag:s14], $0x2000  }
0x42: {  	[sflag:s14] =	ssyncset.done $0x0  }
0x43: {  	s21 =	simm.s32 $0x5000;
	[sflag:s14] =	ssyncadd.s32 $0xFFFFE000  }
0x44: {  	[spmem:s2] =	stream.indirect.scatter.add.f32 [tilespmem:s17], [sflag:$0x2], $0x40, s21, s16, $0xb8;
	[tilespmem:$0x1C000] =	vst v63  }
0x45: {  	s22 =	simm.s32 $0x5080  }
0x46: {  	[spmem:s2] =	stream.indirect.scatter.add.f32 [tilespmem:s18], [sflag:$0x2], $0x40, s22, s16, $0xb8;
	[tilespmem:$0x1C000] =	vst v63  }
0x47: {  	_ =	swait.ge [sflag:s15], $0x2000  }
0x48: {  	[sflag:s15] =	ssyncset.done $0x0  }
0x49: {  	[sflag:s15] =	ssyncadd.s32 $0xFFFFE000  }
0x4a: {  	_ =	swait.ge [sflag:s15], $0x2000  }
0x4b: {  	[sflag:s15] =	ssyncset.done $0x0  }
0x4c: {  	s1 =	simm.s32 $0x200;
	[sflag:s15] =	ssyncadd.s32 $0xFFFFE000  }
0x4d: {  	[tilespmem:s17], [sflag:$0x1] =	stream.indirect.gather [hbm4b:s4+s16], $0x40, s1, s16, $0xb8;
	[tilespmem:$0x1C000] =	vst v63  }
0x4e: {  	s13 =	simm.s32 $0x280  }
0x4f: {  	[tilespmem:s18], [sflag:$0x1] =	stream.indirect.gather [hbm4b:s4+s16], $0x40, s13, s16, $0xb8;
	[tilespmem:$0x1C000] =	vst v63  }
0x50: {  	_ =	swait.ge [sflag:s14], $0x2000  }
0x51: {  	[sflag:s14] =	ssyncset.done $0x0  }
0x52: {  	[sflag:s14] =	ssyncadd.s32 $0xFFFFE000  }
0x53: {  	_ =	swait.ge [sflag:s14], $0x2000  }
0x54: {  	[sflag:s14] =	ssyncset.done $0x0  }
0x55: {  	s21 =	simm.s32 $0x5100;
	[sflag:s14] =	ssyncadd.s32 $0xFFFFE000  }
0x56: {  	[spmem:s2] =	stream.indirect.scatter.add.f32 [tilespmem:s19], [sflag:$0x2], $0x40, s21, s16, $0xb8;
	[tilespmem:$0x1C000] =	vst v63  }
0x57: {  	s22 =	simm.s32 $0x5180  }
0x58: {  	[spmem:s2] =	stream.indirect.scatter.add.f32 [tilespmem:s20], [sflag:$0x2], $0x40, s22, s16, $0xb8;
	[tilespmem:$0x1C000] =	vst v63  }
0x59: {  	_ =	swait.ge [sflag:s15], $0x2000  }
0x5a: {  	[sflag:s15] =	ssyncset.done $0x0  }
0x5b: {  	[sflag:s15] =	ssyncadd.s32 $0xFFFFE000  }
0x5c: {  	_ =	swait.ge [sflag:s15], $0x2000  }
0x5d: {  	s0 =	simm.s32 $0x200;
	s1 =	simm.s32 $0x1000;
	[sflag:s15] =	ssyncset.done $0x0  }
.LBB2_4:
0x5e: {  	s22 =	sadd.s32 $0x100, s0  }
0x5f: {  	[sflag:s15] =	ssyncadd.s32 $0xFFFFE000;
	s13 =	smov.u32 s1;
	s21 =	sadd.s32 $0x800, s1  }
0x60: {  	[tilespmem:s19], [sflag:$0x1] =	stream.indirect.gather [hbm4b:s4+s16], $0x40, s22, s16, $0xb8;
	[tilespmem:$0x1C000] =	vst v63  }
0x61: {  	p0 =	sne.s32 s1, $0x13000;
	s1 =	sadd.s32 $0x180, s0  }
0x62: {  	[tilespmem:s20], [sflag:$0x1] =	stream.indirect.gather [hbm4b:s4+s16], $0x40, s1, s16, $0xb8;
	[tilespmem:$0x1C000] =	vst v63  }
0x63: {  	_ =	swait.ge [sflag:s14], $0x2000  }
0x64: {  	[sflag:s14] =	ssyncset.done $0x0  }
0x65: {  	[sflag:s14] =	ssyncadd.s32 $0xFFFFE000  }
0x66: {  	_ =	swait.ge [sflag:s14], $0x2000  }
0x67: {  	[sflag:s14] =	ssyncset.done $0x0  }
0x68: {  	s1 =	sadd.s32 $0x5000, s0;
	[sflag:s14] =	ssyncadd.s32 $0xFFFFE000  }
0x69: {  	[spmem:s2] =	stream.indirect.scatter.add.f32 [tilespmem:s17], [sflag:$0x2], $0x40, s1, s16, $0xb8;
	[tilespmem:$0x1C000] =	vst v63  }
0x6a: {  	s1 =	sadd.s32 $0x5080, s0  }
0x6b: {  	[spmem:s2] =	stream.indirect.scatter.add.f32 [tilespmem:s18], [sflag:$0x2], $0x40, s1, s16, $0xb8;
	[tilespmem:$0x1C000] =	vst v63  }
0x6c: {  	_ =	swait.ge [sflag:s15], $0x2000  }
0x6d: {  	[sflag:s15] =	ssyncset.done $0x0  }
0x6e: {  	[sflag:s15] =	ssyncadd.s32 $0xFFFFE000  }
0x6f: {  	_ =	swait.ge [sflag:s15], $0x2000  }
0x70: {  	[sflag:s15] =	ssyncset.done $0x0  }
0x71: {  	s1 =	sadd.s32 $0x200, s0;
	[sflag:s15] =	ssyncadd.s32 $0xFFFFE000  }
0x72: {  	[tilespmem:s17], [sflag:$0x1] =	stream.indirect.gather [hbm4b:s4+s16], $0x40, s1, s16, $0xb8;
	[tilespmem:$0x1C000] =	vst v63  }
0x73: {  	s1 =	sadd.s32 $0x280, s0  }
0x74: {  	[tilespmem:s18], [sflag:$0x1] =	stream.indirect.gather [hbm4b:s4+s16], $0x40, s1, s16, $0xb8;
	[tilespmem:$0x1C000] =	vst v63  }
0x75: {  	_ =	swait.ge [sflag:s14], $0x2000  }
0x76: {  	[sflag:s14] =	ssyncset.done $0x0  }
0x77: {  	[sflag:s14] =	ssyncadd.s32 $0xFFFFE000  }
0x78: {  	_ =	swait.ge [sflag:s14], $0x2000  }
0x79: {  	[sflag:s14] =	ssyncset.done $0x0  }
0x7a: {  	s1 =	sadd.s32 $0x5100, s0;
	[sflag:s14] =	ssyncadd.s32 $0xFFFFE000  }
0x7b: {  	[spmem:s2] =	stream.indirect.scatter.add.f32 [tilespmem:s19], [sflag:$0x2], $0x40, s1, s16, $0xb8;
	[tilespmem:$0x1C000] =	vst v63  }
0x7c: {  	s0 =	sadd.s32 $0x5180, s0  }
0x7d: {  	[spmem:s2] =	stream.indirect.scatter.add.f32 [tilespmem:s20], [sflag:$0x2], $0x40, s0, s16, $0xb8;
	[tilespmem:$0x1C000] =	vst v63  }
.Ltmp1:
0x7e: {  	_ =	swait.ge [sflag:s15], $0x2000;
	(pc) =	sbr.rel @p0 .LBB2_4-.Ltmp1, $4  }
0x7f: {  	[sflag:s15] =	ssyncset.done $0x0  }
0x80: {  	[sflag:s15] =	ssyncadd.s32 $0xFFFFE000  }
0x81: {  	_ =	swait.ge [sflag:s15], $0x2000  }
0x82: {  	s1 =	smov.u32 s21;
	s0 =	sshra.s32 s13, $0x2;
	[sflag:s15] =	ssyncset.done $0x0  }
0x83: {  	s1 =	sadd.s32 $0x100, s0;
	[sflag:s15] =	ssyncadd.s32 $0xFFFFE000  }
0x84: {  	[tilespmem:s19], [sflag:$0x1] =	stream.indirect.gather [hbm4b:s4+s16], $0x40, s1, s16, $0xb8;
	[tilespmem:$0x1C000] =	vst v63  }
0x85: {  	s13 =	sadd.s32 $0x180, s0  }
0x86: {  	[tilespmem:s20], [sflag:$0x1] =	stream.indirect.gather [hbm4b:s4+s16], $0x40, s13, s16, $0xb8;
	[tilespmem:$0x1C000] =	vst v63  }
0x87: {  	_ =	swait.ge [sflag:s14], $0x2000  }
0x88: {  	[sflag:s14] =	ssyncset.done $0x0  }
0x89: {  	[sflag:s14] =	ssyncadd.s32 $0xFFFFE000  }
0x8a: {  	_ =	swait.ge [sflag:s14], $0x2000  }
0x8b: {  	[sflag:s14] =	ssyncset.done $0x0  }
0x8c: {  	s21 =	sadd.s32 $0x5000, s0;
	[sflag:s14] =	ssyncadd.s32 $0xFFFFE000  }
0x8d: {  	[spmem:s2] =	stream.indirect.scatter.add.f32 [tilespmem:s17], [sflag:$0x2], $0x40, s21, s16, $0xb8;
	[tilespmem:$0x1C000] =	vst v63  }
0x8e: {  	s22 =	sadd.s32 $0x5080, s0  }
0x8f: {  	[spmem:s2] =	stream.indirect.scatter.add.f32 [tilespmem:s18], [sflag:$0x2], $0x40, s22, s16, $0xb8;
	[tilespmem:$0x1C000] =	vst v63  }
0x90: {  	_ =	swait.ge [sflag:s15], $0x2000  }
0x91: {  	[sflag:s15] =	ssyncset.done $0x0  }
0x92: {  	[sflag:s15] =	ssyncadd.s32 $0xFFFFE000  }
0x93: {  	_ =	swait.ge [sflag:s15], $0x2000  }
0x94: {  	[sflag:s15] =	ssyncset.done $0x0  }
0x95: {  	s13 =	sadd.s32 $0x200, s0;
	[sflag:s15] =	ssyncadd.s32 $0xFFFFE000  }
0x96: {  	[tilespmem:s17], [sflag:$0x1] =	stream.indirect.gather [hbm4b:s4+s16], $0x40, s13, s16, $0xb8;
	[tilespmem:$0x1C000] =	vst v63  }
0x97: {  	s21 =	sadd.s32 $0x280, s0  }
0x98: {  	[tilespmem:s18], [sflag:$0x1] =	stream.indirect.gather [hbm4b:s4+s16], $0x40, s21, s16, $0xb8;
	[tilespmem:$0x1C000] =	vst v63  }
0x99: {  	_ =	swait.ge [sflag:s14], $0x2000  }
0x9a: {  	[sflag:s14] =	ssyncset.done $0x0  }
0x9b: {  	[sflag:s14] =	ssyncadd.s32 $0xFFFFE000  }
0x9c: {  	_ =	swait.ge [sflag:s14], $0x2000  }
0x9d: {  	[sflag:s14] =	ssyncset.done $0x0  }
0x9e: {  	s22 =	sadd.s32 $0x5100, s0;
	[sflag:s14] =	ssyncadd.s32 $0xFFFFE000  }
0x9f: {  	[spmem:s2] =	stream.indirect.scatter.add.f32 [tilespmem:s19], [sflag:$0x2], $0x40, s22, s16, $0xb8;
	[tilespmem:$0x1C000] =	vst v63  }
0xa0: {  	s1 =	sadd.s32 $0x5180, s0  }
0xa1: {  	[spmem:s2] =	stream.indirect.scatter.add.f32 [tilespmem:s20], [sflag:$0x2], $0x40, s1, s16, $0xb8;
	[tilespmem:$0x1C000] =	vst v63  }
0xa2: {  	_ =	swait.ge [sflag:s15], $0x2000  }
0xa3: {  	[sflag:s15] =	ssyncset.done $0x0  }
0xa4: {  	[sflag:s15] =	ssyncadd.s32 $0xFFFFE000  }
0xa5: {  	_ =	swait.ge [sflag:s15], $0x2000  }
0xa6: {  	[sflag:s15] =	ssyncset.done $0x0  }
0xa7: {  	s13 =	simm.s32 $0x4F00;
	[sflag:s15] =	ssyncadd.s32 $0xFFFFE000  }
0xa8: {  	[tilespmem:s19], [sflag:$0x1] =	stream.indirect.gather [hbm4b:s4+s16], $0x40, s13, s16, $0xb8;
	[tilespmem:$0x1C000] =	vst v63  }
0xa9: {  	s21 =	simm.s32 $0x4F80  }
0xaa: {  	[tilespmem:s20], [sflag:$0x1] =	stream.indirect.gather [hbm4b:s4+s16], $0x40, s21, s16, $0xb8;
	[tilespmem:$0x1C000] =	vst v63  }
0xab: {  	_ =	swait.ge [sflag:s14], $0x2000  }
0xac: {  	[sflag:s14] =	ssyncset.done $0x0  }
0xad: {  	[sflag:s14] =	ssyncadd.s32 $0xFFFFE000  }
0xae: {  	_ =	swait.ge [sflag:s14], $0x2000  }
0xaf: {  	[sflag:s14] =	ssyncset.done $0x0  }
0xb0: {  	[sflag:s14] =	ssyncadd.s32 $0xFFFFE000  }
0xb1: {  	[spmem:s2] =	stream.indirect.scatter.add.f32 [tilespmem:s17], [sflag:$0x2], $0x40, s23, s16, $0xb8;
	[tilespmem:$0x1C000] =	vst v63  }
0xb2: {  	_ = 	snop  }
0xb3: {  	[spmem:s2] =	stream.indirect.scatter.add.f32 [tilespmem:s18], [sflag:$0x2], $0x40, s24, s16, $0xb8;
	[tilespmem:$0x1C000] =	vst v63  }
0xb4: {  	_ =	swait.ge [sflag:s15], $0x2000  }
0xb5: {  	[sflag:s15] =	ssyncset.done $0x0  }
0xb6: {  	[sflag:s15] =	ssyncadd.s32 $0xFFFFE000  }
0xb7: {  	_ =	swait.ge [sflag:s15], $0x2000  }
0xb8: {  	[sflag:s15] =	ssyncset.done $0x0  }
0xb9: {  	[sflag:s15] =	ssyncadd.s32 $0xFFFFE000  }
0xba: {  	_ =	swait.ge [sflag:s14], $0x2000  }
0xbb: {  	[sflag:s14] =	ssyncset.done $0x0  }
0xbc: {  	[sflag:s14] =	ssyncadd.s32 $0xFFFFE000  }
0xbd: {  	_ =	swait.ge [sflag:s14], $0x2000  }
0xbe: {  	[sflag:s14] =	ssyncset.done $0x0  }
0xbf: {  	[sflag:s14] =	ssyncadd.s32 $0xFFFFE000  }
0xc0: {  	[spmem:s2] =	stream.indirect.scatter.add.f32 [tilespmem:s19], [sflag:$0x2], $0x40, s25, s16, $0xb8;
	[tilespmem:$0x1C000] =	vst v63  }
0xc1: {  	_ = 	snop  }
0xc2: {  	[spmem:s2] =	stream.indirect.scatter.add.f32 [tilespmem:s20], [sflag:$0x2], $0x40, s26, s16, $0xb8;
	[tilespmem:$0x1C000] =	vst v63  }
0xc3: {  	_ =	swait.ge [sflag:s15], $0x2000  }
0xc4: {  	[sflag:s15] =	ssyncset.done $0x0  }
0xc5: {  	[sflag:s15] =	ssyncadd.s32 $0xFFFFE000  }
0xc6: {  	_ =	swait.ge [sflag:s15], $0x2000  }
0xc7: {  	s31 =	sadd.s32 $0x1, s31;
	[sflag:s15] =	ssyncset.done $0x0  }
0xc8: {  	p0 =	sne.s32 s31, s11;
	[sflag:s15] =	ssyncadd.s32 $0xFFFFE000  }
.Ltmp2:
0xc9: {  	s22 =	sor.u32 $0x1C03, s6;
	[bflag:$0x0] =	sbarrier.arrive $0xFFFF;
	(pc) =	sbr.rel @p0 .LBB2_1-.Ltmp2, $4  }
0xca: {  	[hbm:s10@s28], [sflag:s22] =	dma.strided [spmem:s12@s29], $0x1400, s14, $0x8   }
0xcb: {  	_ =	swait.ge [sflag:s30], $0x1400  }
0xcc: {  	[sflag:s30] =	ssyncset.done $0x0  }
0xcd: {  	[sflag:s30] =	ssyncadd.s32 $0xFFFFEC00  }
0xce: {  	_ =	sfence.sel $0x180000  }
0xcf: {  	[bflag:$0x0] =	sbarrier.arrive $0xFFFF  }
0xd0: {  	_ =	strace $0x9000004A  }
0xd1: {  	s0 =	stileid.u32;
	[bflag:$0x2] =	sbarrier.arrive $0xFFFF  }
0xd2: {  	p0 =	sne.s32 s0, $0x0;
	s0 =	rddreg [dreg:$0x3]  }
0xd3: {  	s0 =	sadd.s32 @!p0 $0x100000, s0  }
0xd4: {  	[sflag:s0] =	ssyncadd.tile.s32 @!p0 $0x1;
	_ =	shalt  }
.Lfunc_end2:
_tile_overlayer_lowered:
.L_overlay_start_2:
0xd5: {  	(tag) =	ssettag $0x2  }
0xd6: {  	s0 =	rddreg [dreg:$0x0];
	s2 =	stileid.u32  }
0xd7: {  	s1 =	rddreg [dreg:$0x1];
	p0 =	sne.s32 s2, $0x0  }
0xd8: {  	s3 =	rddreg [dreg:$0x2];
	[bflag:$0x3] =	sbarrier.arrive $0xFFFF;
	s2 =	simm.s32 @!p0 $0x1C03  }
0xd9: {  	[timem:s3], [sflag:s2] =	dma.local @!p0 [hbm:s0], s1  }
0xda: {  	s0 =	simm.s32 @!p0 $0x3  }
0xdb: {  	_ =	swait.ge @!p0 [sflag:s0], s1  }
0xdc: {  	s1 =	ssub.s32 @!p0 $0x0, s1;
	[sflag:s0] =	ssyncset.done @!p0 $0x0  }
0xdd: {  	[sflag:s0] =	ssyncadd.s32 @!p0 s1  }
0xde: {  	[bflag:$0x3] =	sbarrier.arrive $0xFFFF  }
0xdf: {  	_ =	shalt  }

// kernel: kernel.16.cloned.1.call-start
scs
__scs_entry_jumppad:
0x0: {  	(pc) =	sbr.rel $0x88, $3  }
0x1: {  	(tag) =	ssettag $0x0;
	lr =	simm.s32 $0x1  }
0x2: {  	[smem:$0x3F99] =	sst lr;
	_ =	strace $0xD0000000  }
0x3: {  	_ = 	snop  }
0x4: {  	_ = 	snop  }
0x5: {  	_ = 	snop  }
0x6: {  	_ = 	snop  }
0x7: {  	_ = 	snop  }
__scs_overlays_trampoline_lowered:
0x8: {  	[smem:$0x3FA8] =	sst s0  }
0x9: {  	[smem:$0x3FA9] =	sst s1  }
0xa: {  	[smem:$0x3FAA] =	sst s2  }
0xb: {  	[smem:$0x3FAB] =	sst s3  }
0xc: {  	[smem:$0x3FAC] =	sst s4  }
0xd: {  	[smem:$0x3FAD] =	sst s5  }
0xe: {  	[smem:$0x3FAE] =	sst s6  }
0xf: {  	[smem:$0x3FAF] =	sst s7  }
0x10: {  	[smem:$0x3FB0] =	sst s8  }
0x11: {  	[smem:$0x3FB1] =	sst s9;
	s0 =	simm.s32 @!p0 $0x0  }
0x12: {  	s1 =	sld [smem:$0x3F97];
	s0 =	simm.s32 @p0 $0x1  }
0x13: {  	[smem:$0x3FB2] =	sst s0;
	s0 =	simm.s32 @!p1 $0x0  }
0x14: {  	s2 =	sld [smem:$0x3F96];
	s0 =	simm.s32 @p1 $0x1  }
0x15: {  	[smem:$0x3FB3] =	sst s0;
	s0 =	simm.s32 @!p2 $0x0  }
0x16: {  	s3 =	sld [smem:$0x3FDB];
	s0 =	simm.s32 @p2 $0x1  }
0x17: {  	s4 =	simm.s32 $0x1BF5;
	[smem:$0x3FB5] =	sst s0  }
0x18: {  	s0 =	sld [smem:$0x3F98];
	_ =	swait.ge [sflag:s4], $0x0  }
0x19: {  	s7 =	sld [smem:$0x3F99]  }
0x1a: {  	s8 =	sadd.s32 $0xFFFFE003, lr  }
0x1b: {  	s9 =	sadd.s32 $0xFFFFFEF7, lr;
	s5 =	simm.s32 $0xFFFFFFFF;
	p2 =	slt.u32 s8, $0xFFFFF086  }
0x1c: {  	p1 =	slt.u32 s9, $0xF7A;
	s5 =	simm.s32 @!p2 $0x0  }
0x1d: {  	s5 =	simm.s32 @p1 $0x1;
	p0 =	seq.s32 s7, s2  }
0x1e: {  	s7 =	smul.u32 @!p0 $0xF7A, s2;
	p2 =	seq.s32 @!p0 s5, $0x0  }
0x1f: {  	s9 =	smul.u32 $0xF7A, s1;
	s8 =	simm.s32 @!p0 $0x1BF5;
	p2 =	por !p2, p0  }
0x20: {  	[sflag:s8] =	ssyncset.s32 @!p0 $0xFFFFF086;
	s6 =	sadd.s32 @!p0 s3, s7;
	s7 =	simm.s32 @!p0 $0x108  }
0x21: {  	s3 =	sadd.s32 s3, s9;
	s6 =	sadd.s32 @!p0 $0x88, s6;
	s7 =	simm.s32 @p2 $0x1082  }
0x22: {  	[simem:s7], [sflag:s8] =	dma.local @!p0 [hbm:s6], $0xF7A  }
0x23: {  	s9 =	sor.u32 $0xD0000000, s2;
	s6 =	simm.s32 $0x108;
	_ =	swait.ge @!p0 [sflag:s8], $0x0  }
0x24: {  	s3 =	sadd.s32 $0x88, s3;
	s6 =	simm.s32 @!p1 $0x1082;
	[sflag:s4] =	ssyncset.s32 $0xFFFFF086  }
0x25: {  	[simem:s6], [sflag:s4] =	dma.local [hbm:s3], $0xF7A  }
0x26: {  	[smem:$0x3F99] =	sst s1;
	(tag) =	ssettag s2;
	_ =	strace s9  }
0x27: {  	s1 =	sld [smem:$0x3FA9]  }
0x28: {  	s2 =	sld [smem:$0x3FAA]  }
0x29: {  	s4 =	sld [smem:$0x3FAC]  }
0x2a: {  	p0 =	seq.s32 s5, $0x0;
	s5 =	sld [smem:$0x3FAD]  }
0x2b: {  	s6 =	sld [smem:$0x3FAE]  }
0x2c: {  	s7 =	sld [smem:$0x3FAF]  }
0x2d: {  	s3 =	simm.s32 $0x108;
	s8 =	sld [smem:$0x3FB0]  }
0x2e: {  	s3 =	simm.s32 @!p0 $0x1082;
	s9 =	sld [smem:$0x3FB1]  }
0x2f: {  	lr =	sadd.s32 s0, s3;
	s0 =	sld [smem:$0x3FA8]  }
0x30: {  	s3 =	sld [smem:$0x3FAB]  }
0x31: {  	[smem:$0x3FB4] =	sst s10  }
0x32: {  	s10 =	sld [smem:$0x3FB2];
	_ =	sdelay $0x3  }
0x33: {  	p0 =	seq.s32 s10, $0x1;
	s10 =	sld [smem:$0x3FB4];
	_ =	sdelay $0x3  }
0x34: {  	[smem:$0x3FB4] =	sst s10  }
0x35: {  	s10 =	sld [smem:$0x3FB3];
	_ =	sdelay $0x3  }
0x36: {  	p1 =	seq.s32 s10, $0x1;
	s10 =	sld [smem:$0x3FB4];
	_ =	sdelay $0x3  }
0x37: {  	[smem:$0x3FB4] =	sst s10  }
0x38: {  	s10 =	sld [smem:$0x3FB5]  }
0x39: {  	_ = 	snop;
	(pc) =	sbr.ind lr, $3  }
0x3a: {  	_ = 	snop  }
0x3b: {  	_ = 	snop  }
0x3c: {  	p2 =	seq.s32 s10, $0x1;
	s10 =	sld [smem:$0x3FB4]  }
0x3d: {  	_ =	shalt  }
0x3e: {  	_ =	shalt  }
0x3f: {  	_ =	shalt  }
0x40: {  	_ =	shalt  }
0x41: {  	_ =	shalt  }
0x42: {  	_ =	shalt  }
0x43: {  	_ =	shalt  }
0x44: {  	_ =	shalt  }
0x45: {  	_ =	shalt  }
0x46: {  	_ =	shalt  }
0x47: {  	_ =	shalt  }
0x48: {  	_ =	shalt  }
0x49: {  	_ =	shalt  }
0x4a: {  	_ =	shalt  }
0x4b: {  	_ =	shalt  }
0x4c: {  	_ =	shalt  }
0x4d: {  	_ =	shalt  }
0x4e: {  	_ =	shalt  }
0x4f: {  	_ =	shalt  }
0x50: {  	_ =	shalt  }
0x51: {  	_ =	shalt  }
0x52: {  	_ =	shalt  }
0x53: {  	_ =	shalt  }
0x54: {  	_ =	shalt  }
0x55: {  	_ =	shalt  }
0x56: {  	_ =	shalt  }
0x57: {  	_ =	shalt  }
0x58: {  	_ =	shalt  }
0x59: {  	_ =	shalt  }
0x5a: {  	_ =	shalt  }
0x5b: {  	_ =	shalt  }
0x5c: {  	_ =	shalt  }
0x5d: {  	_ =	shalt  }
0x5e: {  	_ =	shalt  }
0x5f: {  	_ =	shalt  }
0x60: {  	_ =	shalt  }
0x61: {  	_ =	shalt  }
0x62: {  	_ =	shalt  }
0x63: {  	_ =	shalt  }
0x64: {  	_ =	shalt  }
0x65: {  	_ =	shalt  }
0x66: {  	_ =	shalt  }
0x67: {  	_ =	shalt  }
0x68: {  	_ =	shalt  }
0x69: {  	_ =	shalt  }
0x6a: {  	_ =	shalt  }
0x6b: {  	_ =	shalt  }
0x6c: {  	_ =	shalt  }
0x6d: {  	_ =	shalt  }
0x6e: {  	_ =	shalt  }
0x6f: {  	_ =	shalt  }
0x70: {  	_ =	shalt  }
0x71: {  	_ =	shalt  }
0x72: {  	_ =	shalt  }
0x73: {  	_ =	shalt  }
0x74: {  	_ =	shalt  }
0x75: {  	_ =	shalt  }
0x76: {  	_ =	shalt  }
0x77: {  	_ =	shalt  }
0x78: {  	_ =	shalt  }
0x79: {  	_ =	shalt  }
0x7a: {  	_ =	shalt  }
0x7b: {  	_ =	shalt  }
0x7c: {  	_ =	shalt  }
0x7d: {  	_ =	shalt  }
0x7e: {  	_ =	shalt  }
0x7f: {  	_ =	shalt  }
0x80: {  	_ =	shalt  }
0x81: {  	_ =	shalt  }
0x82: {  	_ =	shalt  }
0x83: {  	_ =	shalt  }
0x84: {  	_ =	shalt  }
0x85: {  	_ =	shalt  }
0x86: {  	_ =	shalt  }
0x87: {  	_ =	shalt  }
.Lfunc_end0:
.L_simem_size_0:
called_computation.2_lowered:
.L_overlay_start_0:
0x88: {  	s2 =	sld [smem:$0x3FD9]  }
0x89: {  	s3 =	sld [smem:$0x3FFE];
	_ =	sdelay $0x1  }
0x8a: {  	s1 =	srdreg.scid  }
0x8b: {  	s0 =	sand.u32 $0x1, s1  }
0x8c: {  	s17 =	sshll.u32 s0, $0xA;
	s2 =	sadd.s32 s3, s2  }
0x8d: {  	s2 =	sadd.s32 s2, s17  }
0x8e: {  	[smem:$0x3FC0] =	sst s2  }
0x8f: {  	_ = 	snop  }
0x90: {  	s2 =	sld [smem:$0x3FD0];
	(tm) =	ssettm $0x1  }
0x91: {  	s18 =	sld [smem:$0x3FFB];
	_ =	sdelay $0x3  }
0x92: {  	_ =	strace s18  }
0x93: {  	s3 =	sld [smem:$0x3FFC];
	_ =	sdelay $0x3  }
0x94: {  	_ =	strace s3  }
0x95: {  	s3 =	sld [smem:$0x3FFD];
	_ =	sdelay $0x3  }
0x96: {  	_ =	strace s3  }
0x97: {  	_ =	strace $0x8FFFFFFF  }
0x98: {  	s19 =	sld [smem:$0x3FDB];
	_ =	sdelay $0x1  }
0x99: {  	s4 =	simm.s32 $_scs_section_size  }
0x9a: {  	s5 =	simm.s32 $_size__tile_overlayer_lowered;
	s6 =	simm.s32 $_tile_overlayer_lowered  }
0x9b: {  	s22 =	simm.s32 $0x1BFF;
	s21 =	sshll.u32 s6, $0x1;
	s3 =	sadd.s32 s4, s19  }
0x9c: {  	s7 =	simm.s32 $0x0;
	s20 =	sshll.u32 s5, $0x1;
	s5 =	sadd.s32 s21, s3  }
0x9d: {  	[timem:s7], [sflag:s22] =	dma.local [hbm:s5], s20  }
0x9e: {  	_ =	swait.ge [sflag:s22], s20  }
0x9f: {  	s4 =	ssub.s32 $0x0, s20;
	[sflag:s22] =	ssyncset.done $0x0  }
0xa0: {  	[sflag:s22] =	ssyncadd.s32 s4;
	_ =	sdelay $0x1  }
0xa1: {  	s23 =	simm.s32 $0x1B8B  }
0xa2: {  	_ =	swait.ge [sflag:s23], $0x1  }
0xa3: {  	[sflag:s23] =	ssyncset.done $0x0  }
0xa4: {  	s25 =	simm.s32 $0x1B8E;
	s24 =	sld [smem:$0x3FFE];
	[sflag:s23] =	ssyncadd.s32 $0xFFFFFFFF  }
0xa5: {  	s26 =	simm.s32 $execute0_lowered;
	[smem:$0x3FD2] =	sst s25  }
0xa6: {  	s5 =	sshll.u32 s26, $0x1;
	_ =	strace $0x8000004C;
	[dreg:$0x1] =	wrdreg $0xFFFFFFFF  }
0xa7: {  	s28 =	simm.s32 $_size_execute0_lowered;
	s3 =	sadd.s32 s3, s5;
	[dreg:$0x0] =	wrdreg $0x0  }
0xa8: {  	s5 =	sshll.u32 s28, $0x1;
	[dreg:$0x2] =	wrdreg s3  }
0xa9: {  	[dreg:$0x3] =	wrdreg s5  }
0xaa: {  	[dreg:$0x4] =	wrdreg $0xC0  }
0xab: {  	_ =	task [dreg:s7], $0x5FFFF  }
0xac: {  	[dreg:$0x1] =	wrdreg $0xFFFFFFFF  }
0xad: {  	[dreg:$0x0] =	wrdreg $0x60  }
0xae: {  	[dreg:$0x2] =	wrdreg s24  }
0xaf: {  	[dreg:$0x3] =	wrdreg s2  }
0xb0: {  	[dreg:$0x4] =	wrdreg $0x120000  }
0xb1: {  	[dreg:$0x5] =	wrdreg $0x9  }
0xb2: {  	_ =	task.clear_ibuf [dreg:s7], $0x6FFFF;
	_ =	strace $0x9000004C  }
0xb3: {  	s29 =	simm.s32 $0x9;
	_ =	strace $0x8000004E  }
0xb4: {  	_ =	swait.ge [sflag:s29], $0x1  }
0xb5: {  	[sflag:s29] =	ssyncadd.s32 $0xFFFFFFFF  }
0xb6: {  	_ =	strace $0x9000004E  }
0xb7: {  	_ =	sfence  }
0xb8: {  	s30 =	sld [smem:$0x0];
	_ =	sdelay $0x2  }
0xb9: {  	s31 =	sshll.u32 s1, $0xD;
	s1 =	sshrl.u32 s1, $0x2  }
0xba: {  	s3 =	sand.u32 $0x4000, s31;
	s1 =	sadd.s32 s1, s30  }
0xbb: {  	s0 =	sor.u32 s3, s0;
	s1 =	sshll.u32 s1, $0x11  }
0xbc: {  	s0 =	sor.u32 s1, s0  }
0xbd: {  	s0 =	sadd.s32 $0x8F2B, s0  }
0xbe: {  	[sflag:s0] =	ssyncadd.remote.s32 $0x1  }
0xbf: {  	_ =	sfence.sel $0xFFFF  }
0xc0: {  	[dreg:$0x0] =	wrdreg $0xFFFFFFFF;
	(pc) =	sbr.abs _section_cstart, $3  }
0xc1: {  	[dreg:$0x1] =	wrdreg $0xFFFFFFFF  }
0xc2: {  	_ =	task.clear_ibuf [dreg:s7], $0x2FFFF;
	_ =	strace $0x9FFFFFFF  }
0xc3: {  	(tm) =	ssettm $0x7FFFFFFF  }
tec
execute0_lowered:
.L_overlay_start_1:
0x0: {  	(tag) =	ssettag $0x1  }
0x1: {  	s0 =	rddreg [dreg:$0x0]  }
0x2: {  	s1 =	rddreg [dreg:$0x1]  }
0x3: {  	s2 =	rddreg [dreg:$0x2];
	s3 =	simm.s32 $0x0  }
0x4: {  	s14 =	stileid.u32;
	s6 =	srdreg.scid;
	s15 =	simm.s32 $0x2  }
0x5: {  	s16 =	simm.s32 $0x80;
	s17 =	simm.s32 $0xA000;
	s18 =	simm.s32 $0xC000  }
0x6: {  	s19 =	simm.s32 $0xE000;
	s20 =	simm.s32 $0x10000;
	s23 =	simm.s32 $0x9E00  }
0x7: {  	s24 =	simm.s32 $0x9E80;
	s28 =	simm.s32 $0x10;
	s29 =	simm.s32 $0x8  }
0x8: {  	s30 =	simm.s32 $0x3;
	s31 =	simm.s32 $0x0;
	s4 =	smul.u32 $0x5000, s14  }
0x9: {  	[smem:$0x7FF] =	sst s3;
	s5 =	smul.u32 $0xA000, s14;
	s13 =	sand.u32 $0x1, s6  }
0xa: {  	s25 =	smul.u32 $0x14000, s14;
	_ =	strace $0x8000004D;
	s9 =	sshll.u32 s13, $0x6  }
0xb: {  	s26 =	ssub.s32 $0x2, s13;
	s7 =	sshrl.u32 s4, $0x3;
	s4 =	sadd.s32 $0x4E00, s0  }
0xc: {  	s10 =	sshrl.u32 s5, $0x3;
	s6 =	sor.u32 s9, s25;
	s11 =	sshrl.u32 s26, $0x1  }
0xd: {  	s12 =	sadd.s32 s5, s2;
	s25 =	simm.s32 $0x9F00;
	s8 =	sadd.s32 s7, s0  }
0xe: {  	s10 =	sadd.s32 s10, s0;
	s6 =	sshrl.u32 s6, $0x3;
	s11 =	ssub.s32 s26, s11  }
0xf: {  	s1 =	sadd.s32 s1, s7;
	s12 =	sshrl.u32 s12, $0x3;
	s26 =	simm.s32 $0x9F80  }
0x10: {  	s0 =	sadd.s32 s6, s0;
	s5 =	sadd.s32 $0x46000, s10;
	s6 =	sshll.u32 s14, $0x6  }
0x11: {  	s8 =	sadd.s32 $0x32000, s8;
	s9 =	sadd.s32 $0xA000, s1;
	s11 =	smax.u32 s11, $0x1  }
0x12: {  	v0 =	vmov s13;
	s14 =	simm.s32 $0x1;
	s7 =	sor.u32 $0x1C02, s6;
	s10 =	sadd.s32 $0x5A000, s0  }
.LBB2_1:
0x13: {  	[spmem:s12], [sflag:s7] =	dma.local [hbm:s5], $0x1400  }
0x14: {  	[tilespmem:s3], [sflag:$0x1] =	stream.linear.gather [hbm4b:s8+s3], $0x5000, $0x38;
	[tilespmem:$0x1C000] =	vst v63  }
0x15: {  	s0 =	simm.s32 $0x5000  }
0x16: {  	[tilespmem:s0], [sflag:$0x1] =	stream.linear.gather [hbm4b:s9+s3], $0x5000, $0x38;
	[tilespmem:$0x1C000] =	vst v63  }
0x17: {  	_ =	swait.ge [sflag:s14], $0x5000  }
0x18: {  	[sflag:s14] =	ssyncset.done $0x0  }
0x19: {  	s0 =	simm.s32 $0x0;
	[sflag:s14] =	ssyncadd.s32 $0xFFFFB000  }
0x1a: {  	v3 =	vld [tilespmem:s0+$0x0]  }
0x1b: {  	v5 =	vld [tilespmem:s0+$0x10]  }
0x1c: {  	v4 =	vld [tilespmem:s0+$0x20]  }
0x1d: {  	v2 =	vld [tilespmem:s0+$0x30]  }
0x1e: {  	v1 =	vld [tilespmem:s0+$0x40]  }
0x1f: {  	v6 =	vadd.s32 v0, v3;
	v3 =	vld [tilespmem:s0+$0x50]  }
0x20: {  	s1 =	simm.s32 $0x200;
	[tilespmem:s0+$0x0] =	vst v6;
	v6 =	vadd.s32 v0, v5;
	v5 =	vld [tilespmem:s0+$0x60]  }
.LBB2_2:
0x21: {  	s13 =	sshra.s32 s1, $0x2;
	p0 =	sne.s32 s1, $0x13E00;
	[tilespmem:s0+$0x10] =	vst v6;
	v4 =	vadd.s32 v0, v4;
	v6 =	vld [tilespmem:s0+$0x70]  }
0x22: {  	v7 =	vld [tilespmem:s13+$0x0];
	[tilespmem:s0+$0x20] =	vst v4;
	v2 =	vadd.s32 v0, v2  }
0x23: {  	v8 =	vld [tilespmem:s13+$0x10];
	[tilespmem:s0+$0x30] =	vst v2;
	v1 =	vadd.s32 v0, v1  }
.Ltmp0:
0x24: {  	v4 =	vld [tilespmem:s13+$0x20];
	[tilespmem:s0+$0x40] =	vst v1;
	v1 =	vadd.s32 v0, v3;
	(pc) =	sbr.rel @p0 .LBB2_2-.Ltmp0, $4  }
0x25: {  	v2 =	vld [tilespmem:s13+$0x30];
	[tilespmem:s0+$0x50] =	vst v1;
	v3 =	vadd.s32 v0, v5  }
0x26: {  	v1 =	vld [tilespmem:s13+$0x40];
	[tilespmem:s0+$0x60] =	vst v3;
	v5 =	vadd.s32 v0, v6  }
0x27: {  	v6 =	vadd.s32 v0, v7;
	v3 =	vld [tilespmem:s13+$0x50];
	[tilespmem:s0+$0x70] =	vst v5;
	s0 =	smov.u32 s13  }
0x28: {  	s1 =	sadd.s32 $0x200, s1;
	[tilespmem:s0+$0x0] =	vst v6;
	v6 =	vadd.s32 v0, v8;
	v5 =	vld [tilespmem:s0+$0x60]  }
0x29: {  	[tilespmem:s0+$0x10] =	vst v6;
	v4 =	vadd.s32 v0, v4;
	v63 =	vld [tilespmem:s0+$0x70]  }
0x2a: {  	[tilespmem:s0+$0x20] =	vst v4;
	v2 =	vadd.s32 v0, v2  }
0x2b: {  	[tilespmem:s0+$0x30] =	vst v2;
	v1 =	vadd.s32 v0, v1  }
0x2c: {  	[tilespmem:s0+$0x40] =	vst v1;
	v1 =	vadd.s32 v0, v3  }
0x2d: {  	[tilespmem:s0+$0x50] =	vst v1;
	v1 =	vadd.s32 v0, v5  }
0x2e: {  	[tilespmem:s0+$0x60] =	vst v1;
	v1 =	vadd.s32 v0, v63  }
0x2f: {  	[tilespmem:s0+$0x70] =	vst v1  }
0x30: {  	_ =	swait.ge [sflag:s14], $0x5000  }
0x31: {  	[sflag:s14] =	ssyncset.done $0x0  }
0x32: {  	[sflag:s14] =	ssyncadd.s32 $0xFFFFB000  }
0x33: {  	_ =	swait.ge [sflag:s15], $0x1400  }
0x34: {  	[sflag:s15] =	ssyncset.done $0x0  }
0x35: {  	[sflag:s15] =	ssyncadd.s32 $0xFFFFEC00  }
0x36: {  	s22 =	simm.s32 $0x0;
	[bflag:$0x0] =	sbarrier.arrive $0xFFFF  }
0x37: {  	[tilespmem:s17], [sflag:$0x1] =	stream.indirect.gather [hbm4b:s4+s16], $0x40, s22, s16, $0xb8;
	[tilespmem:$0x1C000] =	vst v63  }
0x38: {  	_ = 	snop  }
0x39: {  	[tilespmem:s18], [sflag:$0x1] =	stream.indirect.gather [hbm4b:s4+s16], $0x40, s16, s16, $0xb8;
	[tilespmem:$0x1C000] =	vst v63  }
0x3a: {  	s1 =	simm.s32 $0x100  }
0x3b: {  	[tilespmem:s19], [sflag:$0x1] =	stream.indirect.gather [hbm4b:s4+s16], $0x40, s1, s16, $0xb8;
	[tilespmem:$0x1C000] =	vst v63  }
0x3c: {  	s13 =	simm.s32 $0x180  }
0x3d: {  	[tilespmem:s20], [sflag:$0x1] =	stream.indirect.gather [hbm4b:s4+s16], $0x40, s13, s16, $0xb8;
	[tilespmem:$0x1C000] =	vst v63  }
0x3e: {  	_ =	swait.ge [sflag:s14], $0x2000  }
0x3f: {  	[sflag:s14] =	ssyncset.done $0x0  }
0x40: {  	[sflag:s14] =	ssyncadd.s32 $0xFFFFE000  }
0x41: {  	_ =	swait.ge [sflag:s14], $0x2000  }
0x42: {  	[sflag:s14] =	ssyncset.done $0x0  }
0x43: {  	s21 =	simm.s32 $0x5000;
	[sflag:s14] =	ssyncadd.s32 $0xFFFFE000  }
0x44: {  	[spmem:s2] =	stream.indirect.scatter.add.f32 [tilespmem:s17], [sflag:$0x2], $0x40, s21, s16, $0xb8;
	[tilespmem:$0x1C000] =	vst v63  }
0x45: {  	s22 =	simm.s32 $0x5080  }
0x46: {  	[spmem:s2] =	stream.indirect.scatter.add.f32 [tilespmem:s18], [sflag:$0x2], $0x40, s22, s16, $0xb8;
	[tilespmem:$0x1C000] =	vst v63  }
0x47: {  	_ =	swait.ge [sflag:s15], $0x2000  }
0x48: {  	[sflag:s15] =	ssyncset.done $0x0  }
0x49: {  	[sflag:s15] =	ssyncadd.s32 $0xFFFFE000  }
0x4a: {  	_ =	swait.ge [sflag:s15], $0x2000  }
0x4b: {  	[sflag:s15] =	ssyncset.done $0x0  }
0x4c: {  	s1 =	simm.s32 $0x200;
	[sflag:s15] =	ssyncadd.s32 $0xFFFFE000  }
0x4d: {  	[tilespmem:s17], [sflag:$0x1] =	stream.indirect.gather [hbm4b:s4+s16], $0x40, s1, s16, $0xb8;
	[tilespmem:$0x1C000] =	vst v63  }
0x4e: {  	s13 =	simm.s32 $0x280  }
0x4f: {  	[tilespmem:s18], [sflag:$0x1] =	stream.indirect.gather [hbm4b:s4+s16], $0x40, s13, s16, $0xb8;
	[tilespmem:$0x1C000] =	vst v63  }
0x50: {  	_ =	swait.ge [sflag:s14], $0x2000  }
0x51: {  	[sflag:s14] =	ssyncset.done $0x0  }
0x52: {  	[sflag:s14] =	ssyncadd.s32 $0xFFFFE000  }
0x53: {  	_ =	swait.ge [sflag:s14], $0x2000  }
0x54: {  	[sflag:s14] =	ssyncset.done $0x0  }
0x55: {  	s21 =	simm.s32 $0x5100;
	[sflag:s14] =	ssyncadd.s32 $0xFFFFE000  }
0x56: {  	[spmem:s2] =	stream.indirect.scatter.add.f32 [tilespmem:s19], [sflag:$0x2], $0x40, s21, s16, $0xb8;
	[tilespmem:$0x1C000] =	vst v63  }
0x57: {  	s22 =	simm.s32 $0x5180  }
0x58: {  	[spmem:s2] =	stream.indirect.scatter.add.f32 [tilespmem:s20], [sflag:$0x2], $0x40, s22, s16, $0xb8;
	[tilespmem:$0x1C000] =	vst v63  }
0x59: {  	_ =	swait.ge [sflag:s15], $0x2000  }
0x5a: {  	[sflag:s15] =	ssyncset.done $0x0  }
0x5b: {  	[sflag:s15] =	ssyncadd.s32 $0xFFFFE000  }
0x5c: {  	_ =	swait.ge [sflag:s15], $0x2000  }
0x5d: {  	s0 =	simm.s32 $0x200;
	s1 =	simm.s32 $0x1000;
	[sflag:s15] =	ssyncset.done $0x0  }
.LBB2_4:
0x5e: {  	s22 =	sadd.s32 $0x100, s0  }
0x5f: {  	[sflag:s15] =	ssyncadd.s32 $0xFFFFE000;
	s13 =	smov.u32 s1;
	s21 =	sadd.s32 $0x800, s1  }
0x60: {  	[tilespmem:s19], [sflag:$0x1] =	stream.indirect.gather [hbm4b:s4+s16], $0x40, s22, s16, $0xb8;
	[tilespmem:$0x1C000] =	vst v63  }
0x61: {  	p0 =	sne.s32 s1, $0x13000;
	s1 =	sadd.s32 $0x180, s0  }
0x62: {  	[tilespmem:s20], [sflag:$0x1] =	stream.indirect.gather [hbm4b:s4+s16], $0x40, s1, s16, $0xb8;
	[tilespmem:$0x1C000] =	vst v63  }
0x63: {  	_ =	swait.ge [sflag:s14], $0x2000  }
0x64: {  	[sflag:s14] =	ssyncset.done $0x0  }
0x65: {  	[sflag:s14] =	ssyncadd.s32 $0xFFFFE000  }
0x66: {  	_ =	swait.ge [sflag:s14], $0x2000  }
0x67: {  	[sflag:s14] =	ssyncset.done $0x0  }
0x68: {  	s1 =	sadd.s32 $0x5000, s0;
	[sflag:s14] =	ssyncadd.s32 $0xFFFFE000  }
0x69: {  	[spmem:s2] =	stream.indirect.scatter.add.f32 [tilespmem:s17], [sflag:$0x2], $0x40, s1, s16, $0xb8;
	[tilespmem:$0x1C000] =	vst v63  }
0x6a: {  	s1 =	sadd.s32 $0x5080, s0  }
0x6b: {  	[spmem:s2] =	stream.indirect.scatter.add.f32 [tilespmem:s18], [sflag:$0x2], $0x40, s1, s16, $0xb8;
	[tilespmem:$0x1C000] =	vst v63  }
0x6c: {  	_ =	swait.ge [sflag:s15], $0x2000  }
0x6d: {  	[sflag:s15] =	ssyncset.done $0x0  }
0x6e: {  	[sflag:s15] =	ssyncadd.s32 $0xFFFFE000  }
0x6f: {  	_ =	swait.ge [sflag:s15], $0x2000  }
0x70: {  	[sflag:s15] =	ssyncset.done $0x0  }
0x71: {  	s1 =	sadd.s32 $0x200, s0;
	[sflag:s15] =	ssyncadd.s32 $0xFFFFE000  }
0x72: {  	[tilespmem:s17], [sflag:$0x1] =	stream.indirect.gather [hbm4b:s4+s16], $0x40, s1, s16, $0xb8;
	[tilespmem:$0x1C000] =	vst v63  }
0x73: {  	s1 =	sadd.s32 $0x280, s0  }
0x74: {  	[tilespmem:s18], [sflag:$0x1] =	stream.indirect.gather [hbm4b:s4+s16], $0x40, s1, s16, $0xb8;
	[tilespmem:$0x1C000] =	vst v63  }
0x75: {  	_ =	swait.ge [sflag:s14], $0x2000  }
0x76: {  	[sflag:s14] =	ssyncset.done $0x0  }
0x77: {  	[sflag:s14] =	ssyncadd.s32 $0xFFFFE000  }
0x78: {  	_ =	swait.ge [sflag:s14], $0x2000  }
0x79: {  	[sflag:s14] =	ssyncset.done $0x0  }
0x7a: {  	s1 =	sadd.s32 $0x5100, s0;
	[sflag:s14] =	ssyncadd.s32 $0xFFFFE000  }
0x7b: {  	[spmem:s2] =	stream.indirect.scatter.add.f32 [tilespmem:s19], [sflag:$0x2], $0x40, s1, s16, $0xb8;
	[tilespmem:$0x1C000] =	vst v63  }
0x7c: {  	s0 =	sadd.s32 $0x5180, s0  }
0x7d: {  	[spmem:s2] =	stream.indirect.scatter.add.f32 [tilespmem:s20], [sflag:$0x2], $0x40, s0, s16, $0xb8;
	[tilespmem:$0x1C000] =	vst v63  }
.Ltmp1:
0x7e: {  	_ =	swait.ge [sflag:s15], $0x2000;
	(pc) =	sbr.rel @p0 .LBB2_4-.Ltmp1, $4  }
0x7f: {  	[sflag:s15] =	ssyncset.done $0x0  }
0x80: {  	[sflag:s15] =	ssyncadd.s32 $0xFFFFE000  }
0x81: {  	_ =	swait.ge [sflag:s15], $0x2000  }
0x82: {  	s1 =	smov.u32 s21;
	s0 =	sshra.s32 s13, $0x2;
	[sflag:s15] =	ssyncset.done $0x0  }
0x83: {  	s1 =	sadd.s32 $0x100, s0;
	[sflag:s15] =	ssyncadd.s32 $0xFFFFE000  }
0x84: {  	[tilespmem:s19], [sflag:$0x1] =	stream.indirect.gather [hbm4b:s4+s16], $0x40, s1, s16, $0xb8;
	[tilespmem:$0x1C000] =	vst v63  }
0x85: {  	s13 =	sadd.s32 $0x180, s0  }
0x86: {  	[tilespmem:s20], [sflag:$0x1] =	stream.indirect.gather [hbm4b:s4+s16], $0x40, s13, s16, $0xb8;
	[tilespmem:$0x1C000] =	vst v63  }
0x87: {  	_ =	swait.ge [sflag:s14], $0x2000  }
0x88: {  	[sflag:s14] =	ssyncset.done $0x0  }
0x89: {  	[sflag:s14] =	ssyncadd.s32 $0xFFFFE000  }
0x8a: {  	_ =	swait.ge [sflag:s14], $0x2000  }
0x8b: {  	[sflag:s14] =	ssyncset.done $0x0  }
0x8c: {  	s21 =	sadd.s32 $0x5000, s0;
	[sflag:s14] =	ssyncadd.s32 $0xFFFFE000  }
0x8d: {  	[spmem:s2] =	stream.indirect.scatter.add.f32 [tilespmem:s17], [sflag:$0x2], $0x40, s21, s16, $0xb8;
	[tilespmem:$0x1C000] =	vst v63  }
0x8e: {  	s22 =	sadd.s32 $0x5080, s0  }
0x8f: {  	[spmem:s2] =	stream.indirect.scatter.add.f32 [tilespmem:s18], [sflag:$0x2], $0x40, s22, s16, $0xb8;
	[tilespmem:$0x1C000] =	vst v63  }
0x90: {  	_ =	swait.ge [sflag:s15], $0x2000  }
0x91: {  	[sflag:s15] =	ssyncset.done $0x0  }
0x92: {  	[sflag:s15] =	ssyncadd.s32 $0xFFFFE000  }
0x93: {  	_ =	swait.ge [sflag:s15], $0x2000  }
0x94: {  	[sflag:s15] =	ssyncset.done $0x0  }
0x95: {  	s13 =	sadd.s32 $0x200, s0;
	[sflag:s15] =	ssyncadd.s32 $0xFFFFE000  }
0x96: {  	[tilespmem:s17], [sflag:$0x1] =	stream.indirect.gather [hbm4b:s4+s16], $0x40, s13, s16, $0xb8;
	[tilespmem:$0x1C000] =	vst v63  }
0x97: {  	s21 =	sadd.s32 $0x280, s0  }
0x98: {  	[tilespmem:s18], [sflag:$0x1] =	stream.indirect.gather [hbm4b:s4+s16], $0x40, s21, s16, $0xb8;
	[tilespmem:$0x1C000] =	vst v63  }
0x99: {  	_ =	swait.ge [sflag:s14], $0x2000  }
0x9a: {  	[sflag:s14] =	ssyncset.done $0x0  }
0x9b: {  	[sflag:s14] =	ssyncadd.s32 $0xFFFFE000  }
0x9c: {  	_ =	swait.ge [sflag:s14], $0x2000  }
0x9d: {  	[sflag:s14] =	ssyncset.done $0x0  }
0x9e: {  	s22 =	sadd.s32 $0x5100, s0;
	[sflag:s14] =	ssyncadd.s32 $0xFFFFE000  }
0x9f: {  	[spmem:s2] =	stream.indirect.scatter.add.f32 [tilespmem:s19], [sflag:$0x2], $0x40, s22, s16, $0xb8;
	[tilespmem:$0x1C000] =	vst v63  }
0xa0: {  	s1 =	sadd.s32 $0x5180, s0  }
0xa1: {  	[spmem:s2] =	stream.indirect.scatter.add.f32 [tilespmem:s20], [sflag:$0x2], $0x40, s1, s16, $0xb8;
	[tilespmem:$0x1C000] =	vst v63  }
0xa2: {  	_ =	swait.ge [sflag:s15], $0x2000  }
0xa3: {  	[sflag:s15] =	ssyncset.done $0x0  }
0xa4: {  	[sflag:s15] =	ssyncadd.s32 $0xFFFFE000  }
0xa5: {  	_ =	swait.ge [sflag:s15], $0x2000  }
0xa6: {  	[sflag:s15] =	ssyncset.done $0x0  }
0xa7: {  	s13 =	simm.s32 $0x4F00;
	[sflag:s15] =	ssyncadd.s32 $0xFFFFE000  }
0xa8: {  	[tilespmem:s19], [sflag:$0x1] =	stream.indirect.gather [hbm4b:s4+s16], $0x40, s13, s16, $0xb8;
	[tilespmem:$0x1C000] =	vst v63  }
0xa9: {  	s21 =	simm.s32 $0x4F80  }
0xaa: {  	[tilespmem:s20], [sflag:$0x1] =	stream.indirect.gather [hbm4b:s4+s16], $0x40, s21, s16, $0xb8;
	[tilespmem:$0x1C000] =	vst v63  }
0xab: {  	_ =	swait.ge [sflag:s14], $0x2000  }
0xac: {  	[sflag:s14] =	ssyncset.done $0x0  }
0xad: {  	[sflag:s14] =	ssyncadd.s32 $0xFFFFE000  }
0xae: {  	_ =	swait.ge [sflag:s14], $0x2000  }
0xaf: {  	[sflag:s14] =	ssyncset.done $0x0  }
0xb0: {  	[sflag:s14] =	ssyncadd.s32 $0xFFFFE000  }
0xb1: {  	[spmem:s2] =	stream.indirect.scatter.add.f32 [tilespmem:s17], [sflag:$0x2], $0x40, s23, s16, $0xb8;
	[tilespmem:$0x1C000] =	vst v63  }
0xb2: {  	_ = 	snop  }
0xb3: {  	[spmem:s2] =	stream.indirect.scatter.add.f32 [tilespmem:s18], [sflag:$0x2], $0x40, s24, s16, $0xb8;
	[tilespmem:$0x1C000] =	vst v63  }
0xb4: {  	_ =	swait.ge [sflag:s15], $0x2000  }
0xb5: {  	[sflag:s15] =	ssyncset.done $0x0  }
0xb6: {  	[sflag:s15] =	ssyncadd.s32 $0xFFFFE000  }
0xb7: {  	_ =	swait.ge [sflag:s15], $0x2000  }
0xb8: {  	[sflag:s15] =	ssyncset.done $0x0  }
0xb9: {  	[sflag:s15] =	ssyncadd.s32 $0xFFFFE000  }
0xba: {  	_ =	swait.ge [sflag:s14], $0x2000  }
0xbb: {  	[sflag:s14] =	ssyncset.done $0x0  }
0xbc: {  	[sflag:s14] =	ssyncadd.s32 $0xFFFFE000  }
0xbd: {  	_ =	swait.ge [sflag:s14], $0x2000  }
0xbe: {  	[sflag:s14] =	ssyncset.done $0x0  }
0xbf: {  	[sflag:s14] =	ssyncadd.s32 $0xFFFFE000  }
0xc0: {  	[spmem:s2] =	stream.indirect.scatter.add.f32 [tilespmem:s19], [sflag:$0x2], $0x40, s25, s16, $0xb8;
	[tilespmem:$0x1C000] =	vst v63  }
0xc1: {  	_ = 	snop  }
0xc2: {  	[spmem:s2] =	stream.indirect.scatter.add.f32 [tilespmem:s20], [sflag:$0x2], $0x40, s26, s16, $0xb8;
	[tilespmem:$0x1C000] =	vst v63  }
0xc3: {  	_ =	swait.ge [sflag:s15], $0x2000  }
0xc4: {  	[sflag:s15] =	ssyncset.done $0x0  }
0xc5: {  	[sflag:s15] =	ssyncadd.s32 $0xFFFFE000  }
0xc6: {  	_ =	swait.ge [sflag:s15], $0x2000  }
0xc7: {  	s31 =	sadd.s32 $0x1, s31;
	[sflag:s15] =	ssyncset.done $0x0  }
0xc8: {  	p0 =	sne.s32 s31, s11;
	[sflag:s15] =	ssyncadd.s32 $0xFFFFE000  }
.Ltmp2:
0xc9: {  	s22 =	sor.u32 $0x1C03, s6;
	[bflag:$0x0] =	sbarrier.arrive $0xFFFF;
	(pc) =	sbr.rel @p0 .LBB2_1-.Ltmp2, $4  }
0xca: {  	[hbm:s10@s28], [sflag:s22] =	dma.strided [spmem:s12@s29], $0x1400, s14, $0x8   }
0xcb: {  	_ =	swait.ge [sflag:s30], $0x1400  }
0xcc: {  	[sflag:s30] =	ssyncset.done $0x0  }
0xcd: {  	[sflag:s30] =	ssyncadd.s32 $0xFFFFEC00  }
0xce: {  	_ =	sfence.sel $0x180000  }
0xcf: {  	[bflag:$0x0] =	sbarrier.arrive $0xFFFF  }
0xd0: {  	_ =	strace $0x9000004D  }
0xd1: {  	s0 =	stileid.u32;
	[bflag:$0x2] =	sbarrier.arrive $0xFFFF  }
0xd2: {  	p0 =	sne.s32 s0, $0x0;
	s0 =	rddreg [dreg:$0x3]  }
0xd3: {  	s0 =	sadd.s32 @!p0 $0x100000, s0  }
0xd4: {  	[sflag:s0] =	ssyncadd.tile.s32 @!p0 $0x1;
	_ =	shalt  }
.Lfunc_end2:
_tile_overlayer_lowered:
.L_overlay_start_2:
0xd5: {  	(tag) =	ssettag $0x2  }
0xd6: {  	s0 =	rddreg [dreg:$0x0];
	s2 =	stileid.u32  }
0xd7: {  	s1 =	rddreg [dreg:$0x1];
	p0 =	sne.s32 s2, $0x0  }
0xd8: {  	s3 =	rddreg [dreg:$0x2];
	[bflag:$0x3] =	sbarrier.arrive $0xFFFF;
	s2 =	simm.s32 @!p0 $0x1C03  }
0xd9: {  	[timem:s3], [sflag:s2] =	dma.local @!p0 [hbm:s0], s1  }
0xda: {  	s0 =	simm.s32 @!p0 $0x3  }
0xdb: {  	_ =	swait.ge @!p0 [sflag:s0], s1  }
0xdc: {  	s1 =	ssub.s32 @!p0 $0x0, s1;
	[sflag:s0] =	ssyncset.done @!p0 $0x0  }
0xdd: {  	[sflag:s0] =	ssyncadd.s32 @!p0 s1  }
0xde: {  	[bflag:$0x3] =	sbarrier.arrive $0xFFFF  }
0xdf: {  	_ =	shalt  }

// kernel: kernel.19.cloned.1.call-start
scs
__scs_entry_jumppad:
0x0: {  	(pc) =	sbr.rel $0x88, $3  }
0x1: {  	(tag) =	ssettag $0x0;
	lr =	simm.s32 $0x1  }
0x2: {  	[smem:$0x3F99] =	sst lr;
	_ =	strace $0xD0000000  }
0x3: {  	_ = 	snop  }
0x4: {  	_ = 	snop  }
0x5: {  	_ = 	snop  }
0x6: {  	_ = 	snop  }
0x7: {  	_ = 	snop  }
__scs_overlays_trampoline_lowered:
0x8: {  	[smem:$0x3FA8] =	sst s0  }
0x9: {  	[smem:$0x3FA9] =	sst s1  }
0xa: {  	[smem:$0x3FAA] =	sst s2  }
0xb: {  	[smem:$0x3FAB] =	sst s3  }
0xc: {  	[smem:$0x3FAC] =	sst s4  }
0xd: {  	[smem:$0x3FAD] =	sst s5  }
0xe: {  	[smem:$0x3FAE] =	sst s6  }
0xf: {  	[smem:$0x3FAF] =	sst s7  }
0x10: {  	[smem:$0x3FB0] =	sst s8  }
0x11: {  	[smem:$0x3FB1] =	sst s9;
	s0 =	simm.s32 @!p0 $0x0  }
0x12: {  	s1 =	sld [smem:$0x3F97];
	s0 =	simm.s32 @p0 $0x1  }
0x13: {  	[smem:$0x3FB2] =	sst s0;
	s0 =	simm.s32 @!p1 $0x0  }
0x14: {  	s2 =	sld [smem:$0x3F96];
	s0 =	simm.s32 @p1 $0x1  }
0x15: {  	[smem:$0x3FB3] =	sst s0;
	s0 =	simm.s32 @!p2 $0x0  }
0x16: {  	s3 =	sld [smem:$0x3FDB];
	s0 =	simm.s32 @p2 $0x1  }
0x17: {  	s4 =	simm.s32 $0x1BF5;
	[smem:$0x3FB5] =	sst s0  }
0x18: {  	s0 =	sld [smem:$0x3F98];
	_ =	swait.ge [sflag:s4], $0x0  }
0x19: {  	s7 =	sld [smem:$0x3F99]  }
0x1a: {  	s8 =	sadd.s32 $0xFFFFE003, lr  }
0x1b: {  	s9 =	sadd.s32 $0xFFFFFEF7, lr;
	s5 =	simm.s32 $0xFFFFFFFF;
	p2 =	slt.u32 s8, $0xFFFFF086  }
0x1c: {  	p1 =	slt.u32 s9, $0xF7A;
	s5 =	simm.s32 @!p2 $0x0  }
0x1d: {  	s5 =	simm.s32 @p1 $0x1;
	p0 =	seq.s32 s7, s2  }
0x1e: {  	s7 =	smul.u32 @!p0 $0xF7A, s2;
	p2 =	seq.s32 @!p0 s5, $0x0  }
0x1f: {  	s9 =	smul.u32 $0xF7A, s1;
	s8 =	simm.s32 @!p0 $0x1BF5;
	p2 =	por !p2, p0  }
0x20: {  	[sflag:s8] =	ssyncset.s32 @!p0 $0xFFFFF086;
	s6 =	sadd.s32 @!p0 s3, s7;
	s7 =	simm.s32 @!p0 $0x108  }
0x21: {  	s3 =	sadd.s32 s3, s9;
	s6 =	sadd.s32 @!p0 $0x88, s6;
	s7 =	simm.s32 @p2 $0x1082  }
0x22: {  	[simem:s7], [sflag:s8] =	dma.local @!p0 [hbm:s6], $0xF7A  }
0x23: {  	s9 =	sor.u32 $0xD0000000, s2;
	s6 =	simm.s32 $0x108;
	_ =	swait.ge @!p0 [sflag:s8], $0x0  }
0x24: {  	s3 =	sadd.s32 $0x88, s3;
	s6 =	simm.s32 @!p1 $0x1082;
	[sflag:s4] =	ssyncset.s32 $0xFFFFF086  }
0x25: {  	[simem:s6], [sflag:s4] =	dma.local [hbm:s3], $0xF7A  }
0x26: {  	[smem:$0x3F99] =	sst s1;
	(tag) =	ssettag s2;
	_ =	strace s9  }
0x27: {  	s1 =	sld [smem:$0x3FA9]  }
0x28: {  	s2 =	sld [smem:$0x3FAA]  }
0x29: {  	s4 =	sld [smem:$0x3FAC]  }
0x2a: {  	p0 =	seq.s32 s5, $0x0;
	s5 =	sld [smem:$0x3FAD]  }
0x2b: {  	s6 =	sld [smem:$0x3FAE]  }
0x2c: {  	s7 =	sld [smem:$0x3FAF]  }
0x2d: {  	s3 =	simm.s32 $0x108;
	s8 =	sld [smem:$0x3FB0]  }
0x2e: {  	s3 =	simm.s32 @!p0 $0x1082;
	s9 =	sld [smem:$0x3FB1]  }
0x2f: {  	lr =	sadd.s32 s0, s3;
	s0 =	sld [smem:$0x3FA8]  }
0x30: {  	s3 =	sld [smem:$0x3FAB]  }
0x31: {  	[smem:$0x3FB4] =	sst s10  }
0x32: {  	s10 =	sld [smem:$0x3FB2];
	_ =	sdelay $0x3  }
0x33: {  	p0 =	seq.s32 s10, $0x1;
	s10 =	sld [smem:$0x3FB4];
	_ =	sdelay $0x3  }
0x34: {  	[smem:$0x3FB4] =	sst s10  }
0x35: {  	s10 =	sld [smem:$0x3FB3];
	_ =	sdelay $0x3  }
0x36: {  	p1 =	seq.s32 s10, $0x1;
	s10 =	sld [smem:$0x3FB4];
	_ =	sdelay $0x3  }
0x37: {  	[smem:$0x3FB4] =	sst s10  }
0x38: {  	s10 =	sld [smem:$0x3FB5]  }
0x39: {  	_ = 	snop;
	(pc) =	sbr.ind lr, $3  }
0x3a: {  	_ = 	snop  }
0x3b: {  	_ = 	snop  }
0x3c: {  	p2 =	seq.s32 s10, $0x1;
	s10 =	sld [smem:$0x3FB4]  }
0x3d: {  	_ =	shalt  }
0x3e: {  	_ =	shalt  }
0x3f: {  	_ =	shalt  }
0x40: {  	_ =	shalt  }
0x41: {  	_ =	shalt  }
0x42: {  	_ =	shalt  }
0x43: {  	_ =	shalt  }
0x44: {  	_ =	shalt  }
0x45: {  	_ =	shalt  }
0x46: {  	_ =	shalt  }
0x47: {  	_ =	shalt  }
0x48: {  	_ =	shalt  }
0x49: {  	_ =	shalt  }
0x4a: {  	_ =	shalt  }
0x4b: {  	_ =	shalt  }
0x4c: {  	_ =	shalt  }
0x4d: {  	_ =	shalt  }
0x4e: {  	_ =	shalt  }
0x4f: {  	_ =	shalt  }
0x50: {  	_ =	shalt  }
0x51: {  	_ =	shalt  }
0x52: {  	_ =	shalt  }
0x53: {  	_ =	shalt  }
0x54: {  	_ =	shalt  }
0x55: {  	_ =	shalt  }
0x56: {  	_ =	shalt  }
0x57: {  	_ =	shalt  }
0x58: {  	_ =	shalt  }
0x59: {  	_ =	shalt  }
0x5a: {  	_ =	shalt  }
0x5b: {  	_ =	shalt  }
0x5c: {  	_ =	shalt  }
0x5d: {  	_ =	shalt  }
0x5e: {  	_ =	shalt  }
0x5f: {  	_ =	shalt  }
0x60: {  	_ =	shalt  }
0x61: {  	_ =	shalt  }
0x62: {  	_ =	shalt  }
0x63: {  	_ =	shalt  }
0x64: {  	_ =	shalt  }
0x65: {  	_ =	shalt  }
0x66: {  	_ =	shalt  }
0x67: {  	_ =	shalt  }
0x68: {  	_ =	shalt  }
0x69: {  	_ =	shalt  }
0x6a: {  	_ =	shalt  }
0x6b: {  	_ =	shalt  }
0x6c: {  	_ =	shalt  }
0x6d: {  	_ =	shalt  }
0x6e: {  	_ =	shalt  }
0x6f: {  	_ =	shalt  }
0x70: {  	_ =	shalt  }
0x71: {  	_ =	shalt  }
0x72: {  	_ =	shalt  }
0x73: {  	_ =	shalt  }
0x74: {  	_ =	shalt  }
0x75: {  	_ =	shalt  }
0x76: {  	_ =	shalt  }
0x77: {  	_ =	shalt  }
0x78: {  	_ =	shalt  }
0x79: {  	_ =	shalt  }
0x7a: {  	_ =	shalt  }
0x7b: {  	_ =	shalt  }
0x7c: {  	_ =	shalt  }
0x7d: {  	_ =	shalt  }
0x7e: {  	_ =	shalt  }
0x7f: {  	_ =	shalt  }
0x80: {  	_ =	shalt  }
0x81: {  	_ =	shalt  }
0x82: {  	_ =	shalt  }
0x83: {  	_ =	shalt  }
0x84: {  	_ =	shalt  }
0x85: {  	_ =	shalt  }
0x86: {  	_ =	shalt  }
0x87: {  	_ =	shalt  }
.Lfunc_end0:
.L_simem_size_0:
called_computation.3_lowered:
.L_overlay_start_0:
0x88: {  	s2 =	sld [smem:$0x3FD9]  }
0x89: {  	s3 =	sld [smem:$0x3FFE];
	_ =	sdelay $0x1  }
0x8a: {  	s1 =	srdreg.scid  }
0x8b: {  	s0 =	sand.u32 $0x1, s1  }
0x8c: {  	s17 =	sshll.u32 s0, $0xA;
	s2 =	sadd.s32 s3, s2  }
0x8d: {  	s2 =	sadd.s32 s2, s17  }
0x8e: {  	[smem:$0x3FC0] =	sst s2  }
0x8f: {  	_ = 	snop  }
0x90: {  	s2 =	sld [smem:$0x3FD0];
	(tm) =	ssettm $0x1  }
0x91: {  	s18 =	sld [smem:$0x3FFB];
	_ =	sdelay $0x3  }
0x92: {  	_ =	strace s18  }
0x93: {  	s3 =	sld [smem:$0x3FFC];
	_ =	sdelay $0x3  }
0x94: {  	_ =	strace s3  }
0x95: {  	s3 =	sld [smem:$0x3FFD];
	_ =	sdelay $0x3  }
0x96: {  	_ =	strace s3  }
0x97: {  	_ =	strace $0x8FFFFFFF  }
0x98: {  	s19 =	sld [smem:$0x3FDB];
	_ =	sdelay $0x1  }
0x99: {  	s4 =	simm.s32 $_scs_section_size  }
0x9a: {  	s5 =	simm.s32 $_size__tile_overlayer_lowered;
	s6 =	simm.s32 $_tile_overlayer_lowered  }
0x9b: {  	s22 =	simm.s32 $0x1BFF;
	s21 =	sshll.u32 s6, $0x1;
	s3 =	sadd.s32 s4, s19  }
0x9c: {  	s7 =	simm.s32 $0x0;
	s20 =	sshll.u32 s5, $0x1;
	s5 =	sadd.s32 s21, s3  }
0x9d: {  	[timem:s7], [sflag:s22] =	dma.local [hbm:s5], s20  }
0x9e: {  	_ =	swait.ge [sflag:s22], s20  }
0x9f: {  	s4 =	ssub.s32 $0x0, s20;
	[sflag:s22] =	ssyncset.done $0x0  }
0xa0: {  	[sflag:s22] =	ssyncadd.s32 s4;
	_ =	sdelay $0x1  }
0xa1: {  	s23 =	simm.s32 $0x1B8B  }
0xa2: {  	_ =	swait.ge [sflag:s23], $0x1  }
0xa3: {  	[sflag:s23] =	ssyncset.done $0x0  }
0xa4: {  	s25 =	simm.s32 $0x1B8E;
	s24 =	sld [smem:$0x3FFE];
	[sflag:s23] =	ssyncadd.s32 $0xFFFFFFFF  }
0xa5: {  	s26 =	simm.s32 $execute0_lowered;
	[smem:$0x3FD2] =	sst s25  }
0xa6: {  	s5 =	sshll.u32 s26, $0x1;
	_ =	strace $0x8000004F;
	[dreg:$0x1] =	wrdreg $0xFFFFFFFF  }
0xa7: {  	s28 =	simm.s32 $_size_execute0_lowered;
	s3 =	sadd.s32 s3, s5;
	[dreg:$0x0] =	wrdreg $0x0  }
0xa8: {  	s5 =	sshll.u32 s28, $0x1;
	[dreg:$0x2] =	wrdreg s3  }
0xa9: {  	[dreg:$0x3] =	wrdreg s5  }
0xaa: {  	[dreg:$0x4] =	wrdreg $0xC0  }
0xab: {  	_ =	task [dreg:s7], $0x5FFFF  }
0xac: {  	[dreg:$0x1] =	wrdreg $0xFFFFFFFF  }
0xad: {  	[dreg:$0x0] =	wrdreg $0x60  }
0xae: {  	[dreg:$0x2] =	wrdreg s24  }
0xaf: {  	[dreg:$0x3] =	wrdreg s2  }
0xb0: {  	[dreg:$0x4] =	wrdreg $0x120000  }
0xb1: {  	[dreg:$0x5] =	wrdreg $0x9  }
0xb2: {  	_ =	task.clear_ibuf [dreg:s7], $0x6FFFF;
	_ =	strace $0x9000004F  }
0xb3: {  	s29 =	simm.s32 $0x9;
	_ =	strace $0x80000051  }
0xb4: {  	_ =	swait.ge [sflag:s29], $0x1  }
0xb5: {  	[sflag:s29] =	ssyncadd.s32 $0xFFFFFFFF  }
0xb6: {  	_ =	strace $0x90000051  }
0xb7: {  	_ =	sfence  }
0xb8: {  	s30 =	sld [smem:$0x0];
	_ =	sdelay $0x2  }
0xb9: {  	s31 =	sshll.u32 s1, $0xD;
	s1 =	sshrl.u32 s1, $0x2  }
0xba: {  	s3 =	sand.u32 $0x4000, s31;
	s1 =	sadd.s32 s1, s30  }
0xbb: {  	s0 =	sor.u32 s3, s0;
	s1 =	sshll.u32 s1, $0x11  }
0xbc: {  	s0 =	sor.u32 s1, s0  }
0xbd: {  	s0 =	sadd.s32 $0x8F2B, s0  }
0xbe: {  	[sflag:s0] =	ssyncadd.remote.s32 $0x1  }
0xbf: {  	_ =	sfence.sel $0xFFFF  }
0xc0: {  	[dreg:$0x0] =	wrdreg $0xFFFFFFFF;
	(pc) =	sbr.abs _section_cstart, $3  }
0xc1: {  	[dreg:$0x1] =	wrdreg $0xFFFFFFFF  }
0xc2: {  	_ =	task.clear_ibuf [dreg:s7], $0x2FFFF;
	_ =	strace $0x9FFFFFFF  }
0xc3: {  	(tm) =	ssettm $0x7FFFFFFF  }
tec
execute0_lowered:
.L_overlay_start_1:
0x0: {  	(tag) =	ssettag $0x1  }
0x1: {  	s0 =	rddreg [dreg:$0x0]  }
0x2: {  	s1 =	rddreg [dreg:$0x1]  }
0x3: {  	s2 =	rddreg [dreg:$0x2];
	s3 =	simm.s32 $0x0  }
0x4: {  	s14 =	stileid.u32;
	s6 =	srdreg.scid;
	s15 =	simm.s32 $0x2  }
0x5: {  	s16 =	simm.s32 $0x80;
	s17 =	simm.s32 $0xA000;
	s18 =	simm.s32 $0xC000  }
0x6: {  	s19 =	simm.s32 $0xE000;
	s20 =	simm.s32 $0x10000;
	s23 =	simm.s32 $0x9E00  }
0x7: {  	s24 =	simm.s32 $0x9E80;
	s28 =	simm.s32 $0x10;
	s29 =	simm.s32 $0x8  }
0x8: {  	s30 =	simm.s32 $0x3;
	s31 =	simm.s32 $0x0;
	s4 =	smul.u32 $0x5000, s14  }
0x9: {  	[smem:$0x7FF] =	sst s3;
	s5 =	smul.u32 $0xA000, s14;
	s13 =	sand.u32 $0x1, s6  }
0xa: {  	s25 =	smul.u32 $0x14000, s14;
	_ =	strace $0x80000050;
	s9 =	sshll.u32 s13, $0x6  }
0xb: {  	s26 =	ssub.s32 $0x2, s13;
	s7 =	sshrl.u32 s4, $0x3;
	s4 =	sadd.s32 $0x4E00, s0  }
0xc: {  	s10 =	sshrl.u32 s5, $0x3;
	s6 =	sor.u32 s9, s25;
	s11 =	sshrl.u32 s26, $0x1  }
0xd: {  	s12 =	sadd.s32 s5, s2;
	s25 =	simm.s32 $0x9F00;
	s8 =	sadd.s32 s7, s0  }
0xe: {  	s10 =	sadd.s32 s10, s0;
	s6 =	sshrl.u32 s6, $0x3;
	s11 =	ssub.s32 s26, s11  }
0xf: {  	s1 =	sadd.s32 s1, s7;
	s12 =	sshrl.u32 s12, $0x3;
	s26 =	simm.s32 $0x9F80  }
0x10: {  	s0 =	sadd.s32 s6, s0;
	s5 =	sadd.s32 $0x46000, s10;
	s6 =	sshll.u32 s14, $0x6  }
0x11: {  	s8 =	sadd.s32 $0x32000, s8;
	s9 =	sadd.s32 $0xA000, s1;
	s11 =	smax.u32 s11, $0x1  }
0x12: {  	v0 =	vmov s13;
	s14 =	simm.s32 $0x1;
	s7 =	sor.u32 $0x1C02, s6;
	s10 =	sadd.s32 $0x5A000, s0  }
.LBB2_1:
0x13: {  	[spmem:s12], [sflag:s7] =	dma.local [hbm:s5], $0x1400  }
0x14: {  	[tilespmem:s3], [sflag:$0x1] =	stream.linear.gather [hbm4b:s8+s3], $0x5000, $0x38;
	[tilespmem:$0x1C000] =	vst v63  }
0x15: {  	s0 =	simm.s32 $0x5000  }
0x16: {  	[tilespmem:s0], [sflag:$0x1] =	stream.linear.gather [hbm4b:s9+s3], $0x5000, $0x38;
	[tilespmem:$0x1C000] =	vst v63  }
0x17: {  	_ =	swait.ge [sflag:s14], $0x5000  }
0x18: {  	[sflag:s14] =	ssyncset.done $0x0  }
0x19: {  	s0 =	simm.s32 $0x0;
	[sflag:s14] =	ssyncadd.s32 $0xFFFFB000  }
0x1a: {  	v3 =	vld [tilespmem:s0+$0x0]  }
0x1b: {  	v5 =	vld [tilespmem:s0+$0x10]  }
0x1c: {  	v4 =	vld [tilespmem:s0+$0x20]  }
0x1d: {  	v2 =	vld [tilespmem:s0+$0x30]  }
0x1e: {  	v1 =	vld [tilespmem:s0+$0x40]  }
0x1f: {  	v6 =	vadd.s32 v0, v3;
	v3 =	vld [tilespmem:s0+$0x50]  }
0x20: {  	s1 =	simm.s32 $0x200;
	[tilespmem:s0+$0x0] =	vst v6;
	v6 =	vadd.s32 v0, v5;
	v5 =	vld [tilespmem:s0+$0x60]  }
.LBB2_2:
0x21: {  	s13 =	sshra.s32 s1, $0x2;
	p0 =	sne.s32 s1, $0x13E00;
	[tilespmem:s0+$0x10] =	vst v6;
	v4 =	vadd.s32 v0, v4;
	v6 =	vld [tilespmem:s0+$0x70]  }
0x22: {  	v7 =	vld [tilespmem:s13+$0x0];
	[tilespmem:s0+$0x20] =	vst v4;
	v2 =	vadd.s32 v0, v2  }
0x23: {  	v8 =	vld [tilespmem:s13+$0x10];
	[tilespmem:s0+$0x30] =	vst v2;
	v1 =	vadd.s32 v0, v1  }
.Ltmp0:
0x24: {  	v4 =	vld [tilespmem:s13+$0x20];
	[tilespmem:s0+$0x40] =	vst v1;
	v1 =	vadd.s32 v0, v3;
	(pc) =	sbr.rel @p0 .LBB2_2-.Ltmp0, $4  }
0x25: {  	v2 =	vld [tilespmem:s13+$0x30];
	[tilespmem:s0+$0x50] =	vst v1;
	v3 =	vadd.s32 v0, v5  }
0x26: {  	v1 =	vld [tilespmem:s13+$0x40];
	[tilespmem:s0+$0x60] =	vst v3;
	v5 =	vadd.s32 v0, v6  }
0x27: {  	v6 =	vadd.s32 v0, v7;
	v3 =	vld [tilespmem:s13+$0x50];
	[tilespmem:s0+$0x70] =	vst v5;
	s0 =	smov.u32 s13  }
0x28: {  	s1 =	sadd.s32 $0x200, s1;
	[tilespmem:s0+$0x0] =	vst v6;
	v6 =	vadd.s32 v0, v8;
	v5 =	vld [tilespmem:s0+$0x60]  }
0x29: {  	[tilespmem:s0+$0x10] =	vst v6;
	v4 =	vadd.s32 v0, v4;
	v63 =	vld [tilespmem:s0+$0x70]  }
0x2a: {  	[tilespmem:s0+$0x20] =	vst v4;
	v2 =	vadd.s32 v0, v2  }
0x2b: {  	[tilespmem:s0+$0x30] =	vst v2;
	v1 =	vadd.s32 v0, v1  }
0x2c: {  	[tilespmem:s0+$0x40] =	vst v1;
	v1 =	vadd.s32 v0, v3  }
0x2d: {  	[tilespmem:s0+$0x50] =	vst v1;
	v1 =	vadd.s32 v0, v5  }
0x2e: {  	[tilespmem:s0+$0x60] =	vst v1;
	v1 =	vadd.s32 v0, v63  }
0x2f: {  	[tilespmem:s0+$0x70] =	vst v1  }
0x30: {  	_ =	swait.ge [sflag:s14], $0x5000  }
0x31: {  	[sflag:s14] =	ssyncset.done $0x0  }
0x32: {  	[sflag:s14] =	ssyncadd.s32 $0xFFFFB000  }
0x33: {  	_ =	swait.ge [sflag:s15], $0x1400  }
0x34: {  	[sflag:s15] =	ssyncset.done $0x0  }
0x35: {  	[sflag:s15] =	ssyncadd.s32 $0xFFFFEC00  }
0x36: {  	s22 =	simm.s32 $0x0;
	[bflag:$0x0] =	sbarrier.arrive $0xFFFF  }
0x37: {  	[tilespmem:s17], [sflag:$0x1] =	stream.indirect.gather [hbm4b:s4+s16], $0x40, s22, s16, $0xb8;
	[tilespmem:$0x1C000] =	vst v63  }
0x38: {  	_ = 	snop  }
0x39: {  	[tilespmem:s18], [sflag:$0x1] =	stream.indirect.gather [hbm4b:s4+s16], $0x40, s16, s16, $0xb8;
	[tilespmem:$0x1C000] =	vst v63  }
0x3a: {  	s1 =	simm.s32 $0x100  }
0x3b: {  	[tilespmem:s19], [sflag:$0x1] =	stream.indirect.gather [hbm4b:s4+s16], $0x40, s1, s16, $0xb8;
	[tilespmem:$0x1C000] =	vst v63  }
0x3c: {  	s13 =	simm.s32 $0x180  }
0x3d: {  	[tilespmem:s20], [sflag:$0x1] =	stream.indirect.gather [hbm4b:s4+s16], $0x40, s13, s16, $0xb8;
	[tilespmem:$0x1C000] =	vst v63  }
0x3e: {  	_ =	swait.ge [sflag:s14], $0x2000  }
0x3f: {  	[sflag:s14] =	ssyncset.done $0x0  }
0x40: {  	[sflag:s14] =	ssyncadd.s32 $0xFFFFE000  }
0x41: {  	_ =	swait.ge [sflag:s14], $0x2000  }
0x42: {  	[sflag:s14] =	ssyncset.done $0x0  }
0x43: {  	s21 =	simm.s32 $0x5000;
	[sflag:s14] =	ssyncadd.s32 $0xFFFFE000  }
0x44: {  	[spmem:s2] =	stream.indirect.scatter.add.f32 [tilespmem:s17], [sflag:$0x2], $0x40, s21, s16, $0xb8;
	[tilespmem:$0x1C000] =	vst v63  }
0x45: {  	s22 =	simm.s32 $0x5080  }
0x46: {  	[spmem:s2] =	stream.indirect.scatter.add.f32 [tilespmem:s18], [sflag:$0x2], $0x40, s22, s16, $0xb8;
	[tilespmem:$0x1C000] =	vst v63  }
0x47: {  	_ =	swait.ge [sflag:s15], $0x2000  }
0x48: {  	[sflag:s15] =	ssyncset.done $0x0  }
0x49: {  	[sflag:s15] =	ssyncadd.s32 $0xFFFFE000  }
0x4a: {  	_ =	swait.ge [sflag:s15], $0x2000  }
0x4b: {  	[sflag:s15] =	ssyncset.done $0x0  }
0x4c: {  	s1 =	simm.s32 $0x200;
	[sflag:s15] =	ssyncadd.s32 $0xFFFFE000  }
0x4d: {  	[tilespmem:s17], [sflag:$0x1] =	stream.indirect.gather [hbm4b:s4+s16], $0x40, s1, s16, $0xb8;
	[tilespmem:$0x1C000] =	vst v63  }
0x4e: {  	s13 =	simm.s32 $0x280  }
0x4f: {  	[tilespmem:s18], [sflag:$0x1] =	stream.indirect.gather [hbm4b:s4+s16], $0x40, s13, s16, $0xb8;
	[tilespmem:$0x1C000] =	vst v63  }
0x50: {  	_ =	swait.ge [sflag:s14], $0x2000  }
0x51: {  	[sflag:s14] =	ssyncset.done $0x0  }
0x52: {  	[sflag:s14] =	ssyncadd.s32 $0xFFFFE000  }
0x53: {  	_ =	swait.ge [sflag:s14], $0x2000  }
0x54: {  	[sflag:s14] =	ssyncset.done $0x0  }
0x55: {  	s21 =	simm.s32 $0x5100;
	[sflag:s14] =	ssyncadd.s32 $0xFFFFE000  }
0x56: {  	[spmem:s2] =	stream.indirect.scatter.add.f32 [tilespmem:s19], [sflag:$0x2], $0x40, s21, s16, $0xb8;
	[tilespmem:$0x1C000] =	vst v63  }
0x57: {  	s22 =	simm.s32 $0x5180  }
0x58: {  	[spmem:s2] =	stream.indirect.scatter.add.f32 [tilespmem:s20], [sflag:$0x2], $0x40, s22, s16, $0xb8;
	[tilespmem:$0x1C000] =	vst v63  }
0x59: {  	_ =	swait.ge [sflag:s15], $0x2000  }
0x5a: {  	[sflag:s15] =	ssyncset.done $0x0  }
0x5b: {  	[sflag:s15] =	ssyncadd.s32 $0xFFFFE000  }
0x5c: {  	_ =	swait.ge [sflag:s15], $0x2000  }
0x5d: {  	s0 =	simm.s32 $0x200;
	s1 =	simm.s32 $0x1000;
	[sflag:s15] =	ssyncset.done $0x0  }
.LBB2_4:
0x5e: {  	s22 =	sadd.s32 $0x100, s0  }
0x5f: {  	[sflag:s15] =	ssyncadd.s32 $0xFFFFE000;
	s13 =	smov.u32 s1;
	s21 =	sadd.s32 $0x800, s1  }
0x60: {  	[tilespmem:s19], [sflag:$0x1] =	stream.indirect.gather [hbm4b:s4+s16], $0x40, s22, s16, $0xb8;
	[tilespmem:$0x1C000] =	vst v63  }
0x61: {  	p0 =	sne.s32 s1, $0x13000;
	s1 =	sadd.s32 $0x180, s0  }
0x62: {  	[tilespmem:s20], [sflag:$0x1] =	stream.indirect.gather [hbm4b:s4+s16], $0x40, s1, s16, $0xb8;
	[tilespmem:$0x1C000] =	vst v63  }
0x63: {  	_ =	swait.ge [sflag:s14], $0x2000  }
0x64: {  	[sflag:s14] =	ssyncset.done $0x0  }
0x65: {  	[sflag:s14] =	ssyncadd.s32 $0xFFFFE000  }
0x66: {  	_ =	swait.ge [sflag:s14], $0x2000  }
0x67: {  	[sflag:s14] =	ssyncset.done $0x0  }
0x68: {  	s1 =	sadd.s32 $0x5000, s0;
	[sflag:s14] =	ssyncadd.s32 $0xFFFFE000  }
0x69: {  	[spmem:s2] =	stream.indirect.scatter.add.f32 [tilespmem:s17], [sflag:$0x2], $0x40, s1, s16, $0xb8;
	[tilespmem:$0x1C000] =	vst v63  }
0x6a: {  	s1 =	sadd.s32 $0x5080, s0  }
0x6b: {  	[spmem:s2] =	stream.indirect.scatter.add.f32 [tilespmem:s18], [sflag:$0x2], $0x40, s1, s16, $0xb8;
	[tilespmem:$0x1C000] =	vst v63  }
0x6c: {  	_ =	swait.ge [sflag:s15], $0x2000  }
0x6d: {  	[sflag:s15] =	ssyncset.done $0x0  }
0x6e: {  	[sflag:s15] =	ssyncadd.s32 $0xFFFFE000  }
0x6f: {  	_ =	swait.ge [sflag:s15], $0x2000  }
0x70: {  	[sflag:s15] =	ssyncset.done $0x0  }
0x71: {  	s1 =	sadd.s32 $0x200, s0;
	[sflag:s15] =	ssyncadd.s32 $0xFFFFE000  }
0x72: {  	[tilespmem:s17], [sflag:$0x1] =	stream.indirect.gather [hbm4b:s4+s16], $0x40, s1, s16, $0xb8;
	[tilespmem:$0x1C000] =	vst v63  }
0x73: {  	s1 =	sadd.s32 $0x280, s0  }
0x74: {  	[tilespmem:s18], [sflag:$0x1] =	stream.indirect.gather [hbm4b:s4+s16], $0x40, s1, s16, $0xb8;
	[tilespmem:$0x1C000] =	vst v63  }
0x75: {  	_ =	swait.ge [sflag:s14], $0x2000  }
0x76: {  	[sflag:s14] =	ssyncset.done $0x0  }
0x77: {  	[sflag:s14] =	ssyncadd.s32 $0xFFFFE000  }
0x78: {  	_ =	swait.ge [sflag:s14], $0x2000  }
0x79: {  	[sflag:s14] =	ssyncset.done $0x0  }
0x7a: {  	s1 =	sadd.s32 $0x5100, s0;
	[sflag:s14] =	ssyncadd.s32 $0xFFFFE000  }
0x7b: {  	[spmem:s2] =	stream.indirect.scatter.add.f32 [tilespmem:s19], [sflag:$0x2], $0x40, s1, s16, $0xb8;
	[tilespmem:$0x1C000] =	vst v63  }
0x7c: {  	s0 =	sadd.s32 $0x5180, s0  }
0x7d: {  	[spmem:s2] =	stream.indirect.scatter.add.f32 [tilespmem:s20], [sflag:$0x2], $0x40, s0, s16, $0xb8;
	[tilespmem:$0x1C000] =	vst v63  }
.Ltmp1:
0x7e: {  	_ =	swait.ge [sflag:s15], $0x2000;
	(pc) =	sbr.rel @p0 .LBB2_4-.Ltmp1, $4  }
0x7f: {  	[sflag:s15] =	ssyncset.done $0x0  }
0x80: {  	[sflag:s15] =	ssyncadd.s32 $0xFFFFE000  }
0x81: {  	_ =	swait.ge [sflag:s15], $0x2000  }
0x82: {  	s1 =	smov.u32 s21;
	s0 =	sshra.s32 s13, $0x2;
	[sflag:s15] =	ssyncset.done $0x0  }
0x83: {  	s1 =	sadd.s32 $0x100, s0;
	[sflag:s15] =	ssyncadd.s32 $0xFFFFE000  }
0x84: {  	[tilespmem:s19], [sflag:$0x1] =	stream.indirect.gather [hbm4b:s4+s16], $0x40, s1, s16, $0xb8;
	[tilespmem:$0x1C000] =	vst v63  }
0x85: {  	s13 =	sadd.s32 $0x180, s0  }
0x86: {  	[tilespmem:s20], [sflag:$0x1] =	stream.indirect.gather [hbm4b:s4+s16], $0x40, s13, s16, $0xb8;
	[tilespmem:$0x1C000] =	vst v63  }
0x87: {  	_ =	swait.ge [sflag:s14], $0x2000  }
0x88: {  	[sflag:s14] =	ssyncset.done $0x0  }
0x89: {  	[sflag:s14] =	ssyncadd.s32 $0xFFFFE000  }
0x8a: {  	_ =	swait.ge [sflag:s14], $0x2000  }
0x8b: {  	[sflag:s14] =	ssyncset.done $0x0  }
0x8c: {  	s21 =	sadd.s32 $0x5000, s0;
	[sflag:s14] =	ssyncadd.s32 $0xFFFFE000  }
0x8d: {  	[spmem:s2] =	stream.indirect.scatter.add.f32 [tilespmem:s17], [sflag:$0x2], $0x40, s21, s16, $0xb8;
	[tilespmem:$0x1C000] =	vst v63  }
0x8e: {  	s22 =	sadd.s32 $0x5080, s0  }
0x8f: {  	[spmem:s2] =	stream.indirect.scatter.add.f32 [tilespmem:s18], [sflag:$0x2], $0x40, s22, s16, $0xb8;
	[tilespmem:$0x1C000] =	vst v63  }
0x90: {  	_ =	swait.ge [sflag:s15], $0x2000  }
0x91: {  	[sflag:s15] =	ssyncset.done $0x0  }
0x92: {  	[sflag:s15] =	ssyncadd.s32 $0xFFFFE000  }
0x93: {  	_ =	swait.ge [sflag:s15], $0x2000  }
0x94: {  	[sflag:s15] =	ssyncset.done $0x0  }
0x95: {  	s13 =	sadd.s32 $0x200, s0;
	[sflag:s15] =	ssyncadd.s32 $0xFFFFE000  }
0x96: {  	[tilespmem:s17], [sflag:$0x1] =	stream.indirect.gather [hbm4b:s4+s16], $0x40, s13, s16, $0xb8;
	[tilespmem:$0x1C000] =	vst v63  }
0x97: {  	s21 =	sadd.s32 $0x280, s0  }
0x98: {  	[tilespmem:s18], [sflag:$0x1] =	stream.indirect.gather [hbm4b:s4+s16], $0x40, s21, s16, $0xb8;
	[tilespmem:$0x1C000] =	vst v63  }
0x99: {  	_ =	swait.ge [sflag:s14], $0x2000  }
0x9a: {  	[sflag:s14] =	ssyncset.done $0x0  }
0x9b: {  	[sflag:s14] =	ssyncadd.s32 $0xFFFFE000  }
0x9c: {  	_ =	swait.ge [sflag:s14], $0x2000  }
0x9d: {  	[sflag:s14] =	ssyncset.done $0x0  }
0x9e: {  	s22 =	sadd.s32 $0x5100, s0;
	[sflag:s14] =	ssyncadd.s32 $0xFFFFE000  }
0x9f: {  	[spmem:s2] =	stream.indirect.scatter.add.f32 [tilespmem:s19], [sflag:$0x2], $0x40, s22, s16, $0xb8;
	[tilespmem:$0x1C000] =	vst v63  }
0xa0: {  	s1 =	sadd.s32 $0x5180, s0  }
0xa1: {  	[spmem:s2] =	stream.indirect.scatter.add.f32 [tilespmem:s20], [sflag:$0x2], $0x40, s1, s16, $0xb8;
	[tilespmem:$0x1C000] =	vst v63  }
0xa2: {  	_ =	swait.ge [sflag:s15], $0x2000  }
0xa3: {  	[sflag:s15] =	ssyncset.done $0x0  }
0xa4: {  	[sflag:s15] =	ssyncadd.s32 $0xFFFFE000  }
0xa5: {  	_ =	swait.ge [sflag:s15], $0x2000  }
0xa6: {  	[sflag:s15] =	ssyncset.done $0x0  }
0xa7: {  	s13 =	simm.s32 $0x4F00;
	[sflag:s15] =	ssyncadd.s32 $0xFFFFE000  }
0xa8: {  	[tilespmem:s19], [sflag:$0x1] =	stream.indirect.gather [hbm4b:s4+s16], $0x40, s13, s16, $0xb8;
	[tilespmem:$0x1C000] =	vst v63  }
0xa9: {  	s21 =	simm.s32 $0x4F80  }
0xaa: {  	[tilespmem:s20], [sflag:$0x1] =	stream.indirect.gather [hbm4b:s4+s16], $0x40, s21, s16, $0xb8;
	[tilespmem:$0x1C000] =	vst v63  }
0xab: {  	_ =	swait.ge [sflag:s14], $0x2000  }
0xac: {  	[sflag:s14] =	ssyncset.done $0x0  }
0xad: {  	[sflag:s14] =	ssyncadd.s32 $0xFFFFE000  }
0xae: {  	_ =	swait.ge [sflag:s14], $0x2000  }
0xaf: {  	[sflag:s14] =	ssyncset.done $0x0  }
0xb0: {  	[sflag:s14] =	ssyncadd.s32 $0xFFFFE000  }
0xb1: {  	[spmem:s2] =	stream.indirect.scatter.add.f32 [tilespmem:s17], [sflag:$0x2], $0x40, s23, s16, $0xb8;
	[tilespmem:$0x1C000] =	vst v63  }
0xb2: {  	_ = 	snop  }
0xb3: {  	[spmem:s2] =	stream.indirect.scatter.add.f32 [tilespmem:s18], [sflag:$0x2], $0x40, s24, s16, $0xb8;
	[tilespmem:$0x1C000] =	vst v63  }
0xb4: {  	_ =	swait.ge [sflag:s15], $0x2000  }
0xb5: {  	[sflag:s15] =	ssyncset.done $0x0  }
0xb6: {  	[sflag:s15] =	ssyncadd.s32 $0xFFFFE000  }
0xb7: {  	_ =	swait.ge [sflag:s15], $0x2000  }
0xb8: {  	[sflag:s15] =	ssyncset.done $0x0  }
0xb9: {  	[sflag:s15] =	ssyncadd.s32 $0xFFFFE000  }
0xba: {  	_ =	swait.ge [sflag:s14], $0x2000  }
0xbb: {  	[sflag:s14] =	ssyncset.done $0x0  }
0xbc: {  	[sflag:s14] =	ssyncadd.s32 $0xFFFFE000  }
0xbd: {  	_ =	swait.ge [sflag:s14], $0x2000  }
0xbe: {  	[sflag:s14] =	ssyncset.done $0x0  }
0xbf: {  	[sflag:s14] =	ssyncadd.s32 $0xFFFFE000  }
0xc0: {  	[spmem:s2] =	stream.indirect.scatter.add.f32 [tilespmem:s19], [sflag:$0x2], $0x40, s25, s16, $0xb8;
	[tilespmem:$0x1C000] =	vst v63  }
0xc1: {  	_ = 	snop  }
0xc2: {  	[spmem:s2] =	stream.indirect.scatter.add.f32 [tilespmem:s20], [sflag:$0x2], $0x40, s26, s16, $0xb8;
	[tilespmem:$0x1C000] =	vst v63  }
0xc3: {  	_ =	swait.ge [sflag:s15], $0x2000  }
0xc4: {  	[sflag:s15] =	ssyncset.done $0x0  }
0xc5: {  	[sflag:s15] =	ssyncadd.s32 $0xFFFFE000  }
0xc6: {  	_ =	swait.ge [sflag:s15], $0x2000  }
0xc7: {  	s31 =	sadd.s32 $0x1, s31;
	[sflag:s15] =	ssyncset.done $0x0  }
0xc8: {  	p0 =	sne.s32 s31, s11;
	[sflag:s15] =	ssyncadd.s32 $0xFFFFE000  }
.Ltmp2:
0xc9: {  	s22 =	sor.u32 $0x1C03, s6;
	[bflag:$0x0] =	sbarrier.arrive $0xFFFF;
	(pc) =	sbr.rel @p0 .LBB2_1-.Ltmp2, $4  }
0xca: {  	[hbm:s10@s28], [sflag:s22] =	dma.strided [spmem:s12@s29], $0x1400, s14, $0x8   }
0xcb: {  	_ =	swait.ge [sflag:s30], $0x1400  }
0xcc: {  	[sflag:s30] =	ssyncset.done $0x0  }
0xcd: {  	[sflag:s30] =	ssyncadd.s32 $0xFFFFEC00  }
0xce: {  	_ =	sfence.sel $0x180000  }
0xcf: {  	[bflag:$0x0] =	sbarrier.arrive $0xFFFF  }
0xd0: {  	_ =	strace $0x90000050  }
0xd1: {  	s0 =	stileid.u32;
	[bflag:$0x2] =	sbarrier.arrive $0xFFFF  }
0xd2: {  	p0 =	sne.s32 s0, $0x0;
	s0 =	rddreg [dreg:$0x3]  }
0xd3: {  	s0 =	sadd.s32 @!p0 $0x100000, s0  }
0xd4: {  	[sflag:s0] =	ssyncadd.tile.s32 @!p0 $0x1;
	_ =	shalt  }
.Lfunc_end2:
_tile_overlayer_lowered:
.L_overlay_start_2:
0xd5: {  	(tag) =	ssettag $0x2  }
0xd6: {  	s0 =	rddreg [dreg:$0x0];
	s2 =	stileid.u32  }
0xd7: {  	s1 =	rddreg [dreg:$0x1];
	p0 =	sne.s32 s2, $0x0  }
0xd8: {  	s3 =	rddreg [dreg:$0x2];
	[bflag:$0x3] =	sbarrier.arrive $0xFFFF;
	s2 =	simm.s32 @!p0 $0x1C03  }
0xd9: {  	[timem:s3], [sflag:s2] =	dma.local @!p0 [hbm:s0], s1  }
0xda: {  	s0 =	simm.s32 @!p0 $0x3  }
0xdb: {  	_ =	swait.ge @!p0 [sflag:s0], s1  }
0xdc: {  	s1 =	ssub.s32 @!p0 $0x0, s1;
	[sflag:s0] =	ssyncset.done @!p0 $0x0  }
0xdd: {  	[sflag:s0] =	ssyncadd.s32 @!p0 s1  }
0xde: {  	[bflag:$0x3] =	sbarrier.arrive $0xFFFF  }
0xdf: {  	_ =	shalt  }

</sc_bundles>
